<compile_context>
chip_gen: v7x
topology: tpu7x:2x2x1
jax: 0.10.2.dev20260603
libtpu: 0.0.44.dev20260713+nightly
codegen_flags: <defaults>
</compile_context>

<pallas_src>
import functools

import jax
import jax.numpy as jnp
from jax import lax
from jax.experimental import pallas as pl
from jax.experimental.pallas import tpu as pltpu
from jax.experimental.pallas import tpu_sc as plsc

N = 10000
NH = 128
E = 160000
NT = 10112
ZR = N
CH = 128
TPC = 80
EPAD = 16 * TPC * CH
NACC = 10112
RPT = NACC // 16
IB = 40

_f32 = jnp.float32


def _make_edge_pass(name):
    mesh = plsc.VectorSubcoreMesh(core_axis_name="c", subcore_axis_name="s")

    @functools.partial(
        pl.kernel,
        out_type=jax.ShapeDtypeStruct((2, N, 128), _f32),
        mesh=mesh,
        scratch_types=[
            pltpu.VMEM((IB, CH), jnp.int32),
            pltpu.VMEM((IB, CH), jnp.int32),
            pltpu.VMEM((CH, 128), _f32),
            pltpu.VMEM((CH, 128), _f32),
            pltpu.VMEM_SHARED((NACC, 128), _f32),
            pltpu.SemaphoreType.DMA,
            pltpu.SemaphoreType.DMA,
        ],
        name=name,
    )
    def edge_pass(tab0, tab1, zeros_hbm, rowidx, colidx, out,
                  row_v, col_v, buf0, buf1, acc, sem0, sem1):
        c = lax.axis_index("c")
        s = lax.axis_index("s")
        base = s * RPT
        pltpu.sync_copy(zeros_hbm, acc.at[pl.ds(base, RPT)])
        plsc.subcore_barrier()

        def run(tab):
            for b in range(TPC // IB):
                pltpu.sync_copy(rowidx.at[s, pl.ds(b * IB, IB)], row_v)
                pltpu.sync_copy(colidx.at[s, pl.ds(b * IB, IB)], col_v)
                pltpu.async_copy(tab.at[col_v.at[0]], buf0, sem0)

                def body(k, carry):
                    j0 = 2 * k
                    h1 = pltpu.async_copy(tab.at[col_v.at[j0 + 1]], buf1, sem1)
                    pltpu.make_async_copy(tab.at[pl.ds(0, CH)], buf0, sem0).wait()
                    pltpu.sync_copy(buf0, acc.at[row_v.at[j0]], add=True)

                    @pl.when(k < IB // 2 - 1)
                    def _():
                        pltpu.async_copy(tab.at[col_v.at[j0 + 2]], buf0, sem0)

                    h1.wait()
                    pltpu.sync_copy(buf1, acc.at[row_v.at[j0 + 1]], add=True)
                    return carry

                lax.fori_loop(0, IB // 2, body, 0)

        @pl.when(c == 0)
        def _():
            run(tab0)

        @pl.when(c == 1)
        def _():
            run(tab1)

        plsc.subcore_barrier()

        @pl.when(s < 15)
        def _():
            pltpu.sync_copy(acc.at[pl.ds(base, RPT)], out.at[c, pl.ds(base, RPT)])

        @pl.when(s == 15)
        def _():
            pltpu.sync_copy(acc.at[pl.ds(15 * RPT, N - 15 * RPT)],
                            out.at[c, pl.ds(15 * RPT, N - 15 * RPT)])

    return edge_pass


_edge_pass_att = _make_edge_pass("att_edge_pass")


def _make_split_pass(name):
    mesh = plsc.VectorSubcoreMesh(core_axis_name="c", subcore_axis_name="s")

    @functools.partial(
        pl.kernel,
        out_type=jax.ShapeDtypeStruct((2, N, 128), _f32),
        mesh=mesh,
        scratch_types=[
            pltpu.VMEM((IB, CH), jnp.int32),
            pltpu.VMEM((IB, CH), jnp.int32),
            pltpu.VMEM((CH, 128), _f32),
            pltpu.VMEM((CH, 128), _f32),
            pltpu.VMEM_SHARED((NACC, 128), _f32),
            pltpu.SemaphoreType.DMA,
            pltpu.SemaphoreType.DMA,
        ],
        name=name,
    )
    def scalar_pass(tab, zeros_hbm, rowidx, colidx, out,
                    row_v, col_v, buf0, buf1, acc, sem0, sem1):
        c = lax.axis_index("c")
        s = lax.axis_index("s")
        base = s * RPT
        pltpu.sync_copy(zeros_hbm, acc.at[pl.ds(base, RPT)])
        plsc.subcore_barrier()

        pltpu.sync_copy(rowidx.at[c, s], row_v)
        pltpu.sync_copy(colidx.at[c, s], col_v)
        pltpu.async_copy(tab.at[col_v.at[0]], buf0, sem0)

        def body(k, carry):
            j0 = 2 * k
            h1 = pltpu.async_copy(tab.at[col_v.at[j0 + 1]], buf1, sem1)
            pltpu.make_async_copy(tab.at[pl.ds(0, CH)], buf0, sem0).wait()
            pltpu.sync_copy(buf0, acc.at[row_v.at[j0]], add=True)

            @pl.when(k < IB // 2 - 1)
            def _():
                pltpu.async_copy(tab.at[col_v.at[j0 + 2]], buf0, sem0)

            h1.wait()
            pltpu.sync_copy(buf1, acc.at[row_v.at[j0 + 1]], add=True)
            return carry

        lax.fori_loop(0, IB // 2, body, 0)

        plsc.subcore_barrier()

        @pl.when(s < 15)
        def _():
            pltpu.sync_copy(acc.at[pl.ds(base, RPT)], out.at[c, pl.ds(base, RPT)])

        @pl.when(s == 15)
        def _():
            pltpu.sync_copy(acc.at[pl.ds(15 * RPT, N - 15 * RPT)],
                            out.at[c, pl.ds(15 * RPT, N - 15 * RPT)])

    return scalar_pass


_gcn_pass = _make_split_pass("gcn_edge_pass")
_scalar_pass = _make_split_pass("scalar_edge_pass")


def _k3_body(aggx_ref, gcw_ref, gctw_ref, gcb_ref, gctb_ref, a_ref,
             tabu_ref, tabt_ref, tabs_ref, repo_ref, g_ref, misc_ref):
    aggx = aggx_ref[0] + aggx_ref[1]
    rep_o = jnp.maximum(
        jnp.dot(aggx, gcw_ref[...], preferred_element_type=_f32)
        + gcb_ref[...], 0.0)
    rep_t = jnp.maximum(
        jnp.dot(aggx, gctw_ref[...], preferred_element_type=_f32)
        + gctb_ref[...], 0.0)
    a = a_ref[...]
    s1 = (jnp.dot(rep_o, a[0:128], preferred_element_type=_f32)
          + jnp.dot(rep_t, a[128:256], preferred_element_type=_f32))
    s2 = (jnp.dot(rep_o, a[256:384], preferred_element_type=_f32)
          + jnp.dot(rep_t, a[384:512], preferred_element_type=_f32))
    c = jnp.max(s2)
    e2 = jnp.exp(s2 - c)
    u = e2 * rep_t
    cid = lax.broadcasted_iota(jnp.int32, (N, 128), 1)
    sc = jnp.where(cid == 0, e2, jnp.where(cid == 1, 1.0, 0.0))
    zpad = jnp.zeros((NT - N, 128), _f32)
    tabu_ref[0:N, :] = u
    tabu_ref[N:NT, :] = zpad
    tabt_ref[0:N, :] = rep_t
    tabt_ref[N:NT, :] = zpad
    tabs_ref[0:N, :] = sc
    tabs_ref[N:NT, :] = zpad
    repo_ref[...] = rep_o
    g_ref[...] = s1 + c
    t_sum = jnp.sum(rep_t, axis=0, keepdims=True)
    misc_ref[...] = jnp.broadcast_to(t_sum, (8, 128))


def _k3(aggx, gc_W, gct_W, gc_b, gct_b, a):
    return pl.pallas_call(
        _k3_body,
        out_shape=[
            jax.ShapeDtypeStruct((NT, 128), _f32),
            jax.ShapeDtypeStruct((NT, 128), _f32),
            jax.ShapeDtypeStruct((NT, 128), _f32),
            jax.ShapeDtypeStruct((N, 128), _f32),
            jax.ShapeDtypeStruct((N, 1), _f32),
            jax.ShapeDtypeStruct((8, 128), _f32),
        ],
    )(aggx, gc_W, gct_W, gc_b.reshape(1, 128), gct_b.reshape(1, 128), a)


def _k5_body(att_ref, att2_ref, rept_ref, repo_ref, g_ref, misc_ref, t_ref,
             ppw_ref, ppb_ref, pp2w_ref, pp2b_ref,
             o00w_ref, o00b_ref, o10w_ref, o10b_ref,
             o01w_ref, o01b_ref, o11w_ref, o11b_ref,
             y_ref, out2_ref, treat_ref):
    v = att_ref[0]
    wm = att_ref[1]
    z = att2_ref[0, :, 0:1] + att2_ref[1, :, 0:1]
    deg = att2_ref[0, :, 1:2] + att2_ref[1, :, 1:2]
    g = g_ref[...]
    m = jnp.maximum(g, 0.0)
    amp = jnp.exp(0.0 - m)
    bmp = jnp.exp(g - m)
    t_sum = misc_ref[0:1, :]
    denom = (float(N) - deg) * amp + bmp * z
    out2 = (amp * (t_sum - wm) + bmp * v) / denom + repo_ref[...]
    out2_ref[...] = out2
    rep_t = rept_ref[...]
    tm = jnp.dot(rep_t, ppw_ref[...], preferred_element_type=_f32) + ppb_ref[...]
    logits = jnp.dot(tm, pp2w_ref[...], preferred_element_type=_f32) + pp2b_ref[...]
    treat_ref[...] = jax.nn.sigmoid(logits)
    y00 = jnp.maximum(jnp.dot(out2, o00w_ref[...], preferred_element_type=_f32)
                      + o00b_ref[...], 0.0)
    y0 = jnp.dot(y00, o01w_ref[...], preferred_element_type=_f32) + o01b_ref[...]
    y10 = jnp.maximum(jnp.dot(out2, o10w_ref[...], preferred_element_type=_f32)
                      + o10b_ref[...], 0.0)
    y1 = jnp.dot(y10, o11w_ref[...], preferred_element_type=_f32) + o11b_ref[...]
    y_ref[...] = jnp.where(t_ref[...] > 0, y1, y0)


def _k5(att, att2, rep_t, rep_o, g, misc, t2, pp_W, pp_b, pp2_W, pp2_b,
        o00_W, o00_b, o10_W, o10_b, o01_W, o01_b, o11_W, o11_b):
    nb = 10
    br = N // nb
    row_specs = lambda wdt: pl.BlockSpec((br, wdt), lambda i: (i, 0))
    pair_spec = pl.BlockSpec((2, br, 128), lambda i: (0, i, 0))
    full = lambda shape: pl.BlockSpec(shape, lambda i: tuple(0 for _ in shape))
    return pl.pallas_call(
        _k5_body,
        grid=(nb,),
        in_specs=[
            pair_spec, pair_spec,
            row_specs(128), row_specs(128), row_specs(1),
            full((8, 128)), row_specs(1),
            full((128, 128)), full((1, 128)), full((128, 2)), full((1, 2)),
            full((128, 128)), full((1, 128)), full((128, 128)), full((1, 128)),
            full((128, 1)), full((1, 1)), full((128, 1)), full((1, 1)),
        ],
        out_specs=[row_specs(1), row_specs(128), row_specs(2)],
        out_shape=[
            jax.ShapeDtypeStruct((N, 1), _f32),
            jax.ShapeDtypeStruct((N, 128), _f32),
            jax.ShapeDtypeStruct((N, 2), _f32),
        ],
    )(att, att2, rep_t, rep_o, g, misc, t2,
      pp_W, pp_b.reshape(1, 128), pp2_W, pp2_b.reshape(1, 2),
      o00_W, o00_b.reshape(1, 128), o10_W, o10_b.reshape(1, 128),
      o01_W, o01_b.reshape(1, 1), o11_W, o11_b.reshape(1, 1))


def kernel(x, edge_index, t, gc_W, gc_b, gct_W, gct_b, a, pp_W, pp_b, pp2_W, pp2_b, o00_W, o00_b, o10_W, o10_b, o01_W, o01_b, o11_W, o11_b):
    row = edge_index[0]
    col = edge_index[1]
    npad = EPAD - E

    pad_row = N + (jnp.arange(npad, dtype=jnp.int32) % (NACC - N))
    pad_col = jnp.arange(npad, dtype=jnp.int32) % (NACC - N)
    trash_e = N + (jnp.arange(E, dtype=jnp.int32) % (NACC - N))

    row_raw = jnp.concatenate([row, pad_row])
    col_raw = jnp.concatenate([col, pad_col])
    rowidx_gcn = row_raw.reshape(2, 16, IB, CH)
    col_gcn = col_raw.reshape(2, 16, IB, CH)

    key = (row * N + col
           + jnp.minimum(row_raw[0], 0)
           + jnp.minimum(col_raw[0], 0))
    ks = jnp.sort(key)
    rs = ks // N
    cs = ks - rs * N
    dup = jnp.concatenate([jnp.zeros((1,), bool), ks[1:] == ks[:-1]])
    rse = jnp.where(dup, trash_e, rs)

    rs_p = jnp.concatenate([rse, pad_row])
    cse_p = jnp.concatenate([cs, pad_col])
    rowidx = rs_p.reshape(16, TPC, CH)
    col_att = cse_p.reshape(16, TPC, CH)
    rowidx_h = rs_p.reshape(2, 16, IB, CH)
    col_att_h = cse_p.reshape(2, 16, IB, CH)

    zeros128 = jnp.zeros((RPT, 128), _f32)

    aggx = _gcn_pass(x, zeros128, rowidx_gcn, col_gcn)
    tab_u, tab_t, tab_s, rep_o, g, misc = _k3(aggx, gc_W, gct_W, gc_b, gct_b, a)
    att = _edge_pass_att(tab_u, tab_t, zeros128, rowidx, col_att)
    att2 = _scalar_pass(tab_s, zeros128, rowidx_h, col_att_h)

    rep_t = tab_t[0:N, :]
    y2, out2, treat = _k5(att, att2, rep_t, rep_o, g, misc, t.reshape(N, 1),
                          pp_W, pp_b, pp2_W, pp2_b,
                          o00_W, o00_b, o10_W, o10_b,
                          o01_W, o01_b, o11_W, o11_b)
    return (y2.reshape(-1), out2, treat)

# --- scband reference (transcript-rebuilt; emitter-appended) ---
"""Pipeline reference for scband-gcn-deconf-33827162423508 (READ-ONLY COPY).

The authoritative reference and input builder live on the scoring server;
editing this copy changes nothing except your own understanding.
"""

import jax, jax.numpy as jnp
import numpy as np

N = 10000
E = 160000
NFEAT = 128
NHID = 128


def setup_inputs(seed: int = 0) -> dict:
    key = jax.random.key(seed)
    ks = jax.random.split(key, 24)
    def unif(k, shape, s):
        return jax.random.uniform(k, shape, jnp.float32, -s, s)
    sg = 1.0 / np.sqrt(NHID)
    inp = {}
    inp['x'] = jax.random.normal(ks[0], (N, NFEAT), jnp.float32)
    inp['edge_index'] = jax.random.randint(ks[1], (2, E), 0, N, dtype=jnp.int32)
    inp['t'] = jax.random.randint(ks[2], (N,), 0, 2, dtype=jnp.int32)
    inp['gc_W'] = unif(ks[3], (NFEAT, NHID), sg)
    inp['gc_b'] = unif(ks[4], (NHID,), sg)
    inp['gct_W'] = unif(ks[5], (NFEAT, NHID), sg)
    inp['gct_b'] = unif(ks[6], (NHID,), sg)
    inp['a'] = jax.random.normal(ks[7], (4 * NHID, 1), jnp.float32) * 0.05
    inp['pp_W'] = unif(ks[8], (NHID, NHID), sg)
    inp['pp_b'] = unif(ks[9], (NHID,), sg)
    inp['pp2_W'] = unif(ks[10], (NHID, 2), sg)
    inp['pp2_b'] = unif(ks[11], (2,), sg)
    inp['o00_W'] = unif(ks[12], (NHID, NHID), sg)
    inp['o00_b'] = unif(ks[13], (NHID,), sg)
    inp['o10_W'] = unif(ks[14], (NHID, NHID), sg)
    inp['o10_b'] = unif(ks[15], (NHID,), sg)
    inp['o01_W'] = unif(ks[16], (NHID, 1), sg)
    inp['o01_b'] = unif(ks[17], (1,), sg)
    inp['o11_W'] = unif(ks[18], (NHID, 1), sg)
    inp['o11_b'] = unif(ks[19], (1,), sg)
    return inp


def reference(x, edge_index, t, gc_W, gc_b, gct_W, gct_b, a, pp_W, pp_b, pp2_W, pp2_b, o00_W, o00_b, o10_W, o10_b, o01_W, o01_b, o11_W, o11_b):
    # dropout is identity in eval mode
    row = edge_index[0]
    col = edge_index[1]

    def gconv(inp, W, b):
        support = inp @ W  # [N, NHID]
        # spmm with binary adjacency: out[i] = sum_{j: (i,j) in E} support[j]
        agg = jnp.zeros_like(support).at[row].add(support[col])
        return agg + b

    rep_outcome = jax.nn.relu(gconv(x, gc_W, gc_b))
    rep_treatment = jax.nn.relu(gconv(x, gct_W, gct_b))
    rep = jnp.concatenate([rep_outcome, rep_treatment], axis=1)  # [N, 2*NHID]

    att_input = jnp.concatenate([rep[row], rep[col]], axis=1)  # [E, 4*NHID]
    att_vals = (att_input @ a).squeeze(-1)  # [E]
    att_final = jnp.zeros((N, N), jnp.float32).at[row, col].set(att_vals)
    att_final = jax.nn.softmax(att_final, axis=1)

    rep_outcome2 = att_final @ rep_treatment + rep_outcome  # [N, NHID]

    treatment_MLP = rep_treatment @ pp_W + pp_b
    treatment = jax.nn.sigmoid(treatment_MLP @ pp2_W + pp2_b)  # [N, 2]

    rep0 = rep_outcome2
    rep1 = rep_outcome2
    y00 = jax.nn.relu(rep0 @ o00_W + o00_b)
    y10 = jax.nn.relu(rep1 @ o10_W + o10_b)
    y0 = (y00 @ o01_W + o01_b).reshape(-1)
    y1 = (y10 @ o11_W + o11_b).reshape(-1)
    y = jnp.where(t > 0, y1, y0)
    return (y, rep_outcome2, treatment)

if __name__ == "__main__":
    import jax
    _d = setup_inputs()
    print(jax.jit(kernel)(*tuple(_d.values())))

</pallas_src>

<mosaic_0001>
#map = affine_map<(d0, d1) -> (0, 0)>
#map1 = affine_map<(d0, d1) -> (0, 0, 0)>
module attributes {stable_mosaic.version = 14 : i64} {
  func.func @att_edge_pass(%arg0: i32, %arg1: i32, %arg2: memref<10112x128xf32, #tpu.memory_space<hbm>>, %arg3: memref<10112x128xf32, #tpu.memory_space<hbm>>, %arg4: memref<632x128xf32, #tpu.memory_space<hbm>>, %arg5: memref<16x80x128xi32, #tpu.memory_space<hbm>>, %arg6: memref<16x80x128xi32, #tpu.memory_space<hbm>>, %arg7: memref<2x10000x128xf32, #tpu.memory_space<hbm>>, %arg8: memref<40x128xi32, #tpu.memory_space<vmem>>, %arg9: memref<40x128xi32, #tpu.memory_space<vmem>>, %arg10: memref<128x128xf32, #tpu.memory_space<vmem>>, %arg11: memref<128x128xf32, #tpu.memory_space<vmem>>, %arg12: memref<10112x128xf32, #tpu.memory_space<vmem_shared>>, %arg13: memref<!tpu.dma_semaphore, #tpu.memory_space<semaphore_mem>>, %arg14: memref<!tpu.dma_semaphore, #tpu.memory_space<semaphore_mem>>) attributes {dimension_semantics = [#tpu.dimension_semantics<core_parallel>, #tpu.dimension_semantics<subcore_parallel>], iteration_bounds = array<i64: 2, 16>, scalar_prefetch = 0 : i64, scratch_operands = 7 : i64, tpu.core_type = #tpu.core_type<sc_vector_subcore>, window_params = [{transform_indices = #map}, {transform_indices = #map}, {transform_indices = #map}, {transform_indices = #map1}, {transform_indices = #map1}, {transform_indices = #map1}]} {
    %mul3A = arith.constant 632 : i32
    %mul3A_0 = arith.muli %arg1, %mul3A : i32
    "tpu.region"() ({
      %run_scoped3A = tpu.sem_alloc : memref<!tpu.dma_semaphore, #tpu.memory_space<semaphore_mem>>
      %dma_start3A = arith.constant 0 : i32
      %dma_start3A_18 = tpu.memref_slice %arg12[%mul3A_0, %dma_start3A] : memref<10112x128xf32, #tpu.memory_space<vmem_shared>> -> memref<632x128xf32, #tpu.memory_space<vmem_shared>>
      tpu.enqueue_dma source(%arg4 : memref<632x128xf32, #tpu.memory_space<hbm>>) target(%dma_start3A_18 : memref<632x128xf32, #tpu.memory_space<vmem_shared>>) target_semaphore(%run_scoped3A : memref<!tpu.dma_semaphore, #tpu.memory_space<semaphore_mem>>)
      %dma_wait3A = arith.constant 0 : i32
      %dma_wait3A_19 = tpu.memref_slice %arg12[%mul3A_0, %dma_wait3A] : memref<10112x128xf32, #tpu.memory_space<vmem_shared>> -> memref<632x128xf32, #tpu.memory_space<vmem_shared>>
      tpu.wait_dma2 semaphore(%run_scoped3A : memref<!tpu.dma_semaphore, #tpu.memory_space<semaphore_mem>>) src(%arg4 : memref<632x128xf32, #tpu.memory_space<hbm>>) dst(%dma_wait3A_19 : memref<632x128xf32, #tpu.memory_space<vmem_shared>>)
      tpu.yield
    }) : () -> ()
    %barrier3A = arith.constant 0 : index
    tpu.barrier barrier_id(%barrier3A)
    %eq3A = arith.constant 0 : i32
    %eq3A_1 = arith.cmpi eq, %arg0, %eq3A : i32
    %convert_element_type3A = arith.extui %eq3A_1 : i1 to i32
    %cond3A = arith.constant 0 : i32
    %cond3A_2 = arith.cmpi ne, %convert_element_type3A, %cond3A : i32
    scf.if %cond3A_2 {
      "tpu.region"() ({
        %run_scoped3A = tpu.sem_alloc : memref<!tpu.dma_semaphore, #tpu.memory_space<semaphore_mem>>
        %dma_start3A_42 = arith.constant 0 : i32
        %dma_start3A_43 = arith.constant 0 : i32
        %dma_start3A_44 = tpu.memref_slice %arg5[%arg1, %dma_start3A_42, %dma_start3A_43] : memref<16x80x128xi32, #tpu.memory_space<hbm>> -> memref<1x40x128xi32, #tpu.memory_space<hbm>>
        %dma_start3A_45 = tpu.memref_squeeze %dma_start3A_44 : memref<1x40x128xi32, #tpu.memory_space<hbm>> -> memref<40x128xi32, #tpu.memory_space<hbm>>
        %dma_start3A_46 = arith.constant 0 : i32
        %dma_start3A_47 = arith.constant 0 : i32
        %dma_start3A_48 = tpu.memref_slice %arg5[%arg1, %dma_start3A_46, %dma_start3A_47] : memref<16x80x128xi32, #tpu.memory_space<hbm>> -> memref<1x40x128xi32, #tpu.memory_space<hbm>>
        %dma_start3A_49 = tpu.memref_squeeze %dma_start3A_48 : memref<1x40x128xi32, #tpu.memory_space<hbm>> -> memref<40x128xi32, #tpu.memory_space<hbm>>
        tpu.enqueue_dma source(%dma_start3A_49 : memref<40x128xi32, #tpu.memory_space<hbm>>) target(%arg8 : memref<40x128xi32, #tpu.memory_space<vmem>>) target_semaphore(%run_scoped3A : memref<!tpu.dma_semaphore, #tpu.memory_space<semaphore_mem>>)
        %dma_wait3A = arith.constant 0 : i32
        %dma_wait3A_50 = arith.constant 0 : i32
        %dma_wait3A_51 = tpu.memref_slice %arg5[%arg1, %dma_wait3A, %dma_wait3A_50] : memref<16x80x128xi32, #tpu.memory_space<hbm>> -> memref<1x40x128xi32, #tpu.memory_space<hbm>>
        %dma_wait3A_52 = tpu.memref_squeeze %dma_wait3A_51 : memref<1x40x128xi32, #tpu.memory_space<hbm>> -> memref<40x128xi32, #tpu.memory_space<hbm>>
        %dma_wait3A_53 = arith.constant 0 : i32
        %dma_wait3A_54 = arith.constant 0 : i32
        %dma_wait3A_55 = tpu.memref_slice %arg5[%arg1, %dma_wait3A_53, %dma_wait3A_54] : memref<16x80x128xi32, #tpu.memory_space<hbm>> -> memref<1x40x128xi32, #tpu.memory_space<hbm>>
        %dma_wait3A_56 = tpu.memref_squeeze %dma_wait3A_55 : memref<1x40x128xi32, #tpu.memory_space<hbm>> -> memref<40x128xi32, #tpu.memory_space<hbm>>
        tpu.wait_dma2 semaphore(%run_scoped3A : memref<!tpu.dma_semaphore, #tpu.memory_space<semaphore_mem>>) src(%dma_wait3A_56 : memref<40x128xi32, #tpu.memory_space<hbm>>) dst(%arg8 : memref<40x128xi32, #tpu.memory_space<vmem>>)
        tpu.yield
      }) : () -> ()
      "tpu.region"() ({
        %run_scoped3A = tpu.sem_alloc : memref<!tpu.dma_semaphore, #tpu.memory_space<semaphore_mem>>
        %dma_start3A_42 = arith.constant 0 : i32
        %dma_start3A_43 = arith.constant 0 : i32
        %dma_start3A_44 = tpu.memref_slice %arg6[%arg1, %dma_start3A_42, %dma_start3A_43] : memref<16x80x128xi32, #tpu.memory_space<hbm>> -> memref<1x40x128xi32, #tpu.memory_space<hbm>>
        %dma_start3A_45 = tpu.memref_squeeze %dma_start3A_44 : memref<1x40x128xi32, #tpu.memory_space<hbm>> -> memref<40x128xi32, #tpu.memory_space<hbm>>
        %dma_start3A_46 = arith.constant 0 : i32
        %dma_start3A_47 = arith.constant 0 : i32
        %dma_start3A_48 = tpu.memref_slice %arg6[%arg1, %dma_start3A_46, %dma_start3A_47] : memref<16x80x128xi32, #tpu.memory_space<hbm>> -> memref<1x40x128xi32, #tpu.memory_space<hbm>>
        %dma_start3A_49 = tpu.memref_squeeze %dma_start3A_48 : memref<1x40x128xi32, #tpu.memory_space<hbm>> -> memref<40x128xi32, #tpu.memory_space<hbm>>
        tpu.enqueue_dma source(%dma_start3A_49 : memref<40x128xi32, #tpu.memory_space<hbm>>) target(%arg9 : memref<40x128xi32, #tpu.memory_space<vmem>>) target_semaphore(%run_scoped3A : memref<!tpu.dma_semaphore, #tpu.memory_space<semaphore_mem>>)
        %dma_wait3A = arith.constant 0 : i32
        %dma_wait3A_50 = arith.constant 0 : i32
        %dma_wait3A_51 = tpu.memref_slice %arg6[%arg1, %dma_wait3A, %dma_wait3A_50] : memref<16x80x128xi32, #tpu.memory_space<hbm>> -> memref<1x40x128xi32, #tpu.memory_space<hbm>>
        %dma_wait3A_52 = tpu.memref_squeeze %dma_wait3A_51 : memref<1x40x128xi32, #tpu.memory_space<hbm>> -> memref<40x128xi32, #tpu.memory_space<hbm>>
        %dma_wait3A_53 = arith.constant 0 : i32
        %dma_wait3A_54 = arith.constant 0 : i32
        %dma_wait3A_55 = tpu.memref_slice %arg6[%arg1, %dma_wait3A_53, %dma_wait3A_54] : memref<16x80x128xi32, #tpu.memory_space<hbm>> -> memref<1x40x128xi32, #tpu.memory_space<hbm>>
        %dma_wait3A_56 = tpu.memref_squeeze %dma_wait3A_55 : memref<1x40x128xi32, #tpu.memory_space<hbm>> -> memref<40x128xi32, #tpu.memory_space<hbm>>
        tpu.wait_dma2 semaphore(%run_scoped3A : memref<!tpu.dma_semaphore, #tpu.memory_space<semaphore_mem>>) src(%dma_wait3A_56 : memref<40x128xi32, #tpu.memory_space<hbm>>) dst(%arg9 : memref<40x128xi32, #tpu.memory_space<vmem>>)
        tpu.yield
      }) : () -> ()
      %dma_start3A = arith.constant 0 : i32
      %dma_start3A_18 = arith.constant 0 : i32
      %dma_start3A_19 = tpu.memref_slice %arg9[%dma_start3A, %dma_start3A_18] : memref<40x128xi32, #tpu.memory_space<vmem>> -> memref<1x128xi32, #tpu.memory_space<vmem>>
      %dma_start3A_20 = tpu.memref_squeeze %dma_start3A_19 : memref<1x128xi32, #tpu.memory_space<vmem>> -> memref<128xi32, #tpu.memory_space<vmem>>
      %dma_start3A_21 = arith.constant 0 : i32
      %dma_start3A_22 = arith.constant 0 : i32
      %dma_start3A_23 = tpu.memref_slice %arg2[%dma_start3A_21, %dma_start3A_22] : memref<10112x128xf32, #tpu.memory_space<hbm>> -> memref<10112x128xf32, #tpu.memory_space<hbm>>
      tpu.enqueue_indirect_dma source(%dma_start3A_23 : memref<10112x128xf32, #tpu.memory_space<hbm>>) target(%arg10 : memref<128x128xf32, #tpu.memory_space<vmem>>) offsets(%dma_start3A_20 : memref<128xi32, #tpu.memory_space<vmem>>) semaphore(%arg13 : memref<!tpu.dma_semaphore, #tpu.memory_space<semaphore_mem>>)
      %scan3A = arith.constant 0 : i32
      %scan3A_24 = arith.constant 0 : i32
      %scan3A_25 = arith.constant 20 : i32
      %scan3A_26 = arith.addi %scan3A_24, %scan3A_25 : i32
      %scan3A_27 = arith.constant 1 : i32
      scf.for %scan3A_42 = %scan3A_24 to %scan3A_26 step %scan3A_27  : i32 {
        %mul3A_43 = arith.constant 2 : i32
        %mul3A_44 = arith.muli %mul3A_43, %scan3A_42 : i32
        %add3A = arith.constant 1 : i32
        %add3A_45 = arith.addi %mul3A_44, %add3A : i32
        %dma_start3A_46 = arith.constant 0 : i32
        %dma_start3A_47 = tpu.memref_slice %arg9[%add3A_45, %dma_start3A_46] : memref<40x128xi32, #tpu.memory_space<vmem>> -> memref<1x128xi32, #tpu.memory_space<vmem>>
        %dma_start3A_48 = tpu.memref_squeeze %dma_start3A_47 : memref<1x128xi32, #tpu.memory_space<vmem>> -> memref<128xi32, #tpu.memory_space<vmem>>
        %dma_start3A_49 = arith.constant 0 : i32
        %dma_start3A_50 = arith.constant 0 : i32
        %dma_start3A_51 = tpu.memref_slice %arg2[%dma_start3A_49, %dma_start3A_50] : memref<10112x128xf32, #tpu.memory_space<hbm>> -> memref<10112x128xf32, #tpu.memory_space<hbm>>
        tpu.enqueue_indirect_dma source(%dma_start3A_51 : memref<10112x128xf32, #tpu.memory_space<hbm>>) target(%arg11 : memref<128x128xf32, #tpu.memory_space<vmem>>) offsets(%dma_start3A_48 : memref<128xi32, #tpu.memory_space<vmem>>) semaphore(%arg14 : memref<!tpu.dma_semaphore, #tpu.memory_space<semaphore_mem>>)
        %dma_wait3A = arith.constant 0 : i32
        %dma_wait3A_52 = arith.constant 0 : i32
        %dma_wait3A_53 = tpu.memref_slice %arg2[%dma_wait3A, %dma_wait3A_52] : memref<10112x128xf32, #tpu.memory_space<hbm>> -> memref<128x128xf32, #tpu.memory_space<hbm>>
        %dma_wait3A_54 = arith.constant 0 : i32
        %dma_wait3A_55 = arith.constant 0 : i32
        %dma_wait3A_56 = tpu.memref_slice %arg2[%dma_wait3A_54, %dma_wait3A_55] : memref<10112x128xf32, #tpu.memory_space<hbm>> -> memref<128x128xf32, #tpu.memory_space<hbm>>
        tpu.wait_dma2 semaphore(%arg13 : memref<!tpu.dma_semaphore, #tpu.memory_space<semaphore_mem>>) src(%dma_wait3A_56 : memref<128x128xf32, #tpu.memory_space<hbm>>) dst(%arg10 : memref<128x128xf32, #tpu.memory_space<vmem>>)
        "tpu.region"() ({
          %run_scoped3A = tpu.sem_alloc : memref<!tpu.dma_semaphore, #tpu.memory_space<semaphore_mem>>
          %dma_start3A_70 = arith.constant 0 : i32
          %dma_start3A_71 = tpu.memref_slice %arg8[%mul3A_44, %dma_start3A_70] : memref<40x128xi32, #tpu.memory_space<vmem>> -> memref<1x128xi32, #tpu.memory_space<vmem>>
          %dma_start3A_72 = tpu.memref_squeeze %dma_start3A_71 : memref<1x128xi32, #tpu.memory_space<vmem>> -> memref<128xi32, #tpu.memory_space<vmem>>
          %dma_start3A_73 = arith.constant 0 : i32
          %dma_start3A_74 = arith.constant 0 : i32
          %dma_start3A_75 = tpu.memref_slice %arg12[%dma_start3A_73, %dma_start3A_74] : memref<10112x128xf32, #tpu.memory_space<vmem_shared>> -> memref<10112x128xf32, #tpu.memory_space<vmem_shared>>
          tpu.enqueue_indirect_dma source(%arg10 : memref<128x128xf32, #tpu.memory_space<vmem>>) target(%dma_start3A_75 : memref<10112x128xf32, #tpu.memory_space<vmem_shared>>) offsets(%dma_start3A_72 : memref<128xi32, #tpu.memory_space<vmem>>) semaphore(%run_scoped3A : memref<!tpu.dma_semaphore, #tpu.memory_space<semaphore_mem>>) {add = true}
          %dma_wait3A_76 = arith.constant 0 : i32
          %dma_wait3A_77 = tpu.memref_slice %arg8[%mul3A_44, %dma_wait3A_76] : memref<40x128xi32, #tpu.memory_space<vmem>> -> memref<1x128xi32, #tpu.memory_space<vmem>>
          %dma_wait3A_78 = tpu.memref_squeeze %dma_wait3A_77 : memref<1x128xi32, #tpu.memory_space<vmem>> -> memref<128xi32, #tpu.memory_space<vmem>>
          %dma_wait3A_79 = arith.constant 0 : i32
          %dma_wait3A_80 = arith.constant 0 : i32
          %dma_wait3A_81 = tpu.memref_slice %arg12[%dma_wait3A_79, %dma_wait3A_80] : memref<10112x128xf32, #tpu.memory_space<vmem_shared>> -> memref<10112x128xf32, #tpu.memory_space<vmem_shared>>
          tpu.wait_indirect_dma semaphore(%run_scoped3A : memref<!tpu.dma_semaphore, #tpu.memory_space<semaphore_mem>>) src(%arg10 : memref<128x128xf32, #tpu.memory_space<vmem>>) dst(%dma_wait3A_81 : memref<10112x128xf32, #tpu.memory_space<vmem_shared>>)
          tpu.yield
        }) : () -> ()
        %lt3A_57 = arith.constant 19 : i32
        %lt3A_58 = arith.cmpi slt, %scan3A_42, %lt3A_57 : i32
        %convert_element_type3A_59 = arith.extui %lt3A_58 : i1 to i32
        %cond3A_60 = arith.constant 0 : i32
        %cond3A_61 = arith.cmpi ne, %convert_element_type3A_59, %cond3A_60 : i32
        scf.if %cond3A_61 {
          %add3A_70 = arith.constant 2 : i32
          %add3A_71 = arith.addi %mul3A_44, %add3A_70 : i32
          %dma_start3A_72 = arith.constant 0 : i32
          %dma_start3A_73 = tpu.memref_slice %arg9[%add3A_71, %dma_start3A_72] : memref<40x128xi32, #tpu.memory_space<vmem>> -> memref<1x128xi32, #tpu.memory_space<vmem>>
          %dma_start3A_74 = tpu.memref_squeeze %dma_start3A_73 : memref<1x128xi32, #tpu.memory_space<vmem>> -> memref<128xi32, #tpu.memory_space<vmem>>
          %dma_start3A_75 = arith.constant 0 : i32
          %dma_start3A_76 = arith.constant 0 : i32
          %dma_start3A_77 = tpu.memref_slice %arg2[%dma_start3A_75, %dma_start3A_76] : memref<10112x128xf32, #tpu.memory_space<hbm>> -> memref<10112x128xf32, #tpu.memory_space<hbm>>
          tpu.enqueue_indirect_dma source(%dma_start3A_77 : memref<10112x128xf32, #tpu.memory_space<hbm>>) target(%arg10 : memref<128x128xf32, #tpu.memory_space<vmem>>) offsets(%dma_start3A_74 : memref<128xi32, #tpu.memory_space<vmem>>) semaphore(%arg13 : memref<!tpu.dma_semaphore, #tpu.memory_space<semaphore_mem>>)
        } else {
        }
        %dma_wait3A_62 = arith.constant 0 : i32
        %dma_wait3A_63 = tpu.memref_slice %arg9[%add3A_45, %dma_wait3A_62] : memref<40x128xi32, #tpu.memory_space<vmem>> -> memref<1x128xi32, #tpu.memory_space<vmem>>
        %dma_wait3A_64 = tpu.memref_squeeze %dma_wait3A_63 : memref<1x128xi32, #tpu.memory_space<vmem>> -> memref<128xi32, #tpu.memory_space<vmem>>
        %dma_wait3A_65 = arith.constant 0 : i32
        %dma_wait3A_66 = arith.constant 0 : i32
        %dma_wait3A_67 = tpu.memref_slice %arg2[%dma_wait3A_65, %dma_wait3A_66] : memref<10112x128xf32, #tpu.memory_space<hbm>> -> memref<10112x128xf32, #tpu.memory_space<hbm>>
        tpu.wait_indirect_dma semaphore(%arg14 : memref<!tpu.dma_semaphore, #tpu.memory_space<semaphore_mem>>) src(%dma_wait3A_67 : memref<10112x128xf32, #tpu.memory_space<hbm>>) dst(%arg11 : memref<128x128xf32, #tpu.memory_space<vmem>>)
        %add3A_68 = arith.constant 1 : i32
        %add3A_69 = arith.addi %mul3A_44, %add3A_68 : i32
        "tpu.region"() ({
          %run_scoped3A = tpu.sem_alloc : memref<!tpu.dma_semaphore, #tpu.memory_space<semaphore_mem>>
          %dma_start3A_70 = arith.constant 0 : i32
          %dma_start3A_71 = tpu.memref_slice %arg8[%add3A_69, %dma_start3A_70] : memref<40x128xi32, #tpu.memory_space<vmem>> -> memref<1x128xi32, #tpu.memory_space<vmem>>
          %dma_start3A_72 = tpu.memref_squeeze %dma_start3A_71 : memref<1x128xi32, #tpu.memory_space<vmem>> -> memref<128xi32, #tpu.memory_space<vmem>>
          %dma_start3A_73 = arith.constant 0 : i32
          %dma_start3A_74 = arith.constant 0 : i32
          %dma_start3A_75 = tpu.memref_slice %arg12[%dma_start3A_73, %dma_start3A_74] : memref<10112x128xf32, #tpu.memory_space<vmem_shared>> -> memref<10112x128xf32, #tpu.memory_space<vmem_shared>>
          tpu.enqueue_indirect_dma source(%arg11 : memref<128x128xf32, #tpu.memory_space<vmem>>) target(%dma_start3A_75 : memref<10112x128xf32, #tpu.memory_space<vmem_shared>>) offsets(%dma_start3A_72 : memref<128xi32, #tpu.memory_space<vmem>>) semaphore(%run_scoped3A : memref<!tpu.dma_semaphore, #tpu.memory_space<semaphore_mem>>) {add = true}
          %dma_wait3A_76 = arith.constant 0 : i32
          %dma_wait3A_77 = tpu.memref_slice %arg8[%add3A_69, %dma_wait3A_76] : memref<40x128xi32, #tpu.memory_space<vmem>> -> memref<1x128xi32, #tpu.memory_space<vmem>>
          %dma_wait3A_78 = tpu.memref_squeeze %dma_wait3A_77 : memref<1x128xi32, #tpu.memory_space<vmem>> -> memref<128xi32, #tpu.memory_space<vmem>>
          %dma_wait3A_79 = arith.constant 0 : i32
          %dma_wait3A_80 = arith.constant 0 : i32
          %dma_wait3A_81 = tpu.memref_slice %arg12[%dma_wait3A_79, %dma_wait3A_80] : memref<10112x128xf32, #tpu.memory_space<vmem_shared>> -> memref<10112x128xf32, #tpu.memory_space<vmem_shared>>
          tpu.wait_indirect_dma semaphore(%run_scoped3A : memref<!tpu.dma_semaphore, #tpu.memory_space<semaphore_mem>>) src(%arg11 : memref<128x128xf32, #tpu.memory_space<vmem>>) dst(%dma_wait3A_81 : memref<10112x128xf32, #tpu.memory_space<vmem_shared>>)
          tpu.yield
        }) : () -> ()
      }
      %scan3A_28 = arith.constant 20 : i32
      "tpu.region"() ({
        %run_scoped3A = tpu.sem_alloc : memref<!tpu.dma_semaphore, #tpu.memory_space<semaphore_mem>>
        %dma_start3A_42 = arith.constant 40 : i32
        %dma_start3A_43 = arith.constant 0 : i32
        %dma_start3A_44 = tpu.memref_slice %arg5[%arg1, %dma_start3A_42, %dma_start3A_43] : memref<16x80x128xi32, #tpu.memory_space<hbm>> -> memref<1x40x128xi32, #tpu.memory_space<hbm>>
        %dma_start3A_45 = tpu.memref_squeeze %dma_start3A_44 : memref<1x40x128xi32, #tpu.memory_space<hbm>> -> memref<40x128xi32, #tpu.memory_space<hbm>>
        %dma_start3A_46 = arith.constant 40 : i32
        %dma_start3A_47 = arith.constant 0 : i32
        %dma_start3A_48 = tpu.memref_slice %arg5[%arg1, %dma_start3A_46, %dma_start3A_47] : memref<16x80x128xi32, #tpu.memory_space<hbm>> -> memref<1x40x128xi32, #tpu.memory_space<hbm>>
        %dma_start3A_49 = tpu.memref_squeeze %dma_start3A_48 : memref<1x40x128xi32, #tpu.memory_space<hbm>> -> memref<40x128xi32, #tpu.memory_space<hbm>>
        tpu.enqueue_dma source(%dma_start3A_49 : memref<40x128xi32, #tpu.memory_space<hbm>>) target(%arg8 : memref<40x128xi32, #tpu.memory_space<vmem>>) target_semaphore(%run_scoped3A : memref<!tpu.dma_semaphore, #tpu.memory_space<semaphore_mem>>)
        %dma_wait3A = arith.constant 40 : i32
        %dma_wait3A_50 = arith.constant 0 : i32
        %dma_wait3A_51 = tpu.memref_slice %arg5[%arg1, %dma_wait3A, %dma_wait3A_50] : memref<16x80x128xi32, #tpu.memory_space<hbm>> -> memref<1x40x128xi32, #tpu.memory_space<hbm>>
        %dma_wait3A_52 = tpu.memref_squeeze %dma_wait3A_51 : memref<1x40x128xi32, #tpu.memory_space<hbm>> -> memref<40x128xi32, #tpu.memory_space<hbm>>
        %dma_wait3A_53 = arith.constant 40 : i32
        %dma_wait3A_54 = arith.constant 0 : i32
        %dma_wait3A_55 = tpu.memref_slice %arg5[%arg1, %dma_wait3A_53, %dma_wait3A_54] : memref<16x80x128xi32, #tpu.memory_space<hbm>> -> memref<1x40x128xi32, #tpu.memory_space<hbm>>
        %dma_wait3A_56 = tpu.memref_squeeze %dma_wait3A_55 : memref<1x40x128xi32, #tpu.memory_space<hbm>> -> memref<40x128xi32, #tpu.memory_space<hbm>>
        tpu.wait_dma2 semaphore(%run_scoped3A : memref<!tpu.dma_semaphore, #tpu.memory_space<semaphore_mem>>) src(%dma_wait3A_56 : memref<40x128xi32, #tpu.memory_space<hbm>>) dst(%arg8 : memref<40x128xi32, #tpu.memory_space<vmem>>)
        tpu.yield
      }) : () -> ()
      "tpu.region"() ({
        %run_scoped3A = tpu.sem_alloc : memref<!tpu.dma_semaphore, #tpu.memory_space<semaphore_mem>>
        %dma_start3A_42 = arith.constant 40 : i32
        %dma_start3A_43 = arith.constant 0 : i32
        %dma_start3A_44 = tpu.memref_slice %arg6[%arg1, %dma_start3A_42, %dma_start3A_43] : memref<16x80x128xi32, #tpu.memory_space<hbm>> -> memref<1x40x128xi32, #tpu.memory_space<hbm>>
        %dma_start3A_45 = tpu.memref_squeeze %dma_start3A_44 : memref<1x40x128xi32, #tpu.memory_space<hbm>> -> memref<40x128xi32, #tpu.memory_space<hbm>>
        %dma_start3A_46 = arith.constant 40 : i32
        %dma_start3A_47 = arith.constant 0 : i32
        %dma_start3A_48 = tpu.memref_slice %arg6[%arg1, %dma_start3A_46, %dma_start3A_47] : memref<16x80x128xi32, #tpu.memory_space<hbm>> -> memref<1x40x128xi32, #tpu.memory_space<hbm>>
        %dma_start3A_49 = tpu.memref_squeeze %dma_start3A_48 : memref<1x40x128xi32, #tpu.memory_space<hbm>> -> memref<40x128xi32, #tpu.memory_space<hbm>>
        tpu.enqueue_dma source(%dma_start3A_49 : memref<40x128xi32, #tpu.memory_space<hbm>>) target(%arg9 : memref<40x128xi32, #tpu.memory_space<vmem>>) target_semaphore(%run_scoped3A : memref<!tpu.dma_semaphore, #tpu.memory_space<semaphore_mem>>)
        %dma_wait3A = arith.constant 40 : i32
        %dma_wait3A_50 = arith.constant 0 : i32
        %dma_wait3A_51 = tpu.memref_slice %arg6[%arg1, %dma_wait3A, %dma_wait3A_50] : memref<16x80x128xi32, #tpu.memory_space<hbm>> -> memref<1x40x128xi32, #tpu.memory_space<hbm>>
        %dma_wait3A_52 = tpu.memref_squeeze %dma_wait3A_51 : memref<1x40x128xi32, #tpu.memory_space<hbm>> -> memref<40x128xi32, #tpu.memory_space<hbm>>
        %dma_wait3A_53 = arith.constant 40 : i32
        %dma_wait3A_54 = arith.constant 0 : i32
        %dma_wait3A_55 = tpu.memref_slice %arg6[%arg1, %dma_wait3A_53, %dma_wait3A_54] : memref<16x80x128xi32, #tpu.memory_space<hbm>> -> memref<1x40x128xi32, #tpu.memory_space<hbm>>
        %dma_wait3A_56 = tpu.memref_squeeze %dma_wait3A_55 : memref<1x40x128xi32, #tpu.memory_space<hbm>> -> memref<40x128xi32, #tpu.memory_space<hbm>>
        tpu.wait_dma2 semaphore(%run_scoped3A : memref<!tpu.dma_semaphore, #tpu.memory_space<semaphore_mem>>) src(%dma_wait3A_56 : memref<40x128xi32, #tpu.memory_space<hbm>>) dst(%arg9 : memref<40x128xi32, #tpu.memory_space<vmem>>)
        tpu.yield
      }) : () -> ()
      %dma_start3A_29 = arith.constant 0 : i32
      %dma_start3A_30 = arith.constant 0 : i32
      %dma_start3A_31 = tpu.memref_slice %arg9[%dma_start3A_29, %dma_start3A_30] : memref<40x128xi32, #tpu.memory_space<vmem>> -> memref<1x128xi32, #tpu.memory_space<vmem>>
      %dma_start3A_32 = tpu.memref_squeeze %dma_start3A_31 : memref<1x128xi32, #tpu.memory_space<vmem>> -> memref<128xi32, #tpu.memory_space<vmem>>
      %dma_start3A_33 = arith.constant 0 : i32
      %dma_start3A_34 = arith.constant 0 : i32
      %dma_start3A_35 = tpu.memref_slice %arg2[%dma_start3A_33, %dma_start3A_34] : memref<10112x128xf32, #tpu.memory_space<hbm>> -> memref<10112x128xf32, #tpu.memory_space<hbm>>
      tpu.enqueue_indirect_dma source(%dma_start3A_35 : memref<10112x128xf32, #tpu.memory_space<hbm>>) target(%arg10 : memref<128x128xf32, #tpu.memory_space<vmem>>) offsets(%dma_start3A_32 : memref<128xi32, #tpu.memory_space<vmem>>) semaphore(%arg13 : memref<!tpu.dma_semaphore, #tpu.memory_space<semaphore_mem>>)
      %scan3A_36 = arith.constant 0 : i32
      %scan3A_37 = arith.constant 0 : i32
      %scan3A_38 = arith.constant 20 : i32
      %scan3A_39 = arith.addi %scan3A_37, %scan3A_38 : i32
      %scan3A_40 = arith.constant 1 : i32
      scf.for %scan3A_42 = %scan3A_37 to %scan3A_39 step %scan3A_40  : i32 {
        %mul3A_43 = arith.constant 2 : i32
        %mul3A_44 = arith.muli %mul3A_43, %scan3A_42 : i32
        %add3A = arith.constant 1 : i32
        %add3A_45 = arith.addi %mul3A_44, %add3A : i32
        %dma_start3A_46 = arith.constant 0 : i32
        %dma_start3A_47 = tpu.memref_slice %arg9[%add3A_45, %dma_start3A_46] : memref<40x128xi32, #tpu.memory_space<vmem>> -> memref<1x128xi32, #tpu.memory_space<vmem>>
        %dma_start3A_48 = tpu.memref_squeeze %dma_start3A_47 : memref<1x128xi32, #tpu.memory_space<vmem>> -> memref<128xi32, #tpu.memory_space<vmem>>
        %dma_start3A_49 = arith.constant 0 : i32
        %dma_start3A_50 = arith.constant 0 : i32
        %dma_start3A_51 = tpu.memref_slice %arg2[%dma_start3A_49, %dma_start3A_50] : memref<10112x128xf32, #tpu.memory_space<hbm>> -> memref<10112x128xf32, #tpu.memory_space<hbm>>
        tpu.enqueue_indirect_dma source(%dma_start3A_51 : memref<10112x128xf32, #tpu.memory_space<hbm>>) target(%arg11 : memref<128x128xf32, #tpu.memory_space<vmem>>) offsets(%dma_start3A_48 : memref<128xi32, #tpu.memory_space<vmem>>) semaphore(%arg14 : memref<!tpu.dma_semaphore, #tpu.memory_space<semaphore_mem>>)
        %dma_wait3A = arith.constant 0 : i32
        %dma_wait3A_52 = arith.constant 0 : i32
        %dma_wait3A_53 = tpu.memref_slice %arg2[%dma_wait3A, %dma_wait3A_52] : memref<10112x128xf32, #tpu.memory_space<hbm>> -> memref<128x128xf32, #tpu.memory_space<hbm>>
        %dma_wait3A_54 = arith.constant 0 : i32
        %dma_wait3A_55 = arith.constant 0 : i32
        %dma_wait3A_56 = tpu.memref_slice %arg2[%dma_wait3A_54, %dma_wait3A_55] : memref<10112x128xf32, #tpu.memory_space<hbm>> -> memref<128x128xf32, #tpu.memory_space<hbm>>
        tpu.wait_dma2 semaphore(%arg13 : memref<!tpu.dma_semaphore, #tpu.memory_space<semaphore_mem>>) src(%dma_wait3A_56 : memref<128x128xf32, #tpu.memory_space<hbm>>) dst(%arg10 : memref<128x128xf32, #tpu.memory_space<vmem>>)
        "tpu.region"() ({
          %run_scoped3A = tpu.sem_alloc : memref<!tpu.dma_semaphore, #tpu.memory_space<semaphore_mem>>
          %dma_start3A_70 = arith.constant 0 : i32
          %dma_start3A_71 = tpu.memref_slice %arg8[%mul3A_44, %dma_start3A_70] : memref<40x128xi32, #tpu.memory_space<vmem>> -> memref<1x128xi32, #tpu.memory_space<vmem>>
          %dma_start3A_72 = tpu.memref_squeeze %dma_start3A_71 : memref<1x128xi32, #tpu.memory_space<vmem>> -> memref<128xi32, #tpu.memory_space<vmem>>
          %dma_start3A_73 = arith.constant 0 : i32
          %dma_start3A_74 = arith.constant 0 : i32
          %dma_start3A_75 = tpu.memref_slice %arg12[%dma_start3A_73, %dma_start3A_74] : memref<10112x128xf32, #tpu.memory_space<vmem_shared>> -> memref<10112x128xf32, #tpu.memory_space<vmem_shared>>
          tpu.enqueue_indirect_dma source(%arg10 : memref<128x128xf32, #tpu.memory_space<vmem>>) target(%dma_start3A_75 : memref<10112x128xf32, #tpu.memory_space<vmem_shared>>) offsets(%dma_start3A_72 : memref<128xi32, #tpu.memory_space<vmem>>) semaphore(%run_scoped3A : memref<!tpu.dma_semaphore, #tpu.memory_space<semaphore_mem>>) {add = true}
          %dma_wait3A_76 = arith.constant 0 : i32
          %dma_wait3A_77 = tpu.memref_slice %arg8[%mul3A_44, %dma_wait3A_76] : memref<40x128xi32, #tpu.memory_space<vmem>> -> memref<1x128xi32, #tpu.memory_space<vmem>>
          %dma_wait3A_78 = tpu.memref_squeeze %dma_wait3A_77 : memref<1x128xi32, #tpu.memory_space<vmem>> -> memref<128xi32, #tpu.memory_space<vmem>>
          %dma_wait3A_79 = arith.constant 0 : i32
          %dma_wait3A_80 = arith.constant 0 : i32
          %dma_wait3A_81 = tpu.memref_slice %arg12[%dma_wait3A_79, %dma_wait3A_80] : memref<10112x128xf32, #tpu.memory_space<vmem_shared>> -> memref<10112x128xf32, #tpu.memory_space<vmem_shared>>
          tpu.wait_indirect_dma semaphore(%run_scoped3A : memref<!tpu.dma_semaphore, #tpu.memory_space<semaphore_mem>>) src(%arg10 : memref<128x128xf32, #tpu.memory_space<vmem>>) dst(%dma_wait3A_81 : memref<10112x128xf32, #tpu.memory_space<vmem_shared>>)
          tpu.yield
        }) : () -> ()
        %lt3A_57 = arith.constant 19 : i32
        %lt3A_58 = arith.cmpi slt, %scan3A_42, %lt3A_57 : i32
        %convert_element_type3A_59 = arith.extui %lt3A_58 : i1 to i32
        %cond3A_60 = arith.constant 0 : i32
        %cond3A_61 = arith.cmpi ne, %convert_element_type3A_59, %cond3A_60 : i32
        scf.if %cond3A_61 {
          %add3A_70 = arith.constant 2 : i32
          %add3A_71 = arith.addi %mul3A_44, %add3A_70 : i32
          %dma_start3A_72 = arith.constant 0 : i32
          %dma_start3A_73 = tpu.memref_slice %arg9[%add3A_71, %dma_start3A_72] : memref<40x128xi32, #tpu.memory_space<vmem>> -> memref<1x128xi32, #tpu.memory_space<vmem>>
          %dma_start3A_74 = tpu.memref_squeeze %dma_start3A_73 : memref<1x128xi32, #tpu.memory_space<vmem>> -> memref<128xi32, #tpu.memory_space<vmem>>
          %dma_start3A_75 = arith.constant 0 : i32
          %dma_start3A_76 = arith.constant 0 : i32
          %dma_start3A_77 = tpu.memref_slice %arg2[%dma_start3A_75, %dma_start3A_76] : memref<10112x128xf32, #tpu.memory_space<hbm>> -> memref<10112x128xf32, #tpu.memory_space<hbm>>
          tpu.enqueue_indirect_dma source(%dma_start3A_77 : memref<10112x128xf32, #tpu.memory_space<hbm>>) target(%arg10 : memref<128x128xf32, #tpu.memory_space<vmem>>) offsets(%dma_start3A_74 : memref<128xi32, #tpu.memory_space<vmem>>) semaphore(%arg13 : memref<!tpu.dma_semaphore, #tpu.memory_space<semaphore_mem>>)
        } else {
        }
        %dma_wait3A_62 = arith.constant 0 : i32
        %dma_wait3A_63 = tpu.memref_slice %arg9[%add3A_45, %dma_wait3A_62] : memref<40x128xi32, #tpu.memory_space<vmem>> -> memref<1x128xi32, #tpu.memory_space<vmem>>
        %dma_wait3A_64 = tpu.memref_squeeze %dma_wait3A_63 : memref<1x128xi32, #tpu.memory_space<vmem>> -> memref<128xi32, #tpu.memory_space<vmem>>
        %dma_wait3A_65 = arith.constant 0 : i32
        %dma_wait3A_66 = arith.constant 0 : i32
        %dma_wait3A_67 = tpu.memref_slice %arg2[%dma_wait3A_65, %dma_wait3A_66] : memref<10112x128xf32, #tpu.memory_space<hbm>> -> memref<10112x128xf32, #tpu.memory_space<hbm>>
        tpu.wait_indirect_dma semaphore(%arg14 : memref<!tpu.dma_semaphore, #tpu.memory_space<semaphore_mem>>) src(%dma_wait3A_67 : memref<10112x128xf32, #tpu.memory_space<hbm>>) dst(%arg11 : memref<128x128xf32, #tpu.memory_space<vmem>>)
        %add3A_68 = arith.constant 1 : i32
        %add3A_69 = arith.addi %mul3A_44, %add3A_68 : i32
        "tpu.region"() ({
          %run_scoped3A = tpu.sem_alloc : memref<!tpu.dma_semaphore, #tpu.memory_space<semaphore_mem>>
          %dma_start3A_70 = arith.constant 0 : i32
          %dma_start3A_71 = tpu.memref_slice %arg8[%add3A_69, %dma_start3A_70] : memref<40x128xi32, #tpu.memory_space<vmem>> -> memref<1x128xi32, #tpu.memory_space<vmem>>
          %dma_start3A_72 = tpu.memref_squeeze %dma_start3A_71 : memref<1x128xi32, #tpu.memory_space<vmem>> -> memref<128xi32, #tpu.memory_space<vmem>>
          %dma_start3A_73 = arith.constant 0 : i32
          %dma_start3A_74 = arith.constant 0 : i32
          %dma_start3A_75 = tpu.memref_slice %arg12[%dma_start3A_73, %dma_start3A_74] : memref<10112x128xf32, #tpu.memory_space<vmem_shared>> -> memref<10112x128xf32, #tpu.memory_space<vmem_shared>>
          tpu.enqueue_indirect_dma source(%arg11 : memref<128x128xf32, #tpu.memory_space<vmem>>) target(%dma_start3A_75 : memref<10112x128xf32, #tpu.memory_space<vmem_shared>>) offsets(%dma_start3A_72 : memref<128xi32, #tpu.memory_space<vmem>>) semaphore(%run_scoped3A : memref<!tpu.dma_semaphore, #tpu.memory_space<semaphore_mem>>) {add = true}
          %dma_wait3A_76 = arith.constant 0 : i32
          %dma_wait3A_77 = tpu.memref_slice %arg8[%add3A_69, %dma_wait3A_76] : memref<40x128xi32, #tpu.memory_space<vmem>> -> memref<1x128xi32, #tpu.memory_space<vmem>>
          %dma_wait3A_78 = tpu.memref_squeeze %dma_wait3A_77 : memref<1x128xi32, #tpu.memory_space<vmem>> -> memref<128xi32, #tpu.memory_space<vmem>>
          %dma_wait3A_79 = arith.constant 0 : i32
          %dma_wait3A_80 = arith.constant 0 : i32
          %dma_wait3A_81 = tpu.memref_slice %arg12[%dma_wait3A_79, %dma_wait3A_80] : memref<10112x128xf32, #tpu.memory_space<vmem_shared>> -> memref<10112x128xf32, #tpu.memory_space<vmem_shared>>
          tpu.wait_indirect_dma semaphore(%run_scoped3A : memref<!tpu.dma_semaphore, #tpu.memory_space<semaphore_mem>>) src(%arg11 : memref<128x128xf32, #tpu.memory_space<vmem>>) dst(%dma_wait3A_81 : memref<10112x128xf32, #tpu.memory_space<vmem_shared>>)
          tpu.yield
        }) : () -> ()
      }
      %scan3A_41 = arith.constant 20 : i32
    } else {
    }
    %eq3A_3 = arith.constant 1 : i32
    %eq3A_4 = arith.cmpi eq, %arg0, %eq3A_3 : i32
    %convert_element_type3A_5 = arith.extui %eq3A_4 : i1 to i32
    %cond3A_6 = arith.constant 0 : i32
    %cond3A_7 = arith.cmpi ne, %convert_element_type3A_5, %cond3A_6 : i32
    scf.if %cond3A_7 {
      "tpu.region"() ({
        %run_scoped3A = tpu.sem_alloc : memref<!tpu.dma_semaphore, #tpu.memory_space<semaphore_mem>>
        %dma_start3A_42 = arith.constant 0 : i32
        %dma_start3A_43 = arith.constant 0 : i32
        %dma_start3A_44 = tpu.memref_slice %arg5[%arg1, %dma_start3A_42, %dma_start3A_43] : memref<16x80x128xi32, #tpu.memory_space<hbm>> -> memref<1x40x128xi32, #tpu.memory_space<hbm>>
        %dma_start3A_45 = tpu.memref_squeeze %dma_start3A_44 : memref<1x40x128xi32, #tpu.memory_space<hbm>> -> memref<40x128xi32, #tpu.memory_space<hbm>>
        %dma_start3A_46 = arith.constant 0 : i32
        %dma_start3A_47 = arith.constant 0 : i32
        %dma_start3A_48 = tpu.memref_slice %arg5[%arg1, %dma_start3A_46, %dma_start3A_47] : memref<16x80x128xi32, #tpu.memory_space<hbm>> -> memref<1x40x128xi32, #tpu.memory_space<hbm>>
        %dma_start3A_49 = tpu.memref_squeeze %dma_start3A_48 : memref<1x40x128xi32, #tpu.memory_space<hbm>> -> memref<40x128xi32, #tpu.memory_space<hbm>>
        tpu.enqueue_dma source(%dma_start3A_49 : memref<40x128xi32, #tpu.memory_space<hbm>>) target(%arg8 : memref<40x128xi32, #tpu.memory_space<vmem>>) target_semaphore(%run_scoped3A : memref<!tpu.dma_semaphore, #tpu.memory_space<semaphore_mem>>)
        %dma_wait3A = arith.constant 0 : i32
        %dma_wait3A_50 = arith.constant 0 : i32
        %dma_wait3A_51 = tpu.memref_slice %arg5[%arg1, %dma_wait3A, %dma_wait3A_50] : memref<16x80x128xi32, #tpu.memory_space<hbm>> -> memref<1x40x128xi32, #tpu.memory_space<hbm>>
        %dma_wait3A_52 = tpu.memref_squeeze %dma_wait3A_51 : memref<1x40x128xi32, #tpu.memory_space<hbm>> -> memref<40x128xi32, #tpu.memory_space<hbm>>
        %dma_wait3A_53 = arith.constant 0 : i32
        %dma_wait3A_54 = arith.constant 0 : i32
        %dma_wait3A_55 = tpu.memref_slice %arg5[%arg1, %dma_wait3A_53, %dma_wait3A_54] : memref<16x80x128xi32, #tpu.memory_space<hbm>> -> memref<1x40x128xi32, #tpu.memory_space<hbm>>
        %dma_wait3A_56 = tpu.memref_squeeze %dma_wait3A_55 : memref<1x40x128xi32, #tpu.memory_space<hbm>> -> memref<40x128xi32, #tpu.memory_space<hbm>>
        tpu.wait_dma2 semaphore(%run_scoped3A : memref<!tpu.dma_semaphore, #tpu.memory_space<semaphore_mem>>) src(%dma_wait3A_56 : memref<40x128xi32, #tpu.memory_space<hbm>>) dst(%arg8 : memref<40x128xi32, #tpu.memory_space<vmem>>)
        tpu.yield
      }) : () -> ()
      "tpu.region"() ({
        %run_scoped3A = tpu.sem_alloc : memref<!tpu.dma_semaphore, #tpu.memory_space<semaphore_mem>>
        %dma_start3A_42 = arith.constant 0 : i32
        %dma_start3A_43 = arith.constant 0 : i32
        %dma_start3A_44 = tpu.memref_slice %arg6[%arg1, %dma_start3A_42, %dma_start3A_43] : memref<16x80x128xi32, #tpu.memory_space<hbm>> -> memref<1x40x128xi32, #tpu.memory_space<hbm>>
        %dma_start3A_45 = tpu.memref_squeeze %dma_start3A_44 : memref<1x40x128xi32, #tpu.memory_space<hbm>> -> memref<40x128xi32, #tpu.memory_space<hbm>>
        %dma_start3A_46 = arith.constant 0 : i32
        %dma_start3A_47 = arith.constant 0 : i32
        %dma_start3A_48 = tpu.memref_slice %arg6[%arg1, %dma_start3A_46, %dma_start3A_47] : memref<16x80x128xi32, #tpu.memory_space<hbm>> -> memref<1x40x128xi32, #tpu.memory_space<hbm>>
        %dma_start3A_49 = tpu.memref_squeeze %dma_start3A_48 : memref<1x40x128xi32, #tpu.memory_space<hbm>> -> memref<40x128xi32, #tpu.memory_space<hbm>>
        tpu.enqueue_dma source(%dma_start3A_49 : memref<40x128xi32, #tpu.memory_space<hbm>>) target(%arg9 : memref<40x128xi32, #tpu.memory_space<vmem>>) target_semaphore(%run_scoped3A : memref<!tpu.dma_semaphore, #tpu.memory_space<semaphore_mem>>)
        %dma_wait3A = arith.constant 0 : i32
        %dma_wait3A_50 = arith.constant 0 : i32
        %dma_wait3A_51 = tpu.memref_slice %arg6[%arg1, %dma_wait3A, %dma_wait3A_50] : memref<16x80x128xi32, #tpu.memory_space<hbm>> -> memref<1x40x128xi32, #tpu.memory_space<hbm>>
        %dma_wait3A_52 = tpu.memref_squeeze %dma_wait3A_51 : memref<1x40x128xi32, #tpu.memory_space<hbm>> -> memref<40x128xi32, #tpu.memory_space<hbm>>
        %dma_wait3A_53 = arith.constant 0 : i32
        %dma_wait3A_54 = arith.constant 0 : i32
        %dma_wait3A_55 = tpu.memref_slice %arg6[%arg1, %dma_wait3A_53, %dma_wait3A_54] : memref<16x80x128xi32, #tpu.memory_space<hbm>> -> memref<1x40x128xi32, #tpu.memory_space<hbm>>
        %dma_wait3A_56 = tpu.memref_squeeze %dma_wait3A_55 : memref<1x40x128xi32, #tpu.memory_space<hbm>> -> memref<40x128xi32, #tpu.memory_space<hbm>>
        tpu.wait_dma2 semaphore(%run_scoped3A : memref<!tpu.dma_semaphore, #tpu.memory_space<semaphore_mem>>) src(%dma_wait3A_56 : memref<40x128xi32, #tpu.memory_space<hbm>>) dst(%arg9 : memref<40x128xi32, #tpu.memory_space<vmem>>)
        tpu.yield
      }) : () -> ()
      %dma_start3A = arith.constant 0 : i32
      %dma_start3A_18 = arith.constant 0 : i32
      %dma_start3A_19 = tpu.memref_slice %arg9[%dma_start3A, %dma_start3A_18] : memref<40x128xi32, #tpu.memory_space<vmem>> -> memref<1x128xi32, #tpu.memory_space<vmem>>
      %dma_start3A_20 = tpu.memref_squeeze %dma_start3A_19 : memref<1x128xi32, #tpu.memory_space<vmem>> -> memref<128xi32, #tpu.memory_space<vmem>>
      %dma_start3A_21 = arith.constant 0 : i32
      %dma_start3A_22 = arith.constant 0 : i32
      %dma_start3A_23 = tpu.memref_slice %arg3[%dma_start3A_21, %dma_start3A_22] : memref<10112x128xf32, #tpu.memory_space<hbm>> -> memref<10112x128xf32, #tpu.memory_space<hbm>>
      tpu.enqueue_indirect_dma source(%dma_start3A_23 : memref<10112x128xf32, #tpu.memory_space<hbm>>) target(%arg10 : memref<128x128xf32, #tpu.memory_space<vmem>>) offsets(%dma_start3A_20 : memref<128xi32, #tpu.memory_space<vmem>>) semaphore(%arg13 : memref<!tpu.dma_semaphore, #tpu.memory_space<semaphore_mem>>)
      %scan3A = arith.constant 0 : i32
      %scan3A_24 = arith.constant 0 : i32
      %scan3A_25 = arith.constant 20 : i32
      %scan3A_26 = arith.addi %scan3A_24, %scan3A_25 : i32
      %scan3A_27 = arith.constant 1 : i32
      scf.for %scan3A_42 = %scan3A_24 to %scan3A_26 step %scan3A_27  : i32 {
        %mul3A_43 = arith.constant 2 : i32
        %mul3A_44 = arith.muli %mul3A_43, %scan3A_42 : i32
        %add3A = arith.constant 1 : i32
        %add3A_45 = arith.addi %mul3A_44, %add3A : i32
        %dma_start3A_46 = arith.constant 0 : i32
        %dma_start3A_47 = tpu.memref_slice %arg9[%add3A_45, %dma_start3A_46] : memref<40x128xi32, #tpu.memory_space<vmem>> -> memref<1x128xi32, #tpu.memory_space<vmem>>
        %dma_start3A_48 = tpu.memref_squeeze %dma_start3A_47 : memref<1x128xi32, #tpu.memory_space<vmem>> -> memref<128xi32, #tpu.memory_space<vmem>>
        %dma_start3A_49 = arith.constant 0 : i32
        %dma_start3A_50 = arith.constant 0 : i32
        %dma_start3A_51 = tpu.memref_slice %arg3[%dma_start3A_49, %dma_start3A_50] : memref<10112x128xf32, #tpu.memory_space<hbm>> -> memref<10112x128xf32, #tpu.memory_space<hbm>>
        tpu.enqueue_indirect_dma source(%dma_start3A_51 : memref<10112x128xf32, #tpu.memory_space<hbm>>) target(%arg11 : memref<128x128xf32, #tpu.memory_space<vmem>>) offsets(%dma_start3A_48 : memref<128xi32, #tpu.memory_space<vmem>>) semaphore(%arg14 : memref<!tpu.dma_semaphore, #tpu.memory_space<semaphore_mem>>)
        %dma_wait3A = arith.constant 0 : i32
        %dma_wait3A_52 = arith.constant 0 : i32
        %dma_wait3A_53 = tpu.memref_slice %arg3[%dma_wait3A, %dma_wait3A_52] : memref<10112x128xf32, #tpu.memory_space<hbm>> -> memref<128x128xf32, #tpu.memory_space<hbm>>
        %dma_wait3A_54 = arith.constant 0 : i32
        %dma_wait3A_55 = arith.constant 0 : i32
        %dma_wait3A_56 = tpu.memref_slice %arg3[%dma_wait3A_54, %dma_wait3A_55] : memref<10112x128xf32, #tpu.memory_space<hbm>> -> memref<128x128xf32, #tpu.memory_space<hbm>>
        tpu.wait_dma2 semaphore(%arg13 : memref<!tpu.dma_semaphore, #tpu.memory_space<semaphore_mem>>) src(%dma_wait3A_56 : memref<128x128xf32, #tpu.memory_space<hbm>>) dst(%arg10 : memref<128x128xf32, #tpu.memory_space<vmem>>)
        "tpu.region"() ({
          %run_scoped3A = tpu.sem_alloc : memref<!tpu.dma_semaphore, #tpu.memory_space<semaphore_mem>>
          %dma_start3A_70 = arith.constant 0 : i32
          %dma_start3A_71 = tpu.memref_slice %arg8[%mul3A_44, %dma_start3A_70] : memref<40x128xi32, #tpu.memory_space<vmem>> -> memref<1x128xi32, #tpu.memory_space<vmem>>
          %dma_start3A_72 = tpu.memref_squeeze %dma_start3A_71 : memref<1x128xi32, #tpu.memory_space<vmem>> -> memref<128xi32, #tpu.memory_space<vmem>>
          %dma_start3A_73 = arith.constant 0 : i32
          %dma_start3A_74 = arith.constant 0 : i32
          %dma_start3A_75 = tpu.memref_slice %arg12[%dma_start3A_73, %dma_start3A_74] : memref<10112x128xf32, #tpu.memory_space<vmem_shared>> -> memref<10112x128xf32, #tpu.memory_space<vmem_shared>>
          tpu.enqueue_indirect_dma source(%arg10 : memref<128x128xf32, #tpu.memory_space<vmem>>) target(%dma_start3A_75 : memref<10112x128xf32, #tpu.memory_space<vmem_shared>>) offsets(%dma_start3A_72 : memref<128xi32, #tpu.memory_space<vmem>>) semaphore(%run_scoped3A : memref<!tpu.dma_semaphore, #tpu.memory_space<semaphore_mem>>) {add = true}
          %dma_wait3A_76 = arith.constant 0 : i32
          %dma_wait3A_77 = tpu.memref_slice %arg8[%mul3A_44, %dma_wait3A_76] : memref<40x128xi32, #tpu.memory_space<vmem>> -> memref<1x128xi32, #tpu.memory_space<vmem>>
          %dma_wait3A_78 = tpu.memref_squeeze %dma_wait3A_77 : memref<1x128xi32, #tpu.memory_space<vmem>> -> memref<128xi32, #tpu.memory_space<vmem>>
          %dma_wait3A_79 = arith.constant 0 : i32
          %dma_wait3A_80 = arith.constant 0 : i32
          %dma_wait3A_81 = tpu.memref_slice %arg12[%dma_wait3A_79, %dma_wait3A_80] : memref<10112x128xf32, #tpu.memory_space<vmem_shared>> -> memref<10112x128xf32, #tpu.memory_space<vmem_shared>>
          tpu.wait_indirect_dma semaphore(%run_scoped3A : memref<!tpu.dma_semaphore, #tpu.memory_space<semaphore_mem>>) src(%arg10 : memref<128x128xf32, #tpu.memory_space<vmem>>) dst(%dma_wait3A_81 : memref<10112x128xf32, #tpu.memory_space<vmem_shared>>)
          tpu.yield
        }) : () -> ()
        %lt3A_57 = arith.constant 19 : i32
        %lt3A_58 = arith.cmpi slt, %scan3A_42, %lt3A_57 : i32
        %convert_element_type3A_59 = arith.extui %lt3A_58 : i1 to i32
        %cond3A_60 = arith.constant 0 : i32
        %cond3A_61 = arith.cmpi ne, %convert_element_type3A_59, %cond3A_60 : i32
        scf.if %cond3A_61 {
          %add3A_70 = arith.constant 2 : i32
          %add3A_71 = arith.addi %mul3A_44, %add3A_70 : i32
          %dma_start3A_72 = arith.constant 0 : i32
          %dma_start3A_73 = tpu.memref_slice %arg9[%add3A_71, %dma_start3A_72] : memref<40x128xi32, #tpu.memory_space<vmem>> -> memref<1x128xi32, #tpu.memory_space<vmem>>
          %dma_start3A_74 = tpu.memref_squeeze %dma_start3A_73 : memref<1x128xi32, #tpu.memory_space<vmem>> -> memref<128xi32, #tpu.memory_space<vmem>>
          %dma_start3A_75 = arith.constant 0 : i32
          %dma_start3A_76 = arith.constant 0 : i32
          %dma_start3A_77 = tpu.memref_slice %arg3[%dma_start3A_75, %dma_start3A_76] : memref<10112x128xf32, #tpu.memory_space<hbm>> -> memref<10112x128xf32, #tpu.memory_space<hbm>>
          tpu.enqueue_indirect_dma source(%dma_start3A_77 : memref<10112x128xf32, #tpu.memory_space<hbm>>) target(%arg10 : memref<128x128xf32, #tpu.memory_space<vmem>>) offsets(%dma_start3A_74 : memref<128xi32, #tpu.memory_space<vmem>>) semaphore(%arg13 : memref<!tpu.dma_semaphore, #tpu.memory_space<semaphore_mem>>)
        } else {
        }
        %dma_wait3A_62 = arith.constant 0 : i32
        %dma_wait3A_63 = tpu.memref_slice %arg9[%add3A_45, %dma_wait3A_62] : memref<40x128xi32, #tpu.memory_space<vmem>> -> memref<1x128xi32, #tpu.memory_space<vmem>>
        %dma_wait3A_64 = tpu.memref_squeeze %dma_wait3A_63 : memref<1x128xi32, #tpu.memory_space<vmem>> -> memref<128xi32, #tpu.memory_space<vmem>>
        %dma_wait3A_65 = arith.constant 0 : i32
        %dma_wait3A_66 = arith.constant 0 : i32
        %dma_wait3A_67 = tpu.memref_slice %arg3[%dma_wait3A_65, %dma_wait3A_66] : memref<10112x128xf32, #tpu.memory_space<hbm>> -> memref<10112x128xf32, #tpu.memory_space<hbm>>
        tpu.wait_indirect_dma semaphore(%arg14 : memref<!tpu.dma_semaphore, #tpu.memory_space<semaphore_mem>>) src(%dma_wait3A_67 : memref<10112x128xf32, #tpu.memory_space<hbm>>) dst(%arg11 : memref<128x128xf32, #tpu.memory_space<vmem>>)
        %add3A_68 = arith.constant 1 : i32
        %add3A_69 = arith.addi %mul3A_44, %add3A_68 : i32
        "tpu.region"() ({
          %run_scoped3A = tpu.sem_alloc : memref<!tpu.dma_semaphore, #tpu.memory_space<semaphore_mem>>
          %dma_start3A_70 = arith.constant 0 : i32
          %dma_start3A_71 = tpu.memref_slice %arg8[%add3A_69, %dma_start3A_70] : memref<40x128xi32, #tpu.memory_space<vmem>> -> memref<1x128xi32, #tpu.memory_space<vmem>>
          %dma_start3A_72 = tpu.memref_squeeze %dma_start3A_71 : memref<1x128xi32, #tpu.memory_space<vmem>> -> memref<128xi32, #tpu.memory_space<vmem>>
          %dma_start3A_73 = arith.constant 0 : i32
          %dma_start3A_74 = arith.constant 0 : i32
          %dma_start3A_75 = tpu.memref_slice %arg12[%dma_start3A_73, %dma_start3A_74] : memref<10112x128xf32, #tpu.memory_space<vmem_shared>> -> memref<10112x128xf32, #tpu.memory_space<vmem_shared>>
          tpu.enqueue_indirect_dma source(%arg11 : memref<128x128xf32, #tpu.memory_space<vmem>>) target(%dma_start3A_75 : memref<10112x128xf32, #tpu.memory_space<vmem_shared>>) offsets(%dma_start3A_72 : memref<128xi32, #tpu.memory_space<vmem>>) semaphore(%run_scoped3A : memref<!tpu.dma_semaphore, #tpu.memory_space<semaphore_mem>>) {add = true}
          %dma_wait3A_76 = arith.constant 0 : i32
          %dma_wait3A_77 = tpu.memref_slice %arg8[%add3A_69, %dma_wait3A_76] : memref<40x128xi32, #tpu.memory_space<vmem>> -> memref<1x128xi32, #tpu.memory_space<vmem>>
          %dma_wait3A_78 = tpu.memref_squeeze %dma_wait3A_77 : memref<1x128xi32, #tpu.memory_space<vmem>> -> memref<128xi32, #tpu.memory_space<vmem>>
          %dma_wait3A_79 = arith.constant 0 : i32
          %dma_wait3A_80 = arith.constant 0 : i32
          %dma_wait3A_81 = tpu.memref_slice %arg12[%dma_wait3A_79, %dma_wait3A_80] : memref<10112x128xf32, #tpu.memory_space<vmem_shared>> -> memref<10112x128xf32, #tpu.memory_space<vmem_shared>>
          tpu.wait_indirect_dma semaphore(%run_scoped3A : memref<!tpu.dma_semaphore, #tpu.memory_space<semaphore_mem>>) src(%arg11 : memref<128x128xf32, #tpu.memory_space<vmem>>) dst(%dma_wait3A_81 : memref<10112x128xf32, #tpu.memory_space<vmem_shared>>)
          tpu.yield
        }) : () -> ()
      }
      %scan3A_28 = arith.constant 20 : i32
      "tpu.region"() ({
        %run_scoped3A = tpu.sem_alloc : memref<!tpu.dma_semaphore, #tpu.memory_space<semaphore_mem>>
        %dma_start3A_42 = arith.constant 40 : i32
        %dma_start3A_43 = arith.constant 0 : i32
        %dma_start3A_44 = tpu.memref_slice %arg5[%arg1, %dma_start3A_42, %dma_start3A_43] : memref<16x80x128xi32, #tpu.memory_space<hbm>> -> memref<1x40x128xi32, #tpu.memory_space<hbm>>
        %dma_start3A_45 = tpu.memref_squeeze %dma_start3A_44 : memref<1x40x128xi32, #tpu.memory_space<hbm>> -> memref<40x128xi32, #tpu.memory_space<hbm>>
        %dma_start3A_46 = arith.constant 40 : i32
        %dma_start3A_47 = arith.constant 0 : i32
        %dma_start3A_48 = tpu.memref_slice %arg5[%arg1, %dma_start3A_46, %dma_start3A_47] : memref<16x80x128xi32, #tpu.memory_space<hbm>> -> memref<1x40x128xi32, #tpu.memory_space<hbm>>
        %dma_start3A_49 = tpu.memref_squeeze %dma_start3A_48 : memref<1x40x128xi32, #tpu.memory_space<hbm>> -> memref<40x128xi32, #tpu.memory_space<hbm>>
        tpu.enqueue_dma source(%dma_start3A_49 : memref<40x128xi32, #tpu.memory_space<hbm>>) target(%arg8 : memref<40x128xi32, #tpu.memory_space<vmem>>) target_semaphore(%run_scoped3A : memref<!tpu.dma_semaphore, #tpu.memory_space<semaphore_mem>>)
        %dma_wait3A = arith.constant 40 : i32
        %dma_wait3A_50 = arith.constant 0 : i32
        %dma_wait3A_51 = tpu.memref_slice %arg5[%arg1, %dma_wait3A, %dma_wait3A_50] : memref<16x80x128xi32, #tpu.memory_space<hbm>> -> memref<1x40x128xi32, #tpu.memory_space<hbm>>
        %dma_wait3A_52 = tpu.memref_squeeze %dma_wait3A_51 : memref<1x40x128xi32, #tpu.memory_space<hbm>> -> memref<40x128xi32, #tpu.memory_space<hbm>>
        %dma_wait3A_53 = arith.constant 40 : i32
        %dma_wait3A_54 = arith.constant 0 : i32
        %dma_wait3A_55 = tpu.memref_slice %arg5[%arg1, %dma_wait3A_53, %dma_wait3A_54] : memref<16x80x128xi32, #tpu.memory_space<hbm>> -> memref<1x40x128xi32, #tpu.memory_space<hbm>>
        %dma_wait3A_56 = tpu.memref_squeeze %dma_wait3A_55 : memref<1x40x128xi32, #tpu.memory_space<hbm>> -> memref<40x128xi32, #tpu.memory_space<hbm>>
        tpu.wait_dma2 semaphore(%run_scoped3A : memref<!tpu.dma_semaphore, #tpu.memory_space<semaphore_mem>>) src(%dma_wait3A_56 : memref<40x128xi32, #tpu.memory_space<hbm>>) dst(%arg8 : memref<40x128xi32, #tpu.memory_space<vmem>>)
        tpu.yield
      }) : () -> ()
      "tpu.region"() ({
        %run_scoped3A = tpu.sem_alloc : memref<!tpu.dma_semaphore, #tpu.memory_space<semaphore_mem>>
        %dma_start3A_42 = arith.constant 40 : i32
        %dma_start3A_43 = arith.constant 0 : i32
        %dma_start3A_44 = tpu.memref_slice %arg6[%arg1, %dma_start3A_42, %dma_start3A_43] : memref<16x80x128xi32, #tpu.memory_space<hbm>> -> memref<1x40x128xi32, #tpu.memory_space<hbm>>
        %dma_start3A_45 = tpu.memref_squeeze %dma_start3A_44 : memref<1x40x128xi32, #tpu.memory_space<hbm>> -> memref<40x128xi32, #tpu.memory_space<hbm>>
        %dma_start3A_46 = arith.constant 40 : i32
        %dma_start3A_47 = arith.constant 0 : i32
        %dma_start3A_48 = tpu.memref_slice %arg6[%arg1, %dma_start3A_46, %dma_start3A_47] : memref<16x80x128xi32, #tpu.memory_space<hbm>> -> memref<1x40x128xi32, #tpu.memory_space<hbm>>
        %dma_start3A_49 = tpu.memref_squeeze %dma_start3A_48 : memref<1x40x128xi32, #tpu.memory_space<hbm>> -> memref<40x128xi32, #tpu.memory_space<hbm>>
        tpu.enqueue_dma source(%dma_start3A_49 : memref<40x128xi32, #tpu.memory_space<hbm>>) target(%arg9 : memref<40x128xi32, #tpu.memory_space<vmem>>) target_semaphore(%run_scoped3A : memref<!tpu.dma_semaphore, #tpu.memory_space<semaphore_mem>>)
        %dma_wait3A = arith.constant 40 : i32
        %dma_wait3A_50 = arith.constant 0 : i32
        %dma_wait3A_51 = tpu.memref_slice %arg6[%arg1, %dma_wait3A, %dma_wait3A_50] : memref<16x80x128xi32, #tpu.memory_space<hbm>> -> memref<1x40x128xi32, #tpu.memory_space<hbm>>
        %dma_wait3A_52 = tpu.memref_squeeze %dma_wait3A_51 : memref<1x40x128xi32, #tpu.memory_space<hbm>> -> memref<40x128xi32, #tpu.memory_space<hbm>>
        %dma_wait3A_53 = arith.constant 40 : i32
        %dma_wait3A_54 = arith.constant 0 : i32
        %dma_wait3A_55 = tpu.memref_slice %arg6[%arg1, %dma_wait3A_53, %dma_wait3A_54] : memref<16x80x128xi32, #tpu.memory_space<hbm>> -> memref<1x40x128xi32, #tpu.memory_space<hbm>>
        %dma_wait3A_56 = tpu.memref_squeeze %dma_wait3A_55 : memref<1x40x128xi32, #tpu.memory_space<hbm>> -> memref<40x128xi32, #tpu.memory_space<hbm>>
        tpu.wait_dma2 semaphore(%run_scoped3A : memref<!tpu.dma_semaphore, #tpu.memory_space<semaphore_mem>>) src(%dma_wait3A_56 : memref<40x128xi32, #tpu.memory_space<hbm>>) dst(%arg9 : memref<40x128xi32, #tpu.memory_space<vmem>>)
        tpu.yield
      }) : () -> ()
      %dma_start3A_29 = arith.constant 0 : i32
      %dma_start3A_30 = arith.constant 0 : i32
      %dma_start3A_31 = tpu.memref_slice %arg9[%dma_start3A_29, %dma_start3A_30] : memref<40x128xi32, #tpu.memory_space<vmem>> -> memref<1x128xi32, #tpu.memory_space<vmem>>
      %dma_start3A_32 = tpu.memref_squeeze %dma_start3A_31 : memref<1x128xi32, #tpu.memory_space<vmem>> -> memref<128xi32, #tpu.memory_space<vmem>>
      %dma_start3A_33 = arith.constant 0 : i32
      %dma_start3A_34 = arith.constant 0 : i32
      %dma_start3A_35 = tpu.memref_slice %arg3[%dma_start3A_33, %dma_start3A_34] : memref<10112x128xf32, #tpu.memory_space<hbm>> -> memref<10112x128xf32, #tpu.memory_space<hbm>>
      tpu.enqueue_indirect_dma source(%dma_start3A_35 : memref<10112x128xf32, #tpu.memory_space<hbm>>) target(%arg10 : memref<128x128xf32, #tpu.memory_space<vmem>>) offsets(%dma_start3A_32 : memref<128xi32, #tpu.memory_space<vmem>>) semaphore(%arg13 : memref<!tpu.dma_semaphore, #tpu.memory_space<semaphore_mem>>)
      %scan3A_36 = arith.constant 0 : i32
      %scan3A_37 = arith.constant 0 : i32
      %scan3A_38 = arith.constant 20 : i32
      %scan3A_39 = arith.addi %scan3A_37, %scan3A_38 : i32
      %scan3A_40 = arith.constant 1 : i32
      scf.for %scan3A_42 = %scan3A_37 to %scan3A_39 step %scan3A_40  : i32 {
        %mul3A_43 = arith.constant 2 : i32
        %mul3A_44 = arith.muli %mul3A_43, %scan3A_42 : i32
        %add3A = arith.constant 1 : i32
        %add3A_45 = arith.addi %mul3A_44, %add3A : i32
        %dma_start3A_46 = arith.constant 0 : i32
        %dma_start3A_47 = tpu.memref_slice %arg9[%add3A_45, %dma_start3A_46] : memref<40x128xi32, #tpu.memory_space<vmem>> -> memref<1x128xi32, #tpu.memory_space<vmem>>
        %dma_start3A_48 = tpu.memref_squeeze %dma_start3A_47 : memref<1x128xi32, #tpu.memory_space<vmem>> -> memref<128xi32, #tpu.memory_space<vmem>>
        %dma_start3A_49 = arith.constant 0 : i32
        %dma_start3A_50 = arith.constant 0 : i32
        %dma_start3A_51 = tpu.memref_slice %arg3[%dma_start3A_49, %dma_start3A_50] : memref<10112x128xf32, #tpu.memory_space<hbm>> -> memref<10112x128xf32, #tpu.memory_space<hbm>>
        tpu.enqueue_indirect_dma source(%dma_start3A_51 : memref<10112x128xf32, #tpu.memory_space<hbm>>) target(%arg11 : memref<128x128xf32, #tpu.memory_space<vmem>>) offsets(%dma_start3A_48 : memref<128xi32, #tpu.memory_space<vmem>>) semaphore(%arg14 : memref<!tpu.dma_semaphore, #tpu.memory_space<semaphore_mem>>)
        %dma_wait3A = arith.constant 0 : i32
        %dma_wait3A_52 = arith.constant 0 : i32
        %dma_wait3A_53 = tpu.memref_slice %arg3[%dma_wait3A, %dma_wait3A_52] : memref<10112x128xf32, #tpu.memory_space<hbm>> -> memref<128x128xf32, #tpu.memory_space<hbm>>
        %dma_wait3A_54 = arith.constant 0 : i32
        %dma_wait3A_55 = arith.constant 0 : i32
        %dma_wait3A_56 = tpu.memref_slice %arg3[%dma_wait3A_54, %dma_wait3A_55] : memref<10112x128xf32, #tpu.memory_space<hbm>> -> memref<128x128xf32, #tpu.memory_space<hbm>>
        tpu.wait_dma2 semaphore(%arg13 : memref<!tpu.dma_semaphore, #tpu.memory_space<semaphore_mem>>) src(%dma_wait3A_56 : memref<128x128xf32, #tpu.memory_space<hbm>>) dst(%arg10 : memref<128x128xf32, #tpu.memory_space<vmem>>)
        "tpu.region"() ({
          %run_scoped3A = tpu.sem_alloc : memref<!tpu.dma_semaphore, #tpu.memory_space<semaphore_mem>>
          %dma_start3A_70 = arith.constant 0 : i32
          %dma_start3A_71 = tpu.memref_slice %arg8[%mul3A_44, %dma_start3A_70] : memref<40x128xi32, #tpu.memory_space<vmem>> -> memref<1x128xi32, #tpu.memory_space<vmem>>
          %dma_start3A_72 = tpu.memref_squeeze %dma_start3A_71 : memref<1x128xi32, #tpu.memory_space<vmem>> -> memref<128xi32, #tpu.memory_space<vmem>>
          %dma_start3A_73 = arith.constant 0 : i32
          %dma_start3A_74 = arith.constant 0 : i32
          %dma_start3A_75 = tpu.memref_slice %arg12[%dma_start3A_73, %dma_start3A_74] : memref<10112x128xf32, #tpu.memory_space<vmem_shared>> -> memref<10112x128xf32, #tpu.memory_space<vmem_shared>>
          tpu.enqueue_indirect_dma source(%arg10 : memref<128x128xf32, #tpu.memory_space<vmem>>) target(%dma_start3A_75 : memref<10112x128xf32, #tpu.memory_space<vmem_shared>>) offsets(%dma_start3A_72 : memref<128xi32, #tpu.memory_space<vmem>>) semaphore(%run_scoped3A : memref<!tpu.dma_semaphore, #tpu.memory_space<semaphore_mem>>) {add = true}
          %dma_wait3A_76 = arith.constant 0 : i32
          %dma_wait3A_77 = tpu.memref_slice %arg8[%mul3A_44, %dma_wait3A_76] : memref<40x128xi32, #tpu.memory_space<vmem>> -> memref<1x128xi32, #tpu.memory_space<vmem>>
          %dma_wait3A_78 = tpu.memref_squeeze %dma_wait3A_77 : memref<1x128xi32, #tpu.memory_space<vmem>> -> memref<128xi32, #tpu.memory_space<vmem>>
          %dma_wait3A_79 = arith.constant 0 : i32
          %dma_wait3A_80 = arith.constant 0 : i32
          %dma_wait3A_81 = tpu.memref_slice %arg12[%dma_wait3A_79, %dma_wait3A_80] : memref<10112x128xf32, #tpu.memory_space<vmem_shared>> -> memref<10112x128xf32, #tpu.memory_space<vmem_shared>>
          tpu.wait_indirect_dma semaphore(%run_scoped3A : memref<!tpu.dma_semaphore, #tpu.memory_space<semaphore_mem>>) src(%arg10 : memref<128x128xf32, #tpu.memory_space<vmem>>) dst(%dma_wait3A_81 : memref<10112x128xf32, #tpu.memory_space<vmem_shared>>)
          tpu.yield
        }) : () -> ()
        %lt3A_57 = arith.constant 19 : i32
        %lt3A_58 = arith.cmpi slt, %scan3A_42, %lt3A_57 : i32
        %convert_element_type3A_59 = arith.extui %lt3A_58 : i1 to i32
        %cond3A_60 = arith.constant 0 : i32
        %cond3A_61 = arith.cmpi ne, %convert_element_type3A_59, %cond3A_60 : i32
        scf.if %cond3A_61 {
          %add3A_70 = arith.constant 2 : i32
          %add3A_71 = arith.addi %mul3A_44, %add3A_70 : i32
          %dma_start3A_72 = arith.constant 0 : i32
          %dma_start3A_73 = tpu.memref_slice %arg9[%add3A_71, %dma_start3A_72] : memref<40x128xi32, #tpu.memory_space<vmem>> -> memref<1x128xi32, #tpu.memory_space<vmem>>
          %dma_start3A_74 = tpu.memref_squeeze %dma_start3A_73 : memref<1x128xi32, #tpu.memory_space<vmem>> -> memref<128xi32, #tpu.memory_space<vmem>>
          %dma_start3A_75 = arith.constant 0 : i32
          %dma_start3A_76 = arith.constant 0 : i32
          %dma_start3A_77 = tpu.memref_slice %arg3[%dma_start3A_75, %dma_start3A_76] : memref<10112x128xf32, #tpu.memory_space<hbm>> -> memref<10112x128xf32, #tpu.memory_space<hbm>>
          tpu.enqueue_indirect_dma source(%dma_start3A_77 : memref<10112x128xf32, #tpu.memory_space<hbm>>) target(%arg10 : memref<128x128xf32, #tpu.memory_space<vmem>>) offsets(%dma_start3A_74 : memref<128xi32, #tpu.memory_space<vmem>>) semaphore(%arg13 : memref<!tpu.dma_semaphore, #tpu.memory_space<semaphore_mem>>)
        } else {
        }
        %dma_wait3A_62 = arith.constant 0 : i32
        %dma_wait3A_63 = tpu.memref_slice %arg9[%add3A_45, %dma_wait3A_62] : memref<40x128xi32, #tpu.memory_space<vmem>> -> memref<1x128xi32, #tpu.memory_space<vmem>>
        %dma_wait3A_64 = tpu.memref_squeeze %dma_wait3A_63 : memref<1x128xi32, #tpu.memory_space<vmem>> -> memref<128xi32, #tpu.memory_space<vmem>>
        %dma_wait3A_65 = arith.constant 0 : i32
        %dma_wait3A_66 = arith.constant 0 : i32
        %dma_wait3A_67 = tpu.memref_slice %arg3[%dma_wait3A_65, %dma_wait3A_66] : memref<10112x128xf32, #tpu.memory_space<hbm>> -> memref<10112x128xf32, #tpu.memory_space<hbm>>
        tpu.wait_indirect_dma semaphore(%arg14 : memref<!tpu.dma_semaphore, #tpu.memory_space<semaphore_mem>>) src(%dma_wait3A_67 : memref<10112x128xf32, #tpu.memory_space<hbm>>) dst(%arg11 : memref<128x128xf32, #tpu.memory_space<vmem>>)
        %add3A_68 = arith.constant 1 : i32
        %add3A_69 = arith.addi %mul3A_44, %add3A_68 : i32
        "tpu.region"() ({
          %run_scoped3A = tpu.sem_alloc : memref<!tpu.dma_semaphore, #tpu.memory_space<semaphore_mem>>
          %dma_start3A_70 = arith.constant 0 : i32
          %dma_start3A_71 = tpu.memref_slice %arg8[%add3A_69, %dma_start3A_70] : memref<40x128xi32, #tpu.memory_space<vmem>> -> memref<1x128xi32, #tpu.memory_space<vmem>>
          %dma_start3A_72 = tpu.memref_squeeze %dma_start3A_71 : memref<1x128xi32, #tpu.memory_space<vmem>> -> memref<128xi32, #tpu.memory_space<vmem>>
          %dma_start3A_73 = arith.constant 0 : i32
          %dma_start3A_74 = arith.constant 0 : i32
          %dma_start3A_75 = tpu.memref_slice %arg12[%dma_start3A_73, %dma_start3A_74] : memref<10112x128xf32, #tpu.memory_space<vmem_shared>> -> memref<10112x128xf32, #tpu.memory_space<vmem_shared>>
          tpu.enqueue_indirect_dma source(%arg11 : memref<128x128xf32, #tpu.memory_space<vmem>>) target(%dma_start3A_75 : memref<10112x128xf32, #tpu.memory_space<vmem_shared>>) offsets(%dma_start3A_72 : memref<128xi32, #tpu.memory_space<vmem>>) semaphore(%run_scoped3A : memref<!tpu.dma_semaphore, #tpu.memory_space<semaphore_mem>>) {add = true}
          %dma_wait3A_76 = arith.constant 0 : i32
          %dma_wait3A_77 = tpu.memref_slice %arg8[%add3A_69, %dma_wait3A_76] : memref<40x128xi32, #tpu.memory_space<vmem>> -> memref<1x128xi32, #tpu.memory_space<vmem>>
          %dma_wait3A_78 = tpu.memref_squeeze %dma_wait3A_77 : memref<1x128xi32, #tpu.memory_space<vmem>> -> memref<128xi32, #tpu.memory_space<vmem>>
          %dma_wait3A_79 = arith.constant 0 : i32
          %dma_wait3A_80 = arith.constant 0 : i32
          %dma_wait3A_81 = tpu.memref_slice %arg12[%dma_wait3A_79, %dma_wait3A_80] : memref<10112x128xf32, #tpu.memory_space<vmem_shared>> -> memref<10112x128xf32, #tpu.memory_space<vmem_shared>>
          tpu.wait_indirect_dma semaphore(%run_scoped3A : memref<!tpu.dma_semaphore, #tpu.memory_space<semaphore_mem>>) src(%arg11 : memref<128x128xf32, #tpu.memory_space<vmem>>) dst(%dma_wait3A_81 : memref<10112x128xf32, #tpu.memory_space<vmem_shared>>)
          tpu.yield
        }) : () -> ()
      }
      %scan3A_41 = arith.constant 20 : i32
    } else {
    }
    %barrier3A_8 = arith.constant 0 : index
    tpu.barrier barrier_id(%barrier3A_8)
    %lt3A = arith.constant 15 : i32
    %lt3A_9 = arith.cmpi slt, %arg1, %lt3A : i32
    %convert_element_type3A_10 = arith.extui %lt3A_9 : i1 to i32
    %cond3A_11 = arith.constant 0 : i32
    %cond3A_12 = arith.cmpi ne, %convert_element_type3A_10, %cond3A_11 : i32
    scf.if %cond3A_12 {
      "tpu.region"() ({
        %run_scoped3A = tpu.sem_alloc : memref<!tpu.dma_semaphore, #tpu.memory_space<semaphore_mem>>
        %dma_start3A = arith.constant 0 : i32
        %dma_start3A_18 = tpu.memref_slice %arg7[%arg0, %mul3A_0, %dma_start3A] : memref<2x10000x128xf32, #tpu.memory_space<hbm>> -> memref<1x632x128xf32, #tpu.memory_space<hbm>>
        %dma_start3A_19 = tpu.memref_squeeze %dma_start3A_18 : memref<1x632x128xf32, #tpu.memory_space<hbm>> -> memref<632x128xf32, #tpu.memory_space<hbm>>
        %dma_start3A_20 = arith.constant 0 : i32
        %dma_start3A_21 = tpu.memref_slice %arg12[%mul3A_0, %dma_start3A_20] : memref<10112x128xf32, #tpu.memory_space<vmem_shared>> -> memref<632x128xf32, #tpu.memory_space<vmem_shared>>
        tpu.enqueue_dma source(%dma_start3A_21 : memref<632x128xf32, #tpu.memory_space<vmem_shared>>) target(%dma_start3A_19 : memref<632x128xf32, #tpu.memory_space<hbm>>) target_semaphore(%run_scoped3A : memref<!tpu.dma_semaphore, #tpu.memory_space<semaphore_mem>>)
        %dma_wait3A = arith.constant 0 : i32
        %dma_wait3A_22 = tpu.memref_slice %arg7[%arg0, %mul3A_0, %dma_wait3A] : memref<2x10000x128xf32, #tpu.memory_space<hbm>> -> memref<1x632x128xf32, #tpu.memory_space<hbm>>
        %dma_wait3A_23 = tpu.memref_squeeze %dma_wait3A_22 : memref<1x632x128xf32, #tpu.memory_space<hbm>> -> memref<632x128xf32, #tpu.memory_space<hbm>>
        %dma_wait3A_24 = arith.constant 0 : i32
        %dma_wait3A_25 = tpu.memref_slice %arg12[%mul3A_0, %dma_wait3A_24] : memref<10112x128xf32, #tpu.memory_space<vmem_shared>> -> memref<632x128xf32, #tpu.memory_space<vmem_shared>>
        tpu.wait_dma2 semaphore(%run_scoped3A : memref<!tpu.dma_semaphore, #tpu.memory_space<semaphore_mem>>) src(%dma_wait3A_25 : memref<632x128xf32, #tpu.memory_space<vmem_shared>>) dst(%dma_wait3A_23 : memref<632x128xf32, #tpu.memory_space<hbm>>)
        tpu.yield
      }) : () -> ()
    } else {
    }
    %eq3A_13 = arith.constant 15 : i32
    %eq3A_14 = arith.cmpi eq, %arg1, %eq3A_13 : i32
    %convert_element_type3A_15 = arith.extui %eq3A_14 : i1 to i32
    %cond3A_16 = arith.constant 0 : i32
    %cond3A_17 = arith.cmpi ne, %convert_element_type3A_15, %cond3A_16 : i32
    scf.if %cond3A_17 {
      "tpu.region"() ({
        %run_scoped3A = tpu.sem_alloc : memref<!tpu.dma_semaphore, #tpu.memory_space<semaphore_mem>>
        %dma_start3A = arith.constant 9480 : i32
        %dma_start3A_18 = arith.constant 0 : i32
        %dma_start3A_19 = tpu.memref_slice %arg7[%arg0, %dma_start3A, %dma_start3A_18] : memref<2x10000x128xf32, #tpu.memory_space<hbm>> -> memref<1x520x128xf32, #tpu.memory_space<hbm>>
        %dma_start3A_20 = tpu.memref_squeeze %dma_start3A_19 : memref<1x520x128xf32, #tpu.memory_space<hbm>> -> memref<520x128xf32, #tpu.memory_space<hbm>>
        %dma_start3A_21 = arith.constant 9480 : i32
        %dma_start3A_22 = arith.constant 0 : i32
        %dma_start3A_23 = tpu.memref_slice %arg12[%dma_start3A_21, %dma_start3A_22] : memref<10112x128xf32, #tpu.memory_space<vmem_shared>> -> memref<520x128xf32, #tpu.memory_space<vmem_shared>>
        tpu.enqueue_dma source(%dma_start3A_23 : memref<520x128xf32, #tpu.memory_space<vmem_shared>>) target(%dma_start3A_20 : memref<520x128xf32, #tpu.memory_space<hbm>>) target_semaphore(%run_scoped3A : memref<!tpu.dma_semaphore, #tpu.memory_space<semaphore_mem>>)
        %dma_wait3A = arith.constant 9480 : i32
        %dma_wait3A_24 = arith.constant 0 : i32
        %dma_wait3A_25 = tpu.memref_slice %arg7[%arg0, %dma_wait3A, %dma_wait3A_24] : memref<2x10000x128xf32, #tpu.memory_space<hbm>> -> memref<1x520x128xf32, #tpu.memory_space<hbm>>
        %dma_wait3A_26 = tpu.memref_squeeze %dma_wait3A_25 : memref<1x520x128xf32, #tpu.memory_space<hbm>> -> memref<520x128xf32, #tpu.memory_space<hbm>>
        %dma_wait3A_27 = arith.constant 9480 : i32
        %dma_wait3A_28 = arith.constant 0 : i32
        %dma_wait3A_29 = tpu.memref_slice %arg12[%dma_wait3A_27, %dma_wait3A_28] : memref<10112x128xf32, #tpu.memory_space<vmem_shared>> -> memref<520x128xf32, #tpu.memory_space<vmem_shared>>
        tpu.wait_dma2 semaphore(%run_scoped3A : memref<!tpu.dma_semaphore, #tpu.memory_space<semaphore_mem>>) src(%dma_wait3A_29 : memref<520x128xf32, #tpu.memory_space<vmem_shared>>) dst(%dma_wait3A_26 : memref<520x128xf32, #tpu.memory_space<hbm>>)
        tpu.yield
      }) : () -> ()
    } else {
    }
    return
  }
}

#map = affine_map<(d0, d1) -> (0, 0)>
#map1 = affine_map<(d0, d1) -> (0, 0, 0, 0)>
#map2 = affine_map<(d0, d1) -> (0, 0, 0)>
module attributes {stable_mosaic.version = 14 : i64} {
  func.func @scalar_edge_pass(%arg0: i32, %arg1: i32, %arg2: memref<10112x128xf32, #tpu.memory_space<hbm>>, %arg3: memref<632x128xf32, #tpu.memory_space<hbm>>, %arg4: memref<2x16x40x128xi32, #tpu.memory_space<hbm>>, %arg5: memref<2x16x40x128xi32, #tpu.memory_space<hbm>>, %arg6: memref<2x10000x128xf32, #tpu.memory_space<hbm>>, %arg7: memref<40x128xi32, #tpu.memory_space<vmem>>, %arg8: memref<40x128xi32, #tpu.memory_space<vmem>>, %arg9: memref<128x128xf32, #tpu.memory_space<vmem>>, %arg10: memref<128x128xf32, #tpu.memory_space<vmem>>, %arg11: memref<10112x128xf32, #tpu.memory_space<vmem_shared>>, %arg12: memref<!tpu.dma_semaphore, #tpu.memory_space<semaphore_mem>>, %arg13: memref<!tpu.dma_semaphore, #tpu.memory_space<semaphore_mem>>) attributes {dimension_semantics = [#tpu.dimension_semantics<core_parallel>, #tpu.dimension_semantics<subcore_parallel>], iteration_bounds = array<i64: 2, 16>, scalar_prefetch = 0 : i64, scratch_operands = 7 : i64, tpu.core_type = #tpu.core_type<sc_vector_subcore>, window_params = [{transform_indices = #map}, {transform_indices = #map}, {transform_indices = #map1}, {transform_indices = #map1}, {transform_indices = #map2}]} {
    %mul3A = arith.constant 632 : i32
    %mul3A_0 = arith.muli %arg1, %mul3A : i32
    "tpu.region"() ({
      %run_scoped3A = tpu.sem_alloc : memref<!tpu.dma_semaphore, #tpu.memory_space<semaphore_mem>>
      %dma_start3A_19 = arith.constant 0 : i32
      %dma_start3A_20 = tpu.memref_slice %arg11[%mul3A_0, %dma_start3A_19] : memref<10112x128xf32, #tpu.memory_space<vmem_shared>> -> memref<632x128xf32, #tpu.memory_space<vmem_shared>>
      tpu.enqueue_dma source(%arg3 : memref<632x128xf32, #tpu.memory_space<hbm>>) target(%dma_start3A_20 : memref<632x128xf32, #tpu.memory_space<vmem_shared>>) target_semaphore(%run_scoped3A : memref<!tpu.dma_semaphore, #tpu.memory_space<semaphore_mem>>)
      %dma_wait3A = arith.constant 0 : i32
      %dma_wait3A_21 = tpu.memref_slice %arg11[%mul3A_0, %dma_wait3A] : memref<10112x128xf32, #tpu.memory_space<vmem_shared>> -> memref<632x128xf32, #tpu.memory_space<vmem_shared>>
      tpu.wait_dma2 semaphore(%run_scoped3A : memref<!tpu.dma_semaphore, #tpu.memory_space<semaphore_mem>>) src(%arg3 : memref<632x128xf32, #tpu.memory_space<hbm>>) dst(%dma_wait3A_21 : memref<632x128xf32, #tpu.memory_space<vmem_shared>>)
      tpu.yield
    }) : () -> ()
    %barrier3A = arith.constant 0 : index
    tpu.barrier barrier_id(%barrier3A)
    "tpu.region"() ({
      %run_scoped3A = tpu.sem_alloc : memref<!tpu.dma_semaphore, #tpu.memory_space<semaphore_mem>>
      %dma_start3A_19 = arith.constant 0 : i32
      %dma_start3A_20 = arith.constant 0 : i32
      %dma_start3A_21 = tpu.memref_slice %arg4[%arg0, %arg1, %dma_start3A_19, %dma_start3A_20] : memref<2x16x40x128xi32, #tpu.memory_space<hbm>> -> memref<1x1x40x128xi32, #tpu.memory_space<hbm>>
      %dma_start3A_22 = tpu.memref_squeeze %dma_start3A_21 : memref<1x1x40x128xi32, #tpu.memory_space<hbm>> -> memref<40x128xi32, #tpu.memory_space<hbm>>
      %dma_start3A_23 = arith.constant 0 : i32
      %dma_start3A_24 = arith.constant 0 : i32
      %dma_start3A_25 = tpu.memref_slice %arg4[%arg0, %arg1, %dma_start3A_23, %dma_start3A_24] : memref<2x16x40x128xi32, #tpu.memory_space<hbm>> -> memref<1x1x40x128xi32, #tpu.memory_space<hbm>>
      %dma_start3A_26 = tpu.memref_squeeze %dma_start3A_25 : memref<1x1x40x128xi32, #tpu.memory_space<hbm>> -> memref<40x128xi32, #tpu.memory_space<hbm>>
      tpu.enqueue_dma source(%dma_start3A_26 : memref<40x128xi32, #tpu.memory_space<hbm>>) target(%arg7 : memref<40x128xi32, #tpu.memory_space<vmem>>) target_semaphore(%run_scoped3A : memref<!tpu.dma_semaphore, #tpu.memory_space<semaphore_mem>>)
      %dma_wait3A = arith.constant 0 : i32
      %dma_wait3A_27 = arith.constant 0 : i32
      %dma_wait3A_28 = tpu.memref_slice %arg4[%arg0, %arg1, %dma_wait3A, %dma_wait3A_27] : memref<2x16x40x128xi32, #tpu.memory_space<hbm>> -> memref<1x1x40x128xi32, #tpu.memory_space<hbm>>
      %dma_wait3A_29 = tpu.memref_squeeze %dma_wait3A_28 : memref<1x1x40x128xi32, #tpu.memory_space<hbm>> -> memref<40x128xi32, #tpu.memory_space<hbm>>
      %dma_wait3A_30 = arith.constant 0 : i32
      %dma_wait3A_31 = arith.constant 0 : i32
      %dma_wait3A_32 = tpu.memref_slice %arg4[%arg0, %arg1, %dma_wait3A_30, %dma_wait3A_31] : memref<2x16x40x128xi32, #tpu.memory_space<hbm>> -> memref<1x1x40x128xi32, #tpu.memory_space<hbm>>
      %dma_wait3A_33 = tpu.memref_squeeze %dma_wait3A_32 : memref<1x1x40x128xi32, #tpu.memory_space<hbm>> -> memref<40x128xi32, #tpu.memory_space<hbm>>
      tpu.wait_dma2 semaphore(%run_scoped3A : memref<!tpu.dma_semaphore, #tpu.memory_space<semaphore_mem>>) src(%dma_wait3A_33 : memref<40x128xi32, #tpu.memory_space<hbm>>) dst(%arg7 : memref<40x128xi32, #tpu.memory_space<vmem>>)
      tpu.yield
    }) : () -> ()
    "tpu.region"() ({
      %run_scoped3A = tpu.sem_alloc : memref<!tpu.dma_semaphore, #tpu.memory_space<semaphore_mem>>
      %dma_start3A_19 = arith.constant 0 : i32
      %dma_start3A_20 = arith.constant 0 : i32
      %dma_start3A_21 = tpu.memref_slice %arg5[%arg0, %arg1, %dma_start3A_19, %dma_start3A_20] : memref<2x16x40x128xi32, #tpu.memory_space<hbm>> -> memref<1x1x40x128xi32, #tpu.memory_space<hbm>>
      %dma_start3A_22 = tpu.memref_squeeze %dma_start3A_21 : memref<1x1x40x128xi32, #tpu.memory_space<hbm>> -> memref<40x128xi32, #tpu.memory_space<hbm>>
      %dma_start3A_23 = arith.constant 0 : i32
      %dma_start3A_24 = arith.constant 0 : i32
      %dma_start3A_25 = tpu.memref_slice %arg5[%arg0, %arg1, %dma_start3A_23, %dma_start3A_24] : memref<2x16x40x128xi32, #tpu.memory_space<hbm>> -> memref<1x1x40x128xi32, #tpu.memory_space<hbm>>
      %dma_start3A_26 = tpu.memref_squeeze %dma_start3A_25 : memref<1x1x40x128xi32, #tpu.memory_space<hbm>> -> memref<40x128xi32, #tpu.memory_space<hbm>>
      tpu.enqueue_dma source(%dma_start3A_26 : memref<40x128xi32, #tpu.memory_space<hbm>>) target(%arg8 : memref<40x128xi32, #tpu.memory_space<vmem>>) target_semaphore(%run_scoped3A : memref<!tpu.dma_semaphore, #tpu.memory_space<semaphore_mem>>)
      %dma_wait3A = arith.constant 0 : i32
      %dma_wait3A_27 = arith.constant 0 : i32
      %dma_wait3A_28 = tpu.memref_slice %arg5[%arg0, %arg1, %dma_wait3A, %dma_wait3A_27] : memref<2x16x40x128xi32, #tpu.memory_space<hbm>> -> memref<1x1x40x128xi32, #tpu.memory_space<hbm>>
      %dma_wait3A_29 = tpu.memref_squeeze %dma_wait3A_28 : memref<1x1x40x128xi32, #tpu.memory_space<hbm>> -> memref<40x128xi32, #tpu.memory_space<hbm>>
      %dma_wait3A_30 = arith.constant 0 : i32
      %dma_wait3A_31 = arith.constant 0 : i32
      %dma_wait3A_32 = tpu.memref_slice %arg5[%arg0, %arg1, %dma_wait3A_30, %dma_wait3A_31] : memref<2x16x40x128xi32, #tpu.memory_space<hbm>> -> memref<1x1x40x128xi32, #tpu.memory_space<hbm>>
      %dma_wait3A_33 = tpu.memref_squeeze %dma_wait3A_32 : memref<1x1x40x128xi32, #tpu.memory_space<hbm>> -> memref<40x128xi32, #tpu.memory_space<hbm>>
      tpu.wait_dma2 semaphore(%run_scoped3A : memref<!tpu.dma_semaphore, #tpu.memory_space<semaphore_mem>>) src(%dma_wait3A_33 : memref<40x128xi32, #tpu.memory_space<hbm>>) dst(%arg8 : memref<40x128xi32, #tpu.memory_space<vmem>>)
      tpu.yield
    }) : () -> ()
    %dma_start3A = arith.constant 0 : i32
    %dma_start3A_1 = arith.constant 0 : i32
    %dma_start3A_2 = tpu.memref_slice %arg8[%dma_start3A, %dma_start3A_1] : memref<40x128xi32, #tpu.memory_space<vmem>> -> memref<1x128xi32, #tpu.memory_space<vmem>>
    %dma_start3A_3 = tpu.memref_squeeze %dma_start3A_2 : memref<1x128xi32, #tpu.memory_space<vmem>> -> memref<128xi32, #tpu.memory_space<vmem>>
    %dma_start3A_4 = arith.constant 0 : i32
    %dma_start3A_5 = arith.constant 0 : i32
    %dma_start3A_6 = tpu.memref_slice %arg2[%dma_start3A_4, %dma_start3A_5] : memref<10112x128xf32, #tpu.memory_space<hbm>> -> memref<10112x128xf32, #tpu.memory_space<hbm>>
    tpu.enqueue_indirect_dma source(%dma_start3A_6 : memref<10112x128xf32, #tpu.memory_space<hbm>>) target(%arg9 : memref<128x128xf32, #tpu.memory_space<vmem>>) offsets(%dma_start3A_3 : memref<128xi32, #tpu.memory_space<vmem>>) semaphore(%arg12 : memref<!tpu.dma_semaphore, #tpu.memory_space<semaphore_mem>>)
    %scan3A = arith.constant 0 : i32
    %scan3A_7 = arith.constant 0 : i32
    %scan3A_8 = arith.constant 20 : i32
    %scan3A_9 = arith.addi %scan3A_7, %scan3A_8 : i32
    %scan3A_10 = arith.constant 1 : i32
    scf.for %scan3A_19 = %scan3A_7 to %scan3A_9 step %scan3A_10  : i32 {
      %mul3A_20 = arith.constant 2 : i32
      %mul3A_21 = arith.muli %mul3A_20, %scan3A_19 : i32
      %add3A = arith.constant 1 : i32
      %add3A_22 = arith.addi %mul3A_21, %add3A : i32
      %dma_start3A_23 = arith.constant 0 : i32
      %dma_start3A_24 = tpu.memref_slice %arg8[%add3A_22, %dma_start3A_23] : memref<40x128xi32, #tpu.memory_space<vmem>> -> memref<1x128xi32, #tpu.memory_space<vmem>>
      %dma_start3A_25 = tpu.memref_squeeze %dma_start3A_24 : memref<1x128xi32, #tpu.memory_space<vmem>> -> memref<128xi32, #tpu.memory_space<vmem>>
      %dma_start3A_26 = arith.constant 0 : i32
      %dma_start3A_27 = arith.constant 0 : i32
      %dma_start3A_28 = tpu.memref_slice %arg2[%dma_start3A_26, %dma_start3A_27] : memref<10112x128xf32, #tpu.memory_space<hbm>> -> memref<10112x128xf32, #tpu.memory_space<hbm>>
      tpu.enqueue_indirect_dma source(%dma_start3A_28 : memref<10112x128xf32, #tpu.memory_space<hbm>>) target(%arg10 : memref<128x128xf32, #tpu.memory_space<vmem>>) offsets(%dma_start3A_25 : memref<128xi32, #tpu.memory_space<vmem>>) semaphore(%arg13 : memref<!tpu.dma_semaphore, #tpu.memory_space<semaphore_mem>>)
      %dma_wait3A = arith.constant 0 : i32
      %dma_wait3A_29 = arith.constant 0 : i32
      %dma_wait3A_30 = tpu.memref_slice %arg2[%dma_wait3A, %dma_wait3A_29] : memref<10112x128xf32, #tpu.memory_space<hbm>> -> memref<128x128xf32, #tpu.memory_space<hbm>>
      %dma_wait3A_31 = arith.constant 0 : i32
      %dma_wait3A_32 = arith.constant 0 : i32
      %dma_wait3A_33 = tpu.memref_slice %arg2[%dma_wait3A_31, %dma_wait3A_32] : memref<10112x128xf32, #tpu.memory_space<hbm>> -> memref<128x128xf32, #tpu.memory_space<hbm>>
      tpu.wait_dma2 semaphore(%arg12 : memref<!tpu.dma_semaphore, #tpu.memory_space<semaphore_mem>>) src(%dma_wait3A_33 : memref<128x128xf32, #tpu.memory_space<hbm>>) dst(%arg9 : memref<128x128xf32, #tpu.memory_space<vmem>>)
      "tpu.region"() ({
        %run_scoped3A = tpu.sem_alloc : memref<!tpu.dma_semaphore, #tpu.memory_space<semaphore_mem>>
        %dma_start3A_47 = arith.constant 0 : i32
        %dma_start3A_48 = tpu.memref_slice %arg7[%mul3A_21, %dma_start3A_47] : memref<40x128xi32, #tpu.memory_space<vmem>> -> memref<1x128xi32, #tpu.memory_space<vmem>>
        %dma_start3A_49 = tpu.memref_squeeze %dma_start3A_48 : memref<1x128xi32, #tpu.memory_space<vmem>> -> memref<128xi32, #tpu.memory_space<vmem>>
        %dma_start3A_50 = arith.constant 0 : i32
        %dma_start3A_51 = arith.constant 0 : i32
        %dma_start3A_52 = tpu.memref_slice %arg11[%dma_start3A_50, %dma_start3A_51] : memref<10112x128xf32, #tpu.memory_space<vmem_shared>> -> memref<10112x128xf32, #tpu.memory_space<vmem_shared>>
        tpu.enqueue_indirect_dma source(%arg9 : memref<128x128xf32, #tpu.memory_space<vmem>>) target(%dma_start3A_52 : memref<10112x128xf32, #tpu.memory_space<vmem_shared>>) offsets(%dma_start3A_49 : memref<128xi32, #tpu.memory_space<vmem>>) semaphore(%run_scoped3A : memref<!tpu.dma_semaphore, #tpu.memory_space<semaphore_mem>>) {add = true}
        %dma_wait3A_53 = arith.constant 0 : i32
        %dma_wait3A_54 = tpu.memref_slice %arg7[%mul3A_21, %dma_wait3A_53] : memref<40x128xi32, #tpu.memory_space<vmem>> -> memref<1x128xi32, #tpu.memory_space<vmem>>
        %dma_wait3A_55 = tpu.memref_squeeze %dma_wait3A_54 : memref<1x128xi32, #tpu.memory_space<vmem>> -> memref<128xi32, #tpu.memory_space<vmem>>
        %dma_wait3A_56 = arith.constant 0 : i32
        %dma_wait3A_57 = arith.constant 0 : i32
        %dma_wait3A_58 = tpu.memref_slice %arg11[%dma_wait3A_56, %dma_wait3A_57] : memref<10112x128xf32, #tpu.memory_space<vmem_shared>> -> memref<10112x128xf32, #tpu.memory_space<vmem_shared>>
        tpu.wait_indirect_dma semaphore(%run_scoped3A : memref<!tpu.dma_semaphore, #tpu.memory_space<semaphore_mem>>) src(%arg9 : memref<128x128xf32, #tpu.memory_space<vmem>>) dst(%dma_wait3A_58 : memref<10112x128xf32, #tpu.memory_space<vmem_shared>>)
        tpu.yield
      }) : () -> ()
      %lt3A_34 = arith.constant 19 : i32
      %lt3A_35 = arith.cmpi slt, %scan3A_19, %lt3A_34 : i32
      %convert_element_type3A_36 = arith.extui %lt3A_35 : i1 to i32
      %cond3A_37 = arith.constant 0 : i32
      %cond3A_38 = arith.cmpi ne, %convert_element_type3A_36, %cond3A_37 : i32
      scf.if %cond3A_38 {
        %add3A_47 = arith.constant 2 : i32
        %add3A_48 = arith.addi %mul3A_21, %add3A_47 : i32
        %dma_start3A_49 = arith.constant 0 : i32
        %dma_start3A_50 = tpu.memref_slice %arg8[%add3A_48, %dma_start3A_49] : memref<40x128xi32, #tpu.memory_space<vmem>> -> memref<1x128xi32, #tpu.memory_space<vmem>>
        %dma_start3A_51 = tpu.memref_squeeze %dma_start3A_50 : memref<1x128xi32, #tpu.memory_space<vmem>> -> memref<128xi32, #tpu.memory_space<vmem>>
        %dma_start3A_52 = arith.constant 0 : i32
        %dma_start3A_53 = arith.constant 0 : i32
        %dma_start3A_54 = tpu.memref_slice %arg2[%dma_start3A_52, %dma_start3A_53] : memref<10112x128xf32, #tpu.memory_space<hbm>> -> memref<10112x128xf32, #tpu.memory_space<hbm>>
        tpu.enqueue_indirect_dma source(%dma_start3A_54 : memref<10112x128xf32, #tpu.memory_space<hbm>>) target(%arg9 : memref<128x128xf32, #tpu.memory_space<vmem>>) offsets(%dma_start3A_51 : memref<128xi32, #tpu.memory_space<vmem>>) semaphore(%arg12 : memref<!tpu.dma_semaphore, #tpu.memory_space<semaphore_mem>>)
      } else {
      }
      %dma_wait3A_39 = arith.constant 0 : i32
      %dma_wait3A_40 = tpu.memref_slice %arg8[%add3A_22, %dma_wait3A_39] : memref<40x128xi32, #tpu.memory_space<vmem>> -> memref<1x128xi32, #tpu.memory_space<vmem>>
      %dma_wait3A_41 = tpu.memref_squeeze %dma_wait3A_40 : memref<1x128xi32, #tpu.memory_space<vmem>> -> memref<128xi32, #tpu.memory_space<vmem>>
      %dma_wait3A_42 = arith.constant 0 : i32
      %dma_wait3A_43 = arith.constant 0 : i32
      %dma_wait3A_44 = tpu.memref_slice %arg2[%dma_wait3A_42, %dma_wait3A_43] : memref<10112x128xf32, #tpu.memory_space<hbm>> -> memref<10112x128xf32, #tpu.memory_space<hbm>>
      tpu.wait_indirect_dma semaphore(%arg13 : memref<!tpu.dma_semaphore, #tpu.memory_space<semaphore_mem>>) src(%dma_wait3A_44 : memref<10112x128xf32, #tpu.memory_space<hbm>>) dst(%arg10 : memref<128x128xf32, #tpu.memory_space<vmem>>)
      %add3A_45 = arith.constant 1 : i32
      %add3A_46 = arith.addi %mul3A_21, %add3A_45 : i32
      "tpu.region"() ({
        %run_scoped3A = tpu.sem_alloc : memref<!tpu.dma_semaphore, #tpu.memory_space<semaphore_mem>>
        %dma_start3A_47 = arith.constant 0 : i32
        %dma_start3A_48 = tpu.memref_slice %arg7[%add3A_46, %dma_start3A_47] : memref<40x128xi32, #tpu.memory_space<vmem>> -> memref<1x128xi32, #tpu.memory_space<vmem>>
        %dma_start3A_49 = tpu.memref_squeeze %dma_start3A_48 : memref<1x128xi32, #tpu.memory_space<vmem>> -> memref<128xi32, #tpu.memory_space<vmem>>
        %dma_start3A_50 = arith.constant 0 : i32
        %dma_start3A_51 = arith.constant 0 : i32
        %dma_start3A_52 = tpu.memref_slice %arg11[%dma_start3A_50, %dma_start3A_51] : memref<10112x128xf32, #tpu.memory_space<vmem_shared>> -> memref<10112x128xf32, #tpu.memory_space<vmem_shared>>
        tpu.enqueue_indirect_dma source(%arg10 : memref<128x128xf32, #tpu.memory_space<vmem>>) target(%dma_start3A_52 : memref<10112x128xf32, #tpu.memory_space<vmem_shared>>) offsets(%dma_start3A_49 : memref<128xi32, #tpu.memory_space<vmem>>) semaphore(%run_scoped3A : memref<!tpu.dma_semaphore, #tpu.memory_space<semaphore_mem>>) {add = true}
        %dma_wait3A_53 = arith.constant 0 : i32
        %dma_wait3A_54 = tpu.memref_slice %arg7[%add3A_46, %dma_wait3A_53] : memref<40x128xi32, #tpu.memory_space<vmem>> -> memref<1x128xi32, #tpu.memory_space<vmem>>
        %dma_wait3A_55 = tpu.memref_squeeze %dma_wait3A_54 : memref<1x128xi32, #tpu.memory_space<vmem>> -> memref<128xi32, #tpu.memory_space<vmem>>
        %dma_wait3A_56 = arith.constant 0 : i32
        %dma_wait3A_57 = arith.constant 0 : i32
        %dma_wait3A_58 = tpu.memref_slice %arg11[%dma_wait3A_56, %dma_wait3A_57] : memref<10112x128xf32, #tpu.memory_space<vmem_shared>> -> memref<10112x128xf32, #tpu.memory_space<vmem_shared>>
        tpu.wait_indirect_dma semaphore(%run_scoped3A : memref<!tpu.dma_semaphore, #tpu.memory_space<semaphore_mem>>) src(%arg10 : memref<128x128xf32, #tpu.memory_space<vmem>>) dst(%dma_wait3A_58 : memref<10112x128xf32, #tpu.memory_space<vmem_shared>>)
        tpu.yield
      }) : () -> ()
    }
    %scan3A_11 = arith.constant 20 : i32
    %barrier3A_12 = arith.constant 0 : index
    tpu.barrier barrier_id(%barrier3A_12)
    %lt3A = arith.constant 15 : i32
    %lt3A_13 = arith.cmpi slt, %arg1, %lt3A : i32
    %convert_element_type3A = arith.extui %lt3A_13 : i1 to i32
    %cond3A = arith.constant 0 : i32
    %cond3A_14 = arith.cmpi ne, %convert_element_type3A, %cond3A : i32
    scf.if %cond3A_14 {
      "tpu.region"() ({
        %run_scoped3A = tpu.sem_alloc : memref<!tpu.dma_semaphore, #tpu.memory_space<semaphore_mem>>
        %dma_start3A_19 = arith.constant 0 : i32
        %dma_start3A_20 = tpu.memref_slice %arg6[%arg0, %mul3A_0, %dma_start3A_19] : memref<2x10000x128xf32, #tpu.memory_space<hbm>> -> memref<1x632x128xf32, #tpu.memory_space<hbm>>
        %dma_start3A_21 = tpu.memref_squeeze %dma_start3A_20 : memref<1x632x128xf32, #tpu.memory_space<hbm>> -> memref<632x128xf32, #tpu.memory_space<hbm>>
        %dma_start3A_22 = arith.constant 0 : i32
        %dma_start3A_23 = tpu.memref_slice %arg11[%mul3A_0, %dma_start3A_22] : memref<10112x128xf32, #tpu.memory_space<vmem_shared>> -> memref<632x128xf32, #tpu.memory_space<vmem_shared>>
        tpu.enqueue_dma source(%dma_start3A_23 : memref<632x128xf32, #tpu.memory_space<vmem_shared>>) target(%dma_start3A_21 : memref<632x128xf32, #tpu.memory_space<hbm>>) target_semaphore(%run_scoped3A : memref<!tpu.dma_semaphore, #tpu.memory_space<semaphore_mem>>)
        %dma_wait3A = arith.constant 0 : i32
        %dma_wait3A_24 = tpu.memref_slice %arg6[%arg0, %mul3A_0, %dma_wait3A] : memref<2x10000x128xf32, #tpu.memory_space<hbm>> -> memref<1x632x128xf32, #tpu.memory_space<hbm>>
        %dma_wait3A_25 = tpu.memref_squeeze %dma_wait3A_24 : memref<1x632x128xf32, #tpu.memory_space<hbm>> -> memref<632x128xf32, #tpu.memory_space<hbm>>
        %dma_wait3A_26 = arith.constant 0 : i32
        %dma_wait3A_27 = tpu.memref_slice %arg11[%mul3A_0, %dma_wait3A_26] : memref<10112x128xf32, #tpu.memory_space<vmem_shared>> -> memref<632x128xf32, #tpu.memory_space<vmem_shared>>
        tpu.wait_dma2 semaphore(%run_scoped3A : memref<!tpu.dma_semaphore, #tpu.memory_space<semaphore_mem>>) src(%dma_wait3A_27 : memref<632x128xf32, #tpu.memory_space<vmem_shared>>) dst(%dma_wait3A_25 : memref<632x128xf32, #tpu.memory_space<hbm>>)
        tpu.yield
      }) : () -> ()
    } else {
    }
    %eq3A = arith.constant 15 : i32
    %eq3A_15 = arith.cmpi eq, %arg1, %eq3A : i32
    %convert_element_type3A_16 = arith.extui %eq3A_15 : i1 to i32
    %cond3A_17 = arith.constant 0 : i32
    %cond3A_18 = arith.cmpi ne, %convert_element_type3A_16, %cond3A_17 : i32
    scf.if %cond3A_18 {
      "tpu.region"() ({
        %run_scoped3A = tpu.sem_alloc : memref<!tpu.dma_semaphore, #tpu.memory_space<semaphore_mem>>
        %dma_start3A_19 = arith.constant 9480 : i32
        %dma_start3A_20 = arith.constant 0 : i32
        %dma_start3A_21 = tpu.memref_slice %arg6[%arg0, %dma_start3A_19, %dma_start3A_20] : memref<2x10000x128xf32, #tpu.memory_space<hbm>> -> memref<1x520x128xf32, #tpu.memory_space<hbm>>
        %dma_start3A_22 = tpu.memref_squeeze %dma_start3A_21 : memref<1x520x128xf32, #tpu.memory_space<hbm>> -> memref<520x128xf32, #tpu.memory_space<hbm>>
        %dma_start3A_23 = arith.constant 9480 : i32
        %dma_start3A_24 = arith.constant 0 : i32
        %dma_start3A_25 = tpu.memref_slice %arg11[%dma_start3A_23, %dma_start3A_24] : memref<10112x128xf32, #tpu.memory_space<vmem_shared>> -> memref<520x128xf32, #tpu.memory_space<vmem_shared>>
        tpu.enqueue_dma source(%dma_start3A_25 : memref<520x128xf32, #tpu.memory_space<vmem_shared>>) target(%dma_start3A_22 : memref<520x128xf32, #tpu.memory_space<hbm>>) target_semaphore(%run_scoped3A : memref<!tpu.dma_semaphore, #tpu.memory_space<semaphore_mem>>)
        %dma_wait3A = arith.constant 9480 : i32
        %dma_wait3A_26 = arith.constant 0 : i32
        %dma_wait3A_27 = tpu.memref_slice %arg6[%arg0, %dma_wait3A, %dma_wait3A_26] : memref<2x10000x128xf32, #tpu.memory_space<hbm>> -> memref<1x520x128xf32, #tpu.memory_space<hbm>>
        %dma_wait3A_28 = tpu.memref_squeeze %dma_wait3A_27 : memref<1x520x128xf32, #tpu.memory_space<hbm>> -> memref<520x128xf32, #tpu.memory_space<hbm>>
        %dma_wait3A_29 = arith.constant 9480 : i32
        %dma_wait3A_30 = arith.constant 0 : i32
        %dma_wait3A_31 = tpu.memref_slice %arg11[%dma_wait3A_29, %dma_wait3A_30] : memref<10112x128xf32, #tpu.memory_space<vmem_shared>> -> memref<520x128xf32, #tpu.memory_space<vmem_shared>>
        tpu.wait_dma2 semaphore(%run_scoped3A : memref<!tpu.dma_semaphore, #tpu.memory_space<semaphore_mem>>) src(%dma_wait3A_31 : memref<520x128xf32, #tpu.memory_space<vmem_shared>>) dst(%dma_wait3A_28 : memref<520x128xf32, #tpu.memory_space<hbm>>)
        tpu.yield
      }) : () -> ()
    } else {
    }
    return
  }
}

#map = affine_map<(d0, d1) -> (0, 0)>
#map1 = affine_map<(d0, d1) -> (0, 0, 0, 0)>
#map2 = affine_map<(d0, d1) -> (0, 0, 0)>
module attributes {stable_mosaic.version = 14 : i64} {
  func.func @gcn_edge_pass(%arg0: i32, %arg1: i32, %arg2: memref<10000x128xf32, #tpu.memory_space<hbm>>, %arg3: memref<632x128xf32, #tpu.memory_space<hbm>>, %arg4: memref<2x16x40x128xi32, #tpu.memory_space<hbm>>, %arg5: memref<2x16x40x128xi32, #tpu.memory_space<hbm>>, %arg6: memref<2x10000x128xf32, #tpu.memory_space<hbm>>, %arg7: memref<40x128xi32, #tpu.memory_space<vmem>>, %arg8: memref<40x128xi32, #tpu.memory_space<vmem>>, %arg9: memref<128x128xf32, #tpu.memory_space<vmem>>, %arg10: memref<128x128xf32, #tpu.memory_space<vmem>>, %arg11: memref<10112x128xf32, #tpu.memory_space<vmem_shared>>, %arg12: memref<!tpu.dma_semaphore, #tpu.memory_space<semaphore_mem>>, %arg13: memref<!tpu.dma_semaphore, #tpu.memory_space<semaphore_mem>>) attributes {dimension_semantics = [#tpu.dimension_semantics<core_parallel>, #tpu.dimension_semantics<subcore_parallel>], iteration_bounds = array<i64: 2, 16>, scalar_prefetch = 0 : i64, scratch_operands = 7 : i64, tpu.core_type = #tpu.core_type<sc_vector_subcore>, window_params = [{transform_indices = #map}, {transform_indices = #map}, {transform_indices = #map1}, {transform_indices = #map1}, {transform_indices = #map2}]} {
    %mul3A = arith.constant 632 : i32
    %mul3A_0 = arith.muli %arg1, %mul3A : i32
    "tpu.region"() ({
      %run_scoped3A = tpu.sem_alloc : memref<!tpu.dma_semaphore, #tpu.memory_space<semaphore_mem>>
      %dma_start3A_19 = arith.constant 0 : i32
      %dma_start3A_20 = tpu.memref_slice %arg11[%mul3A_0, %dma_start3A_19] : memref<10112x128xf32, #tpu.memory_space<vmem_shared>> -> memref<632x128xf32, #tpu.memory_space<vmem_shared>>
      tpu.enqueue_dma source(%arg3 : memref<632x128xf32, #tpu.memory_space<hbm>>) target(%dma_start3A_20 : memref<632x128xf32, #tpu.memory_space<vmem_shared>>) target_semaphore(%run_scoped3A : memref<!tpu.dma_semaphore, #tpu.memory_space<semaphore_mem>>)
      %dma_wait3A = arith.constant 0 : i32
      %dma_wait3A_21 = tpu.memref_slice %arg11[%mul3A_0, %dma_wait3A] : memref<10112x128xf32, #tpu.memory_space<vmem_shared>> -> memref<632x128xf32, #tpu.memory_space<vmem_shared>>
      tpu.wait_dma2 semaphore(%run_scoped3A : memref<!tpu.dma_semaphore, #tpu.memory_space<semaphore_mem>>) src(%arg3 : memref<632x128xf32, #tpu.memory_space<hbm>>) dst(%dma_wait3A_21 : memref<632x128xf32, #tpu.memory_space<vmem_shared>>)
      tpu.yield
    }) : () -> ()
    %barrier3A = arith.constant 0 : index
    tpu.barrier barrier_id(%barrier3A)
    "tpu.region"() ({
      %run_scoped3A = tpu.sem_alloc : memref<!tpu.dma_semaphore, #tpu.memory_space<semaphore_mem>>
      %dma_start3A_19 = arith.constant 0 : i32
      %dma_start3A_20 = arith.constant 0 : i32
      %dma_start3A_21 = tpu.memref_slice %arg4[%arg0, %arg1, %dma_start3A_19, %dma_start3A_20] : memref<2x16x40x128xi32, #tpu.memory_space<hbm>> -> memref<1x1x40x128xi32, #tpu.memory_space<hbm>>
      %dma_start3A_22 = tpu.memref_squeeze %dma_start3A_21 : memref<1x1x40x128xi32, #tpu.memory_space<hbm>> -> memref<40x128xi32, #tpu.memory_space<hbm>>
      %dma_start3A_23 = arith.constant 0 : i32
      %dma_start3A_24 = arith.constant 0 : i32
      %dma_start3A_25 = tpu.memref_slice %arg4[%arg0, %arg1, %dma_start3A_23, %dma_start3A_24] : memref<2x16x40x128xi32, #tpu.memory_space<hbm>> -> memref<1x1x40x128xi32, #tpu.memory_space<hbm>>
      %dma_start3A_26 = tpu.memref_squeeze %dma_start3A_25 : memref<1x1x40x128xi32, #tpu.memory_space<hbm>> -> memref<40x128xi32, #tpu.memory_space<hbm>>
      tpu.enqueue_dma source(%dma_start3A_26 : memref<40x128xi32, #tpu.memory_space<hbm>>) target(%arg7 : memref<40x128xi32, #tpu.memory_space<vmem>>) target_semaphore(%run_scoped3A : memref<!tpu.dma_semaphore, #tpu.memory_space<semaphore_mem>>)
      %dma_wait3A = arith.constant 0 : i32
      %dma_wait3A_27 = arith.constant 0 : i32
      %dma_wait3A_28 = tpu.memref_slice %arg4[%arg0, %arg1, %dma_wait3A, %dma_wait3A_27] : memref<2x16x40x128xi32, #tpu.memory_space<hbm>> -> memref<1x1x40x128xi32, #tpu.memory_space<hbm>>
      %dma_wait3A_29 = tpu.memref_squeeze %dma_wait3A_28 : memref<1x1x40x128xi32, #tpu.memory_space<hbm>> -> memref<40x128xi32, #tpu.memory_space<hbm>>
      %dma_wait3A_30 = arith.constant 0 : i32
      %dma_wait3A_31 = arith.constant 0 : i32
      %dma_wait3A_32 = tpu.memref_slice %arg4[%arg0, %arg1, %dma_wait3A_30, %dma_wait3A_31] : memref<2x16x40x128xi32, #tpu.memory_space<hbm>> -> memref<1x1x40x128xi32, #tpu.memory_space<hbm>>
      %dma_wait3A_33 = tpu.memref_squeeze %dma_wait3A_32 : memref<1x1x40x128xi32, #tpu.memory_space<hbm>> -> memref<40x128xi32, #tpu.memory_space<hbm>>
      tpu.wait_dma2 semaphore(%run_scoped3A : memref<!tpu.dma_semaphore, #tpu.memory_space<semaphore_mem>>) src(%dma_wait3A_33 : memref<40x128xi32, #tpu.memory_space<hbm>>) dst(%arg7 : memref<40x128xi32, #tpu.memory_space<vmem>>)
      tpu.yield
    }) : () -> ()
    "tpu.region"() ({
      %run_scoped3A = tpu.sem_alloc : memref<!tpu.dma_semaphore, #tpu.memory_space<semaphore_mem>>
      %dma_start3A_19 = arith.constant 0 : i32
      %dma_start3A_20 = arith.constant 0 : i32
      %dma_start3A_21 = tpu.memref_slice %arg5[%arg0, %arg1, %dma_start3A_19, %dma_start3A_20] : memref<2x16x40x128xi32, #tpu.memory_space<hbm>> -> memref<1x1x40x128xi32, #tpu.memory_space<hbm>>
      %dma_start3A_22 = tpu.memref_squeeze %dma_start3A_21 : memref<1x1x40x128xi32, #tpu.memory_space<hbm>> -> memref<40x128xi32, #tpu.memory_space<hbm>>
      %dma_start3A_23 = arith.constant 0 : i32
      %dma_start3A_24 = arith.constant 0 : i32
      %dma_start3A_25 = tpu.memref_slice %arg5[%arg0, %arg1, %dma_start3A_23, %dma_start3A_24] : memref<2x16x40x128xi32, #tpu.memory_space<hbm>> -> memref<1x1x40x128xi32, #tpu.memory_space<hbm>>
      %dma_start3A_26 = tpu.memref_squeeze %dma_start3A_25 : memref<1x1x40x128xi32, #tpu.memory_space<hbm>> -> memref<40x128xi32, #tpu.memory_space<hbm>>
      tpu.enqueue_dma source(%dma_start3A_26 : memref<40x128xi32, #tpu.memory_space<hbm>>) target(%arg8 : memref<40x128xi32, #tpu.memory_space<vmem>>) target_semaphore(%run_scoped3A : memref<!tpu.dma_semaphore, #tpu.memory_space<semaphore_mem>>)
      %dma_wait3A = arith.constant 0 : i32
      %dma_wait3A_27 = arith.constant 0 : i32
      %dma_wait3A_28 = tpu.memref_slice %arg5[%arg0, %arg1, %dma_wait3A, %dma_wait3A_27] : memref<2x16x40x128xi32, #tpu.memory_space<hbm>> -> memref<1x1x40x128xi32, #tpu.memory_space<hbm>>
      %dma_wait3A_29 = tpu.memref_squeeze %dma_wait3A_28 : memref<1x1x40x128xi32, #tpu.memory_space<hbm>> -> memref<40x128xi32, #tpu.memory_space<hbm>>
      %dma_wait3A_30 = arith.constant 0 : i32
      %dma_wait3A_31 = arith.constant 0 : i32
      %dma_wait3A_32 = tpu.memref_slice %arg5[%arg0, %arg1, %dma_wait3A_30, %dma_wait3A_31] : memref<2x16x40x128xi32, #tpu.memory_space<hbm>> -> memref<1x1x40x128xi32, #tpu.memory_space<hbm>>
      %dma_wait3A_33 = tpu.memref_squeeze %dma_wait3A_32 : memref<1x1x40x128xi32, #tpu.memory_space<hbm>> -> memref<40x128xi32, #tpu.memory_space<hbm>>
      tpu.wait_dma2 semaphore(%run_scoped3A : memref<!tpu.dma_semaphore, #tpu.memory_space<semaphore_mem>>) src(%dma_wait3A_33 : memref<40x128xi32, #tpu.memory_space<hbm>>) dst(%arg8 : memref<40x128xi32, #tpu.memory_space<vmem>>)
      tpu.yield
    }) : () -> ()
    %dma_start3A = arith.constant 0 : i32
    %dma_start3A_1 = arith.constant 0 : i32
    %dma_start3A_2 = tpu.memref_slice %arg8[%dma_start3A, %dma_start3A_1] : memref<40x128xi32, #tpu.memory_space<vmem>> -> memref<1x128xi32, #tpu.memory_space<vmem>>
    %dma_start3A_3 = tpu.memref_squeeze %dma_start3A_2 : memref<1x128xi32, #tpu.memory_space<vmem>> -> memref<128xi32, #tpu.memory_space<vmem>>
    %dma_start3A_4 = arith.constant 0 : i32
    %dma_start3A_5 = arith.constant 0 : i32
    %dma_start3A_6 = tpu.memref_slice %arg2[%dma_start3A_4, %dma_start3A_5] : memref<10000x128xf32, #tpu.memory_space<hbm>> -> memref<10000x128xf32, #tpu.memory_space<hbm>>
    tpu.enqueue_indirect_dma source(%dma_start3A_6 : memref<10000x128xf32, #tpu.memory_space<hbm>>) target(%arg9 : memref<128x128xf32, #tpu.memory_space<vmem>>) offsets(%dma_start3A_3 : memref<128xi32, #tpu.memory_space<vmem>>) semaphore(%arg12 : memref<!tpu.dma_semaphore, #tpu.memory_space<semaphore_mem>>)
    %scan3A = arith.constant 0 : i32
    %scan3A_7 = arith.constant 0 : i32
    %scan3A_8 = arith.constant 20 : i32
    %scan3A_9 = arith.addi %scan3A_7, %scan3A_8 : i32
    %scan3A_10 = arith.constant 1 : i32
    scf.for %scan3A_19 = %scan3A_7 to %scan3A_9 step %scan3A_10  : i32 {
      %mul3A_20 = arith.constant 2 : i32
      %mul3A_21 = arith.muli %mul3A_20, %scan3A_19 : i32
      %add3A = arith.constant 1 : i32
      %add3A_22 = arith.addi %mul3A_21, %add3A : i32
      %dma_start3A_23 = arith.constant 0 : i32
      %dma_start3A_24 = tpu.memref_slice %arg8[%add3A_22, %dma_start3A_23] : memref<40x128xi32, #tpu.memory_space<vmem>> -> memref<1x128xi32, #tpu.memory_space<vmem>>
      %dma_start3A_25 = tpu.memref_squeeze %dma_start3A_24 : memref<1x128xi32, #tpu.memory_space<vmem>> -> memref<128xi32, #tpu.memory_space<vmem>>
      %dma_start3A_26 = arith.constant 0 : i32
      %dma_start3A_27 = arith.constant 0 : i32
      %dma_start3A_28 = tpu.memref_slice %arg2[%dma_start3A_26, %dma_start3A_27] : memref<10000x128xf32, #tpu.memory_space<hbm>> -> memref<10000x128xf32, #tpu.memory_space<hbm>>
      tpu.enqueue_indirect_dma source(%dma_start3A_28 : memref<10000x128xf32, #tpu.memory_space<hbm>>) target(%arg10 : memref<128x128xf32, #tpu.memory_space<vmem>>) offsets(%dma_start3A_25 : memref<128xi32, #tpu.memory_space<vmem>>) semaphore(%arg13 : memref<!tpu.dma_semaphore, #tpu.memory_space<semaphore_mem>>)
      %dma_wait3A = arith.constant 0 : i32
      %dma_wait3A_29 = arith.constant 0 : i32
      %dma_wait3A_30 = tpu.memref_slice %arg2[%dma_wait3A, %dma_wait3A_29] : memref<10000x128xf32, #tpu.memory_space<hbm>> -> memref<128x128xf32, #tpu.memory_space<hbm>>
      %dma_wait3A_31 = arith.constant 0 : i32
      %dma_wait3A_32 = arith.constant 0 : i32
      %dma_wait3A_33 = tpu.memref_slice %arg2[%dma_wait3A_31, %dma_wait3A_32] : memref<10000x128xf32, #tpu.memory_space<hbm>> -> memref<128x128xf32, #tpu.memory_space<hbm>>
      tpu.wait_dma2 semaphore(%arg12 : memref<!tpu.dma_semaphore, #tpu.memory_space<semaphore_mem>>) src(%dma_wait3A_33 : memref<128x128xf32, #tpu.memory_space<hbm>>) dst(%arg9 : memref<128x128xf32, #tpu.memory_space<vmem>>)
      "tpu.region"() ({
        %run_scoped3A = tpu.sem_alloc : memref<!tpu.dma_semaphore, #tpu.memory_space<semaphore_mem>>
        %dma_start3A_47 = arith.constant 0 : i32
        %dma_start3A_48 = tpu.memref_slice %arg7[%mul3A_21, %dma_start3A_47] : memref<40x128xi32, #tpu.memory_space<vmem>> -> memref<1x128xi32, #tpu.memory_space<vmem>>
        %dma_start3A_49 = tpu.memref_squeeze %dma_start3A_48 : memref<1x128xi32, #tpu.memory_space<vmem>> -> memref<128xi32, #tpu.memory_space<vmem>>
        %dma_start3A_50 = arith.constant 0 : i32
        %dma_start3A_51 = arith.constant 0 : i32
        %dma_start3A_52 = tpu.memref_slice %arg11[%dma_start3A_50, %dma_start3A_51] : memref<10112x128xf32, #tpu.memory_space<vmem_shared>> -> memref<10112x128xf32, #tpu.memory_space<vmem_shared>>
        tpu.enqueue_indirect_dma source(%arg9 : memref<128x128xf32, #tpu.memory_space<vmem>>) target(%dma_start3A_52 : memref<10112x128xf32, #tpu.memory_space<vmem_shared>>) offsets(%dma_start3A_49 : memref<128xi32, #tpu.memory_space<vmem>>) semaphore(%run_scoped3A : memref<!tpu.dma_semaphore, #tpu.memory_space<semaphore_mem>>) {add = true}
        %dma_wait3A_53 = arith.constant 0 : i32
        %dma_wait3A_54 = tpu.memref_slice %arg7[%mul3A_21, %dma_wait3A_53] : memref<40x128xi32, #tpu.memory_space<vmem>> -> memref<1x128xi32, #tpu.memory_space<vmem>>
        %dma_wait3A_55 = tpu.memref_squeeze %dma_wait3A_54 : memref<1x128xi32, #tpu.memory_space<vmem>> -> memref<128xi32, #tpu.memory_space<vmem>>
        %dma_wait3A_56 = arith.constant 0 : i32
        %dma_wait3A_57 = arith.constant 0 : i32
        %dma_wait3A_58 = tpu.memref_slice %arg11[%dma_wait3A_56, %dma_wait3A_57] : memref<10112x128xf32, #tpu.memory_space<vmem_shared>> -> memref<10112x128xf32, #tpu.memory_space<vmem_shared>>
        tpu.wait_indirect_dma semaphore(%run_scoped3A : memref<!tpu.dma_semaphore, #tpu.memory_space<semaphore_mem>>) src(%arg9 : memref<128x128xf32, #tpu.memory_space<vmem>>) dst(%dma_wait3A_58 : memref<10112x128xf32, #tpu.memory_space<vmem_shared>>)
        tpu.yield
      }) : () -> ()
      %lt3A_34 = arith.constant 19 : i32
      %lt3A_35 = arith.cmpi slt, %scan3A_19, %lt3A_34 : i32
      %convert_element_type3A_36 = arith.extui %lt3A_35 : i1 to i32
      %cond3A_37 = arith.constant 0 : i32
      %cond3A_38 = arith.cmpi ne, %convert_element_type3A_36, %cond3A_37 : i32
      scf.if %cond3A_38 {
        %add3A_47 = arith.constant 2 : i32
        %add3A_48 = arith.addi %mul3A_21, %add3A_47 : i32
        %dma_start3A_49 = arith.constant 0 : i32
        %dma_start3A_50 = tpu.memref_slice %arg8[%add3A_48, %dma_start3A_49] : memref<40x128xi32, #tpu.memory_space<vmem>> -> memref<1x128xi32, #tpu.memory_space<vmem>>
        %dma_start3A_51 = tpu.memref_squeeze %dma_start3A_50 : memref<1x128xi32, #tpu.memory_space<vmem>> -> memref<128xi32, #tpu.memory_space<vmem>>
        %dma_start3A_52 = arith.constant 0 : i32
        %dma_start3A_53 = arith.constant 0 : i32
        %dma_start3A_54 = tpu.memref_slice %arg2[%dma_start3A_52, %dma_start3A_53] : memref<10000x128xf32, #tpu.memory_space<hbm>> -> memref<10000x128xf32, #tpu.memory_space<hbm>>
        tpu.enqueue_indirect_dma source(%dma_start3A_54 : memref<10000x128xf32, #tpu.memory_space<hbm>>) target(%arg9 : memref<128x128xf32, #tpu.memory_space<vmem>>) offsets(%dma_start3A_51 : memref<128xi32, #tpu.memory_space<vmem>>) semaphore(%arg12 : memref<!tpu.dma_semaphore, #tpu.memory_space<semaphore_mem>>)
      } else {
      }
      %dma_wait3A_39 = arith.constant 0 : i32
      %dma_wait3A_40 = tpu.memref_slice %arg8[%add3A_22, %dma_wait3A_39] : memref<40x128xi32, #tpu.memory_space<vmem>> -> memref<1x128xi32, #tpu.memory_space<vmem>>
      %dma_wait3A_41 = tpu.memref_squeeze %dma_wait3A_40 : memref<1x128xi32, #tpu.memory_space<vmem>> -> memref<128xi32, #tpu.memory_space<vmem>>
      %dma_wait3A_42 = arith.constant 0 : i32
      %dma_wait3A_43 = arith.constant 0 : i32
      %dma_wait3A_44 = tpu.memref_slice %arg2[%dma_wait3A_42, %dma_wait3A_43] : memref<10000x128xf32, #tpu.memory_space<hbm>> -> memref<10000x128xf32, #tpu.memory_space<hbm>>
      tpu.wait_indirect_dma semaphore(%arg13 : memref<!tpu.dma_semaphore, #tpu.memory_space<semaphore_mem>>) src(%dma_wait3A_44 : memref<10000x128xf32, #tpu.memory_space<hbm>>) dst(%arg10 : memref<128x128xf32, #tpu.memory_space<vmem>>)
      %add3A_45 = arith.constant 1 : i32
      %add3A_46 = arith.addi %mul3A_21, %add3A_45 : i32
      "tpu.region"() ({
        %run_scoped3A = tpu.sem_alloc : memref<!tpu.dma_semaphore, #tpu.memory_space<semaphore_mem>>
        %dma_start3A_47 = arith.constant 0 : i32
        %dma_start3A_48 = tpu.memref_slice %arg7[%add3A_46, %dma_start3A_47] : memref<40x128xi32, #tpu.memory_space<vmem>> -> memref<1x128xi32, #tpu.memory_space<vmem>>
        %dma_start3A_49 = tpu.memref_squeeze %dma_start3A_48 : memref<1x128xi32, #tpu.memory_space<vmem>> -> memref<128xi32, #tpu.memory_space<vmem>>
        %dma_start3A_50 = arith.constant 0 : i32
        %dma_start3A_51 = arith.constant 0 : i32
        %dma_start3A_52 = tpu.memref_slice %arg11[%dma_start3A_50, %dma_start3A_51] : memref<10112x128xf32, #tpu.memory_space<vmem_shared>> -> memref<10112x128xf32, #tpu.memory_space<vmem_shared>>
        tpu.enqueue_indirect_dma source(%arg10 : memref<128x128xf32, #tpu.memory_space<vmem>>) target(%dma_start3A_52 : memref<10112x128xf32, #tpu.memory_space<vmem_shared>>) offsets(%dma_start3A_49 : memref<128xi32, #tpu.memory_space<vmem>>) semaphore(%run_scoped3A : memref<!tpu.dma_semaphore, #tpu.memory_space<semaphore_mem>>) {add = true}
        %dma_wait3A_53 = arith.constant 0 : i32
        %dma_wait3A_54 = tpu.memref_slice %arg7[%add3A_46, %dma_wait3A_53] : memref<40x128xi32, #tpu.memory_space<vmem>> -> memref<1x128xi32, #tpu.memory_space<vmem>>
        %dma_wait3A_55 = tpu.memref_squeeze %dma_wait3A_54 : memref<1x128xi32, #tpu.memory_space<vmem>> -> memref<128xi32, #tpu.memory_space<vmem>>
        %dma_wait3A_56 = arith.constant 0 : i32
        %dma_wait3A_57 = arith.constant 0 : i32
        %dma_wait3A_58 = tpu.memref_slice %arg11[%dma_wait3A_56, %dma_wait3A_57] : memref<10112x128xf32, #tpu.memory_space<vmem_shared>> -> memref<10112x128xf32, #tpu.memory_space<vmem_shared>>
        tpu.wait_indirect_dma semaphore(%run_scoped3A : memref<!tpu.dma_semaphore, #tpu.memory_space<semaphore_mem>>) src(%arg10 : memref<128x128xf32, #tpu.memory_space<vmem>>) dst(%dma_wait3A_58 : memref<10112x128xf32, #tpu.memory_space<vmem_shared>>)
        tpu.yield
      }) : () -> ()
    }
    %scan3A_11 = arith.constant 20 : i32
    %barrier3A_12 = arith.constant 0 : index
    tpu.barrier barrier_id(%barrier3A_12)
    %lt3A = arith.constant 15 : i32
    %lt3A_13 = arith.cmpi slt, %arg1, %lt3A : i32
    %convert_element_type3A = arith.extui %lt3A_13 : i1 to i32
    %cond3A = arith.constant 0 : i32
    %cond3A_14 = arith.cmpi ne, %convert_element_type3A, %cond3A : i32
    scf.if %cond3A_14 {
      "tpu.region"() ({
        %run_scoped3A = tpu.sem_alloc : memref<!tpu.dma_semaphore, #tpu.memory_space<semaphore_mem>>
        %dma_start3A_19 = arith.constant 0 : i32
        %dma_start3A_20 = tpu.memref_slice %arg6[%arg0, %mul3A_0, %dma_start3A_19] : memref<2x10000x128xf32, #tpu.memory_space<hbm>> -> memref<1x632x128xf32, #tpu.memory_space<hbm>>
        %dma_start3A_21 = tpu.memref_squeeze %dma_start3A_20 : memref<1x632x128xf32, #tpu.memory_space<hbm>> -> memref<632x128xf32, #tpu.memory_space<hbm>>
        %dma_start3A_22 = arith.constant 0 : i32
        %dma_start3A_23 = tpu.memref_slice %arg11[%mul3A_0, %dma_start3A_22] : memref<10112x128xf32, #tpu.memory_space<vmem_shared>> -> memref<632x128xf32, #tpu.memory_space<vmem_shared>>
        tpu.enqueue_dma source(%dma_start3A_23 : memref<632x128xf32, #tpu.memory_space<vmem_shared>>) target(%dma_start3A_21 : memref<632x128xf32, #tpu.memory_space<hbm>>) target_semaphore(%run_scoped3A : memref<!tpu.dma_semaphore, #tpu.memory_space<semaphore_mem>>)
        %dma_wait3A = arith.constant 0 : i32
        %dma_wait3A_24 = tpu.memref_slice %arg6[%arg0, %mul3A_0, %dma_wait3A] : memref<2x10000x128xf32, #tpu.memory_space<hbm>> -> memref<1x632x128xf32, #tpu.memory_space<hbm>>
        %dma_wait3A_25 = tpu.memref_squeeze %dma_wait3A_24 : memref<1x632x128xf32, #tpu.memory_space<hbm>> -> memref<632x128xf32, #tpu.memory_space<hbm>>
        %dma_wait3A_26 = arith.constant 0 : i32
        %dma_wait3A_27 = tpu.memref_slice %arg11[%mul3A_0, %dma_wait3A_26] : memref<10112x128xf32, #tpu.memory_space<vmem_shared>> -> memref<632x128xf32, #tpu.memory_space<vmem_shared>>
        tpu.wait_dma2 semaphore(%run_scoped3A : memref<!tpu.dma_semaphore, #tpu.memory_space<semaphore_mem>>) src(%dma_wait3A_27 : memref<632x128xf32, #tpu.memory_space<vmem_shared>>) dst(%dma_wait3A_25 : memref<632x128xf32, #tpu.memory_space<hbm>>)
        tpu.yield
      }) : () -> ()
    } else {
    }
    %eq3A = arith.constant 15 : i32
    %eq3A_15 = arith.cmpi eq, %arg1, %eq3A : i32
    %convert_element_type3A_16 = arith.extui %eq3A_15 : i1 to i32
    %cond3A_17 = arith.constant 0 : i32
    %cond3A_18 = arith.cmpi ne, %convert_element_type3A_16, %cond3A_17 : i32
    scf.if %cond3A_18 {
      "tpu.region"() ({
        %run_scoped3A = tpu.sem_alloc : memref<!tpu.dma_semaphore, #tpu.memory_space<semaphore_mem>>
        %dma_start3A_19 = arith.constant 9480 : i32
        %dma_start3A_20 = arith.constant 0 : i32
        %dma_start3A_21 = tpu.memref_slice %arg6[%arg0, %dma_start3A_19, %dma_start3A_20] : memref<2x10000x128xf32, #tpu.memory_space<hbm>> -> memref<1x520x128xf32, #tpu.memory_space<hbm>>
        %dma_start3A_22 = tpu.memref_squeeze %dma_start3A_21 : memref<1x520x128xf32, #tpu.memory_space<hbm>> -> memref<520x128xf32, #tpu.memory_space<hbm>>
        %dma_start3A_23 = arith.constant 9480 : i32
        %dma_start3A_24 = arith.constant 0 : i32
        %dma_start3A_25 = tpu.memref_slice %arg11[%dma_start3A_23, %dma_start3A_24] : memref<10112x128xf32, #tpu.memory_space<vmem_shared>> -> memref<520x128xf32, #tpu.memory_space<vmem_shared>>
        tpu.enqueue_dma source(%dma_start3A_25 : memref<520x128xf32, #tpu.memory_space<vmem_shared>>) target(%dma_start3A_22 : memref<520x128xf32, #tpu.memory_space<hbm>>) target_semaphore(%run_scoped3A : memref<!tpu.dma_semaphore, #tpu.memory_space<semaphore_mem>>)
        %dma_wait3A = arith.constant 9480 : i32
        %dma_wait3A_26 = arith.constant 0 : i32
        %dma_wait3A_27 = tpu.memref_slice %arg6[%arg0, %dma_wait3A, %dma_wait3A_26] : memref<2x10000x128xf32, #tpu.memory_space<hbm>> -> memref<1x520x128xf32, #tpu.memory_space<hbm>>
        %dma_wait3A_28 = tpu.memref_squeeze %dma_wait3A_27 : memref<1x520x128xf32, #tpu.memory_space<hbm>> -> memref<520x128xf32, #tpu.memory_space<hbm>>
        %dma_wait3A_29 = arith.constant 9480 : i32
        %dma_wait3A_30 = arith.constant 0 : i32
        %dma_wait3A_31 = tpu.memref_slice %arg11[%dma_wait3A_29, %dma_wait3A_30] : memref<10112x128xf32, #tpu.memory_space<vmem_shared>> -> memref<520x128xf32, #tpu.memory_space<vmem_shared>>
        tpu.wait_dma2 semaphore(%run_scoped3A : memref<!tpu.dma_semaphore, #tpu.memory_space<semaphore_mem>>) src(%dma_wait3A_31 : memref<520x128xf32, #tpu.memory_space<vmem_shared>>) dst(%dma_wait3A_28 : memref<520x128xf32, #tpu.memory_space<hbm>>)
        tpu.yield
      }) : () -> ()
    } else {
    }
    return
  }
}

module attributes {stable_mosaic.version = 14 : i64} {
  func.func @_k3_body(%arg0: memref<2x10000x128xf32, #tpu.memory_space<vmem>>, %arg1: memref<128x128xf32, #tpu.memory_space<vmem>>, %arg2: memref<128x128xf32, #tpu.memory_space<vmem>>, %arg3: memref<1x128xf32, #tpu.memory_space<vmem>>, %arg4: memref<1x128xf32, #tpu.memory_space<vmem>>, %arg5: memref<512x1xf32, #tpu.memory_space<vmem>>, %arg6: memref<10112x128xf32, #tpu.memory_space<vmem>>, %arg7: memref<10112x128xf32, #tpu.memory_space<vmem>>, %arg8: memref<10112x128xf32, #tpu.memory_space<vmem>>, %arg9: memref<10000x128xf32, #tpu.memory_space<vmem>>, %arg10: memref<10000x1xf32, #tpu.memory_space<vmem>>, %arg11: memref<8x128xf32, #tpu.memory_space<vmem>>) attributes {dimension_semantics = [], scalar_prefetch = 0 : i64, scratch_operands = 0 : i64, tpu.core_type = #tpu.core_type<tc>} {
    %get3A = arith.constant 0 : index
    %get3A_0 = arith.constant 0 : index
    %get3A_1 = arith.constant 0 : index
    %get3A_2 = vector.load %arg0[%get3A, %get3A_0, %get3A_1] : memref<2x10000x128xf32, #tpu.memory_space<vmem>>, vector<1x10000x128xf32>
    %get3A_3 = vector.shape_cast %get3A_2 : vector<1x10000x128xf32> to vector<10000x128xf32>
    %get3A_4 = arith.constant 1 : index
    %get3A_5 = arith.constant 0 : index
    %get3A_6 = arith.constant 0 : index
    %get3A_7 = vector.load %arg0[%get3A_4, %get3A_5, %get3A_6] : memref<2x10000x128xf32, #tpu.memory_space<vmem>>, vector<1x10000x128xf32>
    %get3A_8 = vector.shape_cast %get3A_7 : vector<1x10000x128xf32> to vector<10000x128xf32>
    %add3A = arith.addf %get3A_3, %get3A_8 : vector<10000x128xf32>
    %get3A_9 = arith.constant 0 : index
    %get3A_10 = arith.constant 0 : index
    %get3A_11 = vector.load %arg1[%get3A_9, %get3A_10] : memref<128x128xf32, #tpu.memory_space<vmem>>, vector<128x128xf32>
    %dot_general3A = arith.constant dense<0.000000e+00> : vector<10000x128xf32>
    %dot_general3A_12 = tpu.matmul %add3A, %get3A_11, %dot_general3A {dimension_numbers = #tpu.dot_dimension_numbers<[1], [0], [0], [1], [0, 0, 1, 1], [], []>, transpose_lhs_hint = false} : vector<10000x128xf32>, vector<128x128xf32>, vector<10000x128xf32> -> vector<10000x128xf32>
    %get3A_13 = arith.constant 0 : index
    %get3A_14 = arith.constant 0 : index
    %get3A_15 = vector.load %arg3[%get3A_13, %get3A_14] : memref<1x128xf32, #tpu.memory_space<vmem>>, vector<1x128xf32>
    %add3A_16 = vector.broadcast %get3A_15 : vector<1x128xf32> to vector<10000x128xf32>
    %add3A_17 = arith.addf %dot_general3A_12, %add3A_16 : vector<10000x128xf32>
    %max3A = arith.constant 0.000000e+00 : f32
    %max3A_18 = vector.broadcast %max3A : f32 to vector<10000x128xf32>
    %max3A_19 = arith.maximumf %add3A_17, %max3A_18 : vector<10000x128xf32>
    %get3A_20 = arith.constant 0 : index
    %get3A_21 = arith.constant 0 : index
    %get3A_22 = vector.load %arg2[%get3A_20, %get3A_21] : memref<128x128xf32, #tpu.memory_space<vmem>>, vector<128x128xf32>
    %dot_general3A_23 = arith.constant dense<0.000000e+00> : vector<10000x128xf32>
    %dot_general3A_24 = tpu.matmul %add3A, %get3A_22, %dot_general3A_23 {dimension_numbers = #tpu.dot_dimension_numbers<[1], [0], [0], [1], [0, 0, 1, 1], [], []>, transpose_lhs_hint = false} : vector<10000x128xf32>, vector<128x128xf32>, vector<10000x128xf32> -> vector<10000x128xf32>
    %get3A_25 = arith.constant 0 : index
    %get3A_26 = arith.constant 0 : index
    %get3A_27 = vector.load %arg4[%get3A_25, %get3A_26] : memref<1x128xf32, #tpu.memory_space<vmem>>, vector<1x128xf32>
    %add3A_28 = vector.broadcast %get3A_27 : vector<1x128xf32> to vector<10000x128xf32>
    %add3A_29 = arith.addf %dot_general3A_24, %add3A_28 : vector<10000x128xf32>
    %max3A_30 = arith.constant 0.000000e+00 : f32
    %max3A_31 = vector.broadcast %max3A_30 : f32 to vector<10000x128xf32>
    %max3A_32 = arith.maximumf %add3A_29, %max3A_31 : vector<10000x128xf32>
    %get3A_33 = arith.constant 0 : index
    %get3A_34 = arith.constant 0 : index
    %get3A_35 = vector.load %arg5[%get3A_33, %get3A_34] : memref<512x1xf32, #tpu.memory_space<vmem>>, vector<512x1xf32>
    %slice3A = vector.extract_strided_slice %get3A_35 {offsets = [0, 0], sizes = [128, 1], strides = [1, 1]} : vector<512x1xf32> to vector<128x1xf32>
    %dot_general3A_36 = arith.constant dense<0.000000e+00> : vector<10000x1xf32>
    %dot_general3A_37 = tpu.matmul %max3A_19, %slice3A, %dot_general3A_36 {dimension_numbers = #tpu.dot_dimension_numbers<[1], [0], [0], [1], [0, 0, 1, 1], [], []>, transpose_lhs_hint = false} : vector<10000x128xf32>, vector<128x1xf32>, vector<10000x1xf32> -> vector<10000x1xf32>
    %slice3A_38 = vector.extract_strided_slice %get3A_35 {offsets = [128, 0], sizes = [128, 1], strides = [1, 1]} : vector<512x1xf32> to vector<128x1xf32>
    %dot_general3A_39 = arith.constant dense<0.000000e+00> : vector<10000x1xf32>
    %dot_general3A_40 = tpu.matmul %max3A_32, %slice3A_38, %dot_general3A_39 {dimension_numbers = #tpu.dot_dimension_numbers<[1], [0], [0], [1], [0, 0, 1, 1], [], []>, transpose_lhs_hint = false} : vector<10000x128xf32>, vector<128x1xf32>, vector<10000x1xf32> -> vector<10000x1xf32>
    %add3A_41 = arith.addf %dot_general3A_37, %dot_general3A_40 : vector<10000x1xf32>
    %slice3A_42 = vector.extract_strided_slice %get3A_35 {offsets = [256, 0], sizes = [128, 1], strides = [1, 1]} : vector<512x1xf32> to vector<128x1xf32>
    %dot_general3A_43 = arith.constant dense<0.000000e+00> : vector<10000x1xf32>
    %dot_general3A_44 = tpu.matmul %max3A_19, %slice3A_42, %dot_general3A_43 {dimension_numbers = #tpu.dot_dimension_numbers<[1], [0], [0], [1], [0, 0, 1, 1], [], []>, transpose_lhs_hint = false} : vector<10000x128xf32>, vector<128x1xf32>, vector<10000x1xf32> -> vector<10000x1xf32>
    %slice3A_45 = vector.extract_strided_slice %get3A_35 {offsets = [384, 0], sizes = [128, 1], strides = [1, 1]} : vector<512x1xf32> to vector<128x1xf32>
    %dot_general3A_46 = arith.constant dense<0.000000e+00> : vector<10000x1xf32>
    %dot_general3A_47 = tpu.matmul %max3A_32, %slice3A_45, %dot_general3A_46 {dimension_numbers = #tpu.dot_dimension_numbers<[1], [0], [0], [1], [0, 0, 1, 1], [], []>, transpose_lhs_hint = false} : vector<10000x128xf32>, vector<128x1xf32>, vector<10000x1xf32> -> vector<10000x1xf32>
    %add3A_48 = arith.addf %dot_general3A_44, %dot_general3A_47 : vector<10000x1xf32>
    %reduce_max3A = vector.shape_cast %add3A_48 : vector<10000x1xf32> to vector<1x10000x1xf32>
    %reduce_max3A_49 = arith.constant dense<0xFF800000> : vector<1xf32>
    %reduce_max3A_50 = vector.multi_reduction <maximumf>, %reduce_max3A, %reduce_max3A_49 [1, 2] : vector<1x10000x1xf32> to vector<1xf32>
    %reduce_max3A_51 = vector.shape_cast %reduce_max3A_50 : vector<1xf32> to vector<1x1x1xf32>
    %reduce_max3A_52 = vector.extract %reduce_max3A_51[0, 0, 0] : f32 from vector<1x1x1xf32>
    %sub3A = vector.broadcast %reduce_max3A_52 : f32 to vector<10000x1xf32>
    %sub3A_53 = arith.subf %add3A_48, %sub3A : vector<10000x1xf32>
    %exp3A = math.exp %sub3A_53 : vector<10000x1xf32>
    %mul3A = vector.broadcast %exp3A : vector<10000x1xf32> to vector<10000x128xf32>
    %mul3A_54 = arith.mulf %mul3A, %max3A_32 : vector<10000x128xf32>
    %iota3A = tpu.iota {dimensions = array<i32: 1>} : vector<10000x128xi32>
    %eq3A = arith.constant 0 : i32
    %eq3A_55 = vector.broadcast %eq3A : i32 to vector<10000x128xi32>
    %eq3A_56 = arith.cmpi eq, %iota3A, %eq3A_55 : vector<10000x128xi32>
    %eq3A_57 = arith.constant 1 : i32
    %eq3A_58 = vector.broadcast %eq3A_57 : i32 to vector<10000x128xi32>
    %eq3A_59 = arith.cmpi eq, %iota3A, %eq3A_58 : vector<10000x128xi32>
    %jit3A = arith.constant 1.000000e+00 : f32
    %jit3A_60 = arith.constant 0.000000e+00 : f32
    %broadcast_in_dim3A = vector.broadcast %jit3A : f32 to vector<10000x128xf32>
    %broadcast_in_dim3A_61 = vector.broadcast %jit3A_60 : f32 to vector<10000x128xf32>
    %select_n3A = arith.select %eq3A_59, %broadcast_in_dim3A, %broadcast_in_dim3A_61 : vector<10000x128xi1>, vector<10000x128xf32>
    %broadcast_in_dim3A_62 = vector.shape_cast %exp3A : vector<10000x1xf32> to vector<10000x1xf32>
    %broadcast_in_dim3A_63 = vector.broadcast %broadcast_in_dim3A_62 : vector<10000x1xf32> to vector<10000x128xf32>
    %select_n3A_64 = arith.select %eq3A_56, %broadcast_in_dim3A_63, %select_n3A : vector<10000x128xi1>, vector<10000x128xf32>
    %broadcast_in_dim3A_65 = arith.constant 0.000000e+00 : f32
    %broadcast_in_dim3A_66 = vector.broadcast %broadcast_in_dim3A_65 : f32 to vector<112x128xf32>
    %swap3A = arith.constant 0 : index
    %swap3A_67 = arith.constant 0 : index
    %swap3A_68 = vector.load %arg6[%swap3A, %swap3A_67] : memref<10112x128xf32, #tpu.memory_space<vmem>>, vector<10000x128xf32>
    tpu.vector_store %arg6[%swap3A, %swap3A_67], %mul3A_54 {strides = array<i32>} : memref<10112x128xf32, #tpu.memory_space<vmem>>, vector<10000x128xf32>,
    %swap3A_69 = arith.constant 10000 : index
    %swap3A_70 = arith.constant 0 : index
    %swap3A_71 = vector.load %arg6[%swap3A_69, %swap3A_70] : memref<10112x128xf32, #tpu.memory_space<vmem>>, vector<112x128xf32>
    tpu.vector_store %arg6[%swap3A_69, %swap3A_70], %broadcast_in_dim3A_66 {strides = array<i32>} : memref<10112x128xf32, #tpu.memory_space<vmem>>, vector<112x128xf32>,
    %swap3A_72 = arith.constant 0 : index
    %swap3A_73 = arith.constant 0 : index
    %swap3A_74 = vector.load %arg7[%swap3A_72, %swap3A_73] : memref<10112x128xf32, #tpu.memory_space<vmem>>, vector<10000x128xf32>
    tpu.vector_store %arg7[%swap3A_72, %swap3A_73], %max3A_32 {strides = array<i32>} : memref<10112x128xf32, #tpu.memory_space<vmem>>, vector<10000x128xf32>,
    %swap3A_75 = arith.constant 10000 : index
    %swap3A_76 = arith.constant 0 : index
    %swap3A_77 = vector.load %arg7[%swap3A_75, %swap3A_76] : memref<10112x128xf32, #tpu.memory_space<vmem>>, vector<112x128xf32>
    tpu.vector_store %arg7[%swap3A_75, %swap3A_76], %broadcast_in_dim3A_66 {strides = array<i32>} : memref<10112x128xf32, #tpu.memory_space<vmem>>, vector<112x128xf32>,
    %swap3A_78 = arith.constant 0 : index
    %swap3A_79 = arith.constant 0 : index
    %swap3A_80 = vector.load %arg8[%swap3A_78, %swap3A_79] : memref<10112x128xf32, #tpu.memory_space<vmem>>, vector<10000x128xf32>
    tpu.vector_store %arg8[%swap3A_78, %swap3A_79], %select_n3A_64 {strides = array<i32>} : memref<10112x128xf32, #tpu.memory_space<vmem>>, vector<10000x128xf32>,
    %swap3A_81 = arith.constant 10000 : index
    %swap3A_82 = arith.constant 0 : index
    %swap3A_83 = vector.load %arg8[%swap3A_81, %swap3A_82] : memref<10112x128xf32, #tpu.memory_space<vmem>>, vector<112x128xf32>
    tpu.vector_store %arg8[%swap3A_81, %swap3A_82], %broadcast_in_dim3A_66 {strides = array<i32>} : memref<10112x128xf32, #tpu.memory_space<vmem>>, vector<112x128xf32>,
    %swap3A_84 = arith.constant 0 : index
    %swap3A_85 = arith.constant 0 : index
    %swap3A_86 = vector.load %arg9[%swap3A_84, %swap3A_85] : memref<10000x128xf32, #tpu.memory_space<vmem>>, vector<10000x128xf32>
    tpu.vector_store %arg9[%swap3A_84, %swap3A_85], %max3A_19 {strides = array<i32>} : memref<10000x128xf32, #tpu.memory_space<vmem>>, vector<10000x128xf32>,
    %add3A_87 = vector.broadcast %reduce_max3A_52 : f32 to vector<10000x1xf32>
    %add3A_88 = arith.addf %add3A_41, %add3A_87 : vector<10000x1xf32>
    %swap3A_89 = arith.constant 0 : index
    %swap3A_90 = arith.constant 0 : index
    %swap3A_91 = vector.load %arg10[%swap3A_89, %swap3A_90] : memref<10000x1xf32, #tpu.memory_space<vmem>>, vector<10000x1xf32>
    tpu.vector_store %arg10[%swap3A_89, %swap3A_90], %add3A_88 {strides = array<i32>} : memref<10000x1xf32, #tpu.memory_space<vmem>>, vector<10000x1xf32>,
    %reduce_sum3A = arith.constant dense<0.000000e+00> : vector<128xf32>
    %reduce_sum3A_92 = vector.multi_reduction <add>, %max3A_32, %reduce_sum3A [0] : vector<10000x128xf32> to vector<128xf32>
    %broadcast_in_dim3A_93 = vector.shape_cast %reduce_sum3A_92 : vector<128xf32> to vector<1x128xf32>
    %broadcast_in_dim3A_94 = vector.shape_cast %broadcast_in_dim3A_93 : vector<1x128xf32> to vector<1x128xf32>
    %broadcast_in_dim3A_95 = vector.broadcast %broadcast_in_dim3A_94 : vector<1x128xf32> to vector<8x128xf32>
    %swap3A_96 = arith.constant 0 : index
    %swap3A_97 = arith.constant 0 : index
    %swap3A_98 = vector.load %arg11[%swap3A_96, %swap3A_97] : memref<8x128xf32, #tpu.memory_space<vmem>>, vector<8x128xf32>
    tpu.vector_store %arg11[%swap3A_96, %swap3A_97], %broadcast_in_dim3A_95 {strides = array<i32>} : memref<8x128xf32, #tpu.memory_space<vmem>>, vector<8x128xf32>,
    return
  }
}

module attributes {stable_mosaic.version = 14 : i64} {
  func.func @_k5_body(%arg0: i32, %arg1: memref<2x1000x128xf32, #tpu.memory_space<vmem>>, %arg2: memref<2x1000x128xf32, #tpu.memory_space<vmem>>, %arg3: memref<1000x128xf32, #tpu.memory_space<vmem>>, %arg4: memref<1000x128xf32, #tpu.memory_space<vmem>>, %arg5: memref<1000x1xf32, #tpu.memory_space<vmem>>, %arg6: memref<8x128xf32, #tpu.memory_space<vmem>>, %arg7: memref<1000x1xi32, #tpu.memory_space<vmem>>, %arg8: memref<128x128xf32, #tpu.memory_space<vmem>>, %arg9: memref<1x128xf32, #tpu.memory_space<vmem>>, %arg10: memref<128x2xf32, #tpu.memory_space<vmem>>, %arg11: memref<1x2xf32, #tpu.memory_space<vmem>>, %arg12: memref<128x128xf32, #tpu.memory_space<vmem>>, %arg13: memref<1x128xf32, #tpu.memory_space<vmem>>, %arg14: memref<128x128xf32, #tpu.memory_space<vmem>>, %arg15: memref<1x128xf32, #tpu.memory_space<vmem>>, %arg16: memref<128x1xf32, #tpu.memory_space<vmem>>, %arg17: memref<1x1xf32, #tpu.memory_space<vmem>>, %arg18: memref<128x1xf32, #tpu.memory_space<vmem>>, %arg19: memref<1x1xf32, #tpu.memory_space<vmem>>, %arg20: memref<1000x1xf32, #tpu.memory_space<vmem>>, %arg21: memref<1000x128xf32, #tpu.memory_space<vmem>>, %arg22: memref<1000x2xf32, #tpu.memory_space<vmem>>) attributes {dimension_semantics = [#tpu.dimension_semantics<arbitrary>], iteration_bounds = array<i64: 10>, scalar_prefetch = 0 : i64, scratch_operands = 0 : i64, tpu.core_type = #tpu.core_type<tc>, window_params = [{transform_indices = @transform_0, window_bounds = array<i64: 2, 1000, 128>}, {transform_indices = @transform_1, window_bounds = array<i64: 2, 1000, 128>}, {transform_indices = @transform_2, window_bounds = array<i64: 1000, 128>}, {transform_indices = @transform_3, window_bounds = array<i64: 1000, 128>}, {transform_indices = @transform_4, window_bounds = array<i64: 1000, 1>}, {pipeline_mode = #tpu.pipeline_mode<synchronous>, transform_indices = @transform_5, window_bounds = array<i64: 8, 128>}, {transform_indices = @transform_6, window_bounds = array<i64: 1000, 1>}, {pipeline_mode = #tpu.pipeline_mode<synchronous>, transform_indices = @transform_7, window_bounds = array<i64: 128, 128>}, {pipeline_mode = #tpu.pipeline_mode<synchronous>, transform_indices = @transform_8, window_bounds = array<i64: 1, 128>}, {pipeline_mode = #tpu.pipeline_mode<synchronous>, transform_indices = @transform_9, window_bounds = array<i64: 128, 2>}, {pipeline_mode = #tpu.pipeline_mode<synchronous>, transform_indices = @transform_10, window_bounds = array<i64: 1, 2>}, {pipeline_mode = #tpu.pipeline_mode<synchronous>, transform_indices = @transform_11, window_bounds = array<i64: 128, 128>}, {pipeline_mode = #tpu.pipeline_mode<synchronous>, transform_indices = @transform_12, window_bounds = array<i64: 1, 128>}, {pipeline_mode = #tpu.pipeline_mode<synchronous>, transform_indices = @transform_13, window_bounds = array<i64: 128, 128>}, {pipeline_mode = #tpu.pipeline_mode<synchronous>, transform_indices = @transform_14, window_bounds = array<i64: 1, 128>}, {pipeline_mode = #tpu.pipeline_mode<synchronous>, transform_indices = @transform_15, window_bounds = array<i64: 128, 1>}, {pipeline_mode = #tpu.pipeline_mode<synchronous>, transform_indices = @transform_16, window_bounds = array<i64: 1, 1>}, {pipeline_mode = #tpu.pipeline_mode<synchronous>, transform_indices = @transform_17, window_bounds = array<i64: 128, 1>}, {pipeline_mode = #tpu.pipeline_mode<synchronous>, transform_indices = @transform_18, window_bounds = array<i64: 1, 1>}, {transform_indices = @transform_19, window_bounds = array<i64: 1000, 1>}, {transform_indices = @transform_20, window_bounds = array<i64: 1000, 128>}, {transform_indices = @transform_21, window_bounds = array<i64: 1000, 2>}]} {
    %get3A = arith.constant 0 : index
    %get3A_0 = arith.constant 0 : index
    %get3A_1 = arith.constant 0 : index
    %get3A_2 = vector.load %arg1[%get3A, %get3A_0, %get3A_1] : memref<2x1000x128xf32, #tpu.memory_space<vmem>>, vector<1x1000x128xf32>
    %get3A_3 = vector.shape_cast %get3A_2 : vector<1x1000x128xf32> to vector<1000x128xf32>
    %get3A_4 = arith.constant 1 : index
    %get3A_5 = arith.constant 0 : index
    %get3A_6 = arith.constant 0 : index
    %get3A_7 = vector.load %arg1[%get3A_4, %get3A_5, %get3A_6] : memref<2x1000x128xf32, #tpu.memory_space<vmem>>, vector<1x1000x128xf32>
    %get3A_8 = vector.shape_cast %get3A_7 : vector<1x1000x128xf32> to vector<1000x128xf32>
    %get3A_9 = arith.constant 0 : index
    %get3A_10 = arith.constant 0 : index
    %get3A_11 = arith.constant 0 : index
    %get3A_12 = vector.load %arg2[%get3A_9, %get3A_10, %get3A_11] : memref<2x1000x128xf32, #tpu.memory_space<vmem>>, vector<1x1000x1xf32>
    %get3A_13 = vector.shape_cast %get3A_12 : vector<1x1000x1xf32> to vector<1000x1xf32>
    %get3A_14 = arith.constant 1 : index
    %get3A_15 = arith.constant 0 : index
    %get3A_16 = arith.constant 0 : index
    %get3A_17 = vector.load %arg2[%get3A_14, %get3A_15, %get3A_16] : memref<2x1000x128xf32, #tpu.memory_space<vmem>>, vector<1x1000x1xf32>
    %get3A_18 = vector.shape_cast %get3A_17 : vector<1x1000x1xf32> to vector<1000x1xf32>
    %add3A = arith.addf %get3A_13, %get3A_18 : vector<1000x1xf32>
    %get3A_19 = arith.constant 0 : index
    %get3A_20 = arith.constant 0 : index
    %get3A_21 = arith.constant 1 : index
    %get3A_22 = vector.load %arg2[%get3A_19, %get3A_20, %get3A_21] : memref<2x1000x128xf32, #tpu.memory_space<vmem>>, vector<1x1000x1xf32>
    %get3A_23 = vector.shape_cast %get3A_22 : vector<1x1000x1xf32> to vector<1000x1xf32>
    %get3A_24 = arith.constant 1 : index
    %get3A_25 = arith.constant 0 : index
    %get3A_26 = arith.constant 1 : index
    %get3A_27 = vector.load %arg2[%get3A_24, %get3A_25, %get3A_26] : memref<2x1000x128xf32, #tpu.memory_space<vmem>>, vector<1x1000x1xf32>
    %get3A_28 = vector.shape_cast %get3A_27 : vector<1x1000x1xf32> to vector<1000x1xf32>
    %add3A_29 = arith.addf %get3A_23, %get3A_28 : vector<1000x1xf32>
    %get3A_30 = arith.constant 0 : index
    %get3A_31 = arith.constant 0 : index
    %get3A_32 = vector.load %arg5[%get3A_30, %get3A_31] : memref<1000x1xf32, #tpu.memory_space<vmem>>, vector<1000x1xf32>
    %max3A = arith.constant 0.000000e+00 : f32
    %max3A_33 = vector.broadcast %max3A : f32 to vector<1000x1xf32>
    %max3A_34 = arith.maximumf %get3A_32, %max3A_33 : vector<1000x1xf32>
    %sub3A = arith.constant 0.000000e+00 : f32
    %sub3A_35 = vector.broadcast %sub3A : f32 to vector<1000x1xf32>
    %sub3A_36 = arith.subf %sub3A_35, %max3A_34 : vector<1000x1xf32>
    %exp3A = math.exp %sub3A_36 : vector<1000x1xf32>
    %sub3A_37 = arith.subf %get3A_32, %max3A_34 : vector<1000x1xf32>
    %exp3A_38 = math.exp %sub3A_37 : vector<1000x1xf32>
    %get3A_39 = arith.constant 0 : index
    %get3A_40 = arith.constant 0 : index
    %get3A_41 = vector.load %arg6[%get3A_39, %get3A_40] : memref<8x128xf32, #tpu.memory_space<vmem>>, vector<1x128xf32>
    %sub3A_42 = arith.constant 1.000000e+04 : f32
    %sub3A_43 = vector.broadcast %sub3A_42 : f32 to vector<1000x1xf32>
    %sub3A_44 = arith.subf %sub3A_43, %add3A_29 : vector<1000x1xf32>
    %mul3A = arith.mulf %sub3A_44, %exp3A : vector<1000x1xf32>
    %mul3A_45 = arith.mulf %exp3A_38, %add3A : vector<1000x1xf32>
    %add3A_46 = arith.addf %mul3A, %mul3A_45 : vector<1000x1xf32>
    %sub3A_47 = vector.broadcast %get3A_41 : vector<1x128xf32> to vector<1000x128xf32>
    %sub3A_48 = arith.subf %sub3A_47, %get3A_8 : vector<1000x128xf32>
    %mul3A_49 = vector.broadcast %exp3A : vector<1000x1xf32> to vector<1000x128xf32>
    %mul3A_50 = arith.mulf %mul3A_49, %sub3A_48 : vector<1000x128xf32>
    %mul3A_51 = vector.broadcast %exp3A_38 : vector<1000x1xf32> to vector<1000x128xf32>
    %mul3A_52 = arith.mulf %mul3A_51, %get3A_3 : vector<1000x128xf32>
    %add3A_53 = arith.addf %mul3A_50, %mul3A_52 : vector<1000x128xf32>
    %div3A = vector.broadcast %add3A_46 : vector<1000x1xf32> to vector<1000x128xf32>
    %div3A_54 = arith.divf %add3A_53, %div3A : vector<1000x128xf32>
    %get3A_55 = arith.constant 0 : index
    %get3A_56 = arith.constant 0 : index
    %get3A_57 = vector.load %arg4[%get3A_55, %get3A_56] : memref<1000x128xf32, #tpu.memory_space<vmem>>, vector<1000x128xf32>
    %add3A_58 = arith.addf %div3A_54, %get3A_57 : vector<1000x128xf32>
    %swap3A = arith.constant 0 : index
    %swap3A_59 = arith.constant 0 : index
    %swap3A_60 = vector.load %arg21[%swap3A, %swap3A_59] : memref<1000x128xf32, #tpu.memory_space<vmem>>, vector<1000x128xf32>
    tpu.vector_store %arg21[%swap3A, %swap3A_59], %add3A_58 {strides = array<i32>} : memref<1000x128xf32, #tpu.memory_space<vmem>>, vector<1000x128xf32>,
    %get3A_61 = arith.constant 0 : index
    %get3A_62 = arith.constant 0 : index
    %get3A_63 = vector.load %arg3[%get3A_61, %get3A_62] : memref<1000x128xf32, #tpu.memory_space<vmem>>, vector<1000x128xf32>
    %get3A_64 = arith.constant 0 : index
    %get3A_65 = arith.constant 0 : index
    %get3A_66 = vector.load %arg8[%get3A_64, %get3A_65] : memref<128x128xf32, #tpu.memory_space<vmem>>, vector<128x128xf32>
    %dot_general3A = arith.constant dense<0.000000e+00> : vector<1000x128xf32>
    %dot_general3A_67 = tpu.matmul %get3A_63, %get3A_66, %dot_general3A {dimension_numbers = #tpu.dot_dimension_numbers<[1], [0], [0], [1], [0, 0, 1, 1], [], []>, transpose_lhs_hint = false} : vector<1000x128xf32>, vector<128x128xf32>, vector<1000x128xf32> -> vector<1000x128xf32>
    %get3A_68 = arith.constant 0 : index
    %get3A_69 = arith.constant 0 : index
    %get3A_70 = vector.load %arg9[%get3A_68, %get3A_69] : memref<1x128xf32, #tpu.memory_space<vmem>>, vector<1x128xf32>
    %add3A_71 = vector.broadcast %get3A_70 : vector<1x128xf32> to vector<1000x128xf32>
    %add3A_72 = arith.addf %dot_general3A_67, %add3A_71 : vector<1000x128xf32>
    %get3A_73 = arith.constant 0 : index
    %get3A_74 = arith.constant 0 : index
    %get3A_75 = vector.load %arg10[%get3A_73, %get3A_74] : memref<128x2xf32, #tpu.memory_space<vmem>>, vector<128x2xf32>
    %dot_general3A_76 = arith.constant dense<0.000000e+00> : vector<1000x2xf32>
    %dot_general3A_77 = tpu.matmul %add3A_72, %get3A_75, %dot_general3A_76 {dimension_numbers = #tpu.dot_dimension_numbers<[1], [0], [0], [1], [0, 0, 1, 1], [], []>, transpose_lhs_hint = false} : vector<1000x128xf32>, vector<128x2xf32>, vector<1000x2xf32> -> vector<1000x2xf32>
    %get3A_78 = arith.constant 0 : index
    %get3A_79 = arith.constant 0 : index
    %get3A_80 = vector.load %arg11[%get3A_78, %get3A_79] : memref<1x2xf32, #tpu.memory_space<vmem>>, vector<1x2xf32>
    %add3A_81 = vector.broadcast %get3A_80 : vector<1x2xf32> to vector<1000x2xf32>
    %add3A_82 = arith.addf %dot_general3A_77, %add3A_81 : vector<1000x2xf32>
    %logistic3A = arith.negf %add3A_82 : vector<1000x2xf32>
    %logistic3A_83 = math.exp %logistic3A : vector<1000x2xf32>
    %logistic3A_84 = arith.constant 1.000000e+00 : f32
    %logistic3A_85 = vector.broadcast %logistic3A_84 : f32 to vector<1000x2xf32>
    %logistic3A_86 = arith.addf %logistic3A_85, %logistic3A_83 : vector<1000x2xf32>
    %logistic3A_87 = arith.divf %logistic3A_85, %logistic3A_86 : vector<1000x2xf32>
    %swap3A_88 = arith.constant 0 : index
    %swap3A_89 = arith.constant 0 : index
    %swap3A_90 = vector.load %arg22[%swap3A_88, %swap3A_89] : memref<1000x2xf32, #tpu.memory_space<vmem>>, vector<1000x2xf32>
    tpu.vector_store %arg22[%swap3A_88, %swap3A_89], %logistic3A_87 {strides = array<i32>} : memref<1000x2xf32, #tpu.memory_space<vmem>>, vector<1000x2xf32>,
    %get3A_91 = arith.constant 0 : index
    %get3A_92 = arith.constant 0 : index
    %get3A_93 = vector.load %arg12[%get3A_91, %get3A_92] : memref<128x128xf32, #tpu.memory_space<vmem>>, vector<128x128xf32>
    %dot_general3A_94 = arith.constant dense<0.000000e+00> : vector<1000x128xf32>
    %dot_general3A_95 = tpu.matmul %add3A_58, %get3A_93, %dot_general3A_94 {dimension_numbers = #tpu.dot_dimension_numbers<[1], [0], [0], [1], [0, 0, 1, 1], [], []>, transpose_lhs_hint = false} : vector<1000x128xf32>, vector<128x128xf32>, vector<1000x128xf32> -> vector<1000x128xf32>
    %get3A_96 = arith.constant 0 : index
    %get3A_97 = arith.constant 0 : index
    %get3A_98 = vector.load %arg13[%get3A_96, %get3A_97] : memref<1x128xf32, #tpu.memory_space<vmem>>, vector<1x128xf32>
    %add3A_99 = vector.broadcast %get3A_98 : vector<1x128xf32> to vector<1000x128xf32>
    %add3A_100 = arith.addf %dot_general3A_95, %add3A_99 : vector<1000x128xf32>
    %max3A_101 = arith.constant 0.000000e+00 : f32
    %max3A_102 = vector.broadcast %max3A_101 : f32 to vector<1000x128xf32>
    %max3A_103 = arith.maximumf %add3A_100, %max3A_102 : vector<1000x128xf32>
    %get3A_104 = arith.constant 0 : index
    %get3A_105 = arith.constant 0 : index
    %get3A_106 = vector.load %arg16[%get3A_104, %get3A_105] : memref<128x1xf32, #tpu.memory_space<vmem>>, vector<128x1xf32>
    %dot_general3A_107 = arith.constant dense<0.000000e+00> : vector<1000x1xf32>
    %dot_general3A_108 = tpu.matmul %max3A_103, %get3A_106, %dot_general3A_107 {dimension_numbers = #tpu.dot_dimension_numbers<[1], [0], [0], [1], [0, 0, 1, 1], [], []>, transpose_lhs_hint = false} : vector<1000x128xf32>, vector<128x1xf32>, vector<1000x1xf32> -> vector<1000x1xf32>
    %get3A_109 = arith.constant 0 : index
    %get3A_110 = arith.constant 0 : index
    %get3A_111 = vector.load %arg17[%get3A_109, %get3A_110] : memref<1x1xf32, #tpu.memory_space<vmem>>, vector<1x1xf32>
    %add3A_112 = vector.broadcast %get3A_111 : vector<1x1xf32> to vector<1000x1xf32>
    %add3A_113 = arith.addf %dot_general3A_108, %add3A_112 : vector<1000x1xf32>
    %get3A_114 = arith.constant 0 : index
    %get3A_115 = arith.constant 0 : index
    %get3A_116 = vector.load %arg14[%get3A_114, %get3A_115] : memref<128x128xf32, #tpu.memory_space<vmem>>, vector<128x128xf32>
    %dot_general3A_117 = arith.constant dense<0.000000e+00> : vector<1000x128xf32>
    %dot_general3A_118 = tpu.matmul %add3A_58, %get3A_116, %dot_general3A_117 {dimension_numbers = #tpu.dot_dimension_numbers<[1], [0], [0], [1], [0, 0, 1, 1], [], []>, transpose_lhs_hint = false} : vector<1000x128xf32>, vector<128x128xf32>, vector<1000x128xf32> -> vector<1000x128xf32>
    %get3A_119 = arith.constant 0 : index
    %get3A_120 = arith.constant 0 : index
    %get3A_121 = vector.load %arg15[%get3A_119, %get3A_120] : memref<1x128xf32, #tpu.memory_space<vmem>>, vector<1x128xf32>
    %add3A_122 = vector.broadcast %get3A_121 : vector<1x128xf32> to vector<1000x128xf32>
    %add3A_123 = arith.addf %dot_general3A_118, %add3A_122 : vector<1000x128xf32>
    %max3A_124 = arith.constant 0.000000e+00 : f32
    %max3A_125 = vector.broadcast %max3A_124 : f32 to vector<1000x128xf32>
    %max3A_126 = arith.maximumf %add3A_123, %max3A_125 : vector<1000x128xf32>
    %get3A_127 = arith.constant 0 : index
    %get3A_128 = arith.constant 0 : index
    %get3A_129 = vector.load %arg18[%get3A_127, %get3A_128] : memref<128x1xf32, #tpu.memory_space<vmem>>, vector<128x1xf32>
    %dot_general3A_130 = arith.constant dense<0.000000e+00> : vector<1000x1xf32>
    %dot_general3A_131 = tpu.matmul %max3A_126, %get3A_129, %dot_general3A_130 {dimension_numbers = #tpu.dot_dimension_numbers<[1], [0], [0], [1], [0, 0, 1, 1], [], []>, transpose_lhs_hint = false} : vector<1000x128xf32>, vector<128x1xf32>, vector<1000x1xf32> -> vector<1000x1xf32>
    %get3A_132 = arith.constant 0 : index
    %get3A_133 = arith.constant 0 : index
    %get3A_134 = vector.load %arg19[%get3A_132, %get3A_133] : memref<1x1xf32, #tpu.memory_space<vmem>>, vector<1x1xf32>
    %add3A_135 = vector.broadcast %get3A_134 : vector<1x1xf32> to vector<1000x1xf32>
    %add3A_136 = arith.addf %dot_general3A_131, %add3A_135 : vector<1000x1xf32>
    %get3A_137 = arith.constant 0 : index
    %get3A_138 = arith.constant 0 : index
    %get3A_139 = vector.load %arg7[%get3A_137, %get3A_138] : memref<1000x1xi32, #tpu.memory_space<vmem>>, vector<1000x1xi32>
    %gt3A = arith.constant 0 : i32
    %gt3A_140 = vector.broadcast %gt3A : i32 to vector<1000x1xi32>
    %gt3A_141 = arith.cmpi sgt, %get3A_139, %gt3A_140 : vector<1000x1xi32>
    %select_n3A = arith.select %gt3A_141, %add3A_136, %add3A_113 : vector<1000x1xi1>, vector<1000x1xf32>
    %swap3A_142 = arith.constant 0 : index
    %swap3A_143 = arith.constant 0 : index
    %swap3A_144 = vector.load %arg20[%swap3A_142, %swap3A_143] : memref<1000x1xf32, #tpu.memory_space<vmem>>, vector<1000x1xf32>
    tpu.vector_store %arg20[%swap3A_142, %swap3A_143], %select_n3A {strides = array<i32>} : memref<1000x1xf32, #tpu.memory_space<vmem>>, vector<1000x1xf32>,
    return
  }
  func.func @transform_0(%arg0: i32) -> (i32, i32, i32) {
    %c0_i32 = arith.constant 0 : i32
    %c0_i32_0 = arith.constant 0 : i32
    %c0_i32_1 = arith.constant 0 : i32
    return %c0_i32, %arg0, %c0_i32_0 : i32, i32, i32
  }
  func.func @transform_1(%arg0: i32) -> (i32, i32, i32) {
    %c0_i32 = arith.constant 0 : i32
    %c0_i32_0 = arith.constant 0 : i32
    %c0_i32_1 = arith.constant 0 : i32
    return %c0_i32, %arg0, %c0_i32_0 : i32, i32, i32
  }
  func.func @transform_2(%arg0: i32) -> (i32, i32) {
    %c0_i32 = arith.constant 0 : i32
    %c0_i32_0 = arith.constant 0 : i32
    return %arg0, %c0_i32 : i32, i32
  }
  func.func @transform_3(%arg0: i32) -> (i32, i32) {
    %c0_i32 = arith.constant 0 : i32
    %c0_i32_0 = arith.constant 0 : i32
    return %arg0, %c0_i32 : i32, i32
  }
  func.func @transform_4(%arg0: i32) -> (i32, i32) {
    %c0_i32 = arith.constant 0 : i32
    %c0_i32_0 = arith.constant 0 : i32
    return %arg0, %c0_i32 : i32, i32
  }
  func.func @transform_5(%arg0: i32) -> (i32, i32) {
    %c0_i32 = arith.constant 0 : i32
    %c0_i32_0 = arith.constant 0 : i32
    %c0_i32_1 = arith.constant 0 : i32
    return %c0_i32, %c0_i32_0 : i32, i32
  }
  func.func @transform_6(%arg0: i32) -> (i32, i32) {
    %c0_i32 = arith.constant 0 : i32
    %c0_i32_0 = arith.constant 0 : i32
    return %arg0, %c0_i32 : i32, i32
  }
  func.func @transform_7(%arg0: i32) -> (i32, i32) {
    %c0_i32 = arith.constant 0 : i32
    %c0_i32_0 = arith.constant 0 : i32
    %c0_i32_1 = arith.constant 0 : i32
    return %c0_i32, %c0_i32_0 : i32, i32
  }
  func.func @transform_8(%arg0: i32) -> (i32, i32) {
    %c0_i32 = arith.constant 0 : i32
    %c0_i32_0 = arith.constant 0 : i32
    %c0_i32_1 = arith.constant 0 : i32
    return %c0_i32, %c0_i32_0 : i32, i32
  }
  func.func @transform_9(%arg0: i32) -> (i32, i32) {
    %c0_i32 = arith.constant 0 : i32
    %c0_i32_0 = arith.constant 0 : i32
    %c0_i32_1 = arith.constant 0 : i32
    return %c0_i32, %c0_i32_0 : i32, i32
  }
  func.func @transform_10(%arg0: i32) -> (i32, i32) {
    %c0_i32 = arith.constant 0 : i32
    %c0_i32_0 = arith.constant 0 : i32
    %c0_i32_1 = arith.constant 0 : i32
    return %c0_i32, %c0_i32_0 : i32, i32
  }
  func.func @transform_11(%arg0: i32) -> (i32, i32) {
    %c0_i32 = arith.constant 0 : i32
    %c0_i32_0 = arith.constant 0 : i32
    %c0_i32_1 = arith.constant 0 : i32
    return %c0_i32, %c0_i32_0 : i32, i32
  }
  func.func @transform_12(%arg0: i32) -> (i32, i32) {
    %c0_i32 = arith.constant 0 : i32
    %c0_i32_0 = arith.constant 0 : i32
    %c0_i32_1 = arith.constant 0 : i32
    return %c0_i32, %c0_i32_0 : i32, i32
  }
  func.func @transform_13(%arg0: i32) -> (i32, i32) {
    %c0_i32 = arith.constant 0 : i32
    %c0_i32_0 = arith.constant 0 : i32
    %c0_i32_1 = arith.constant 0 : i32
    return %c0_i32, %c0_i32_0 : i32, i32
  }
  func.func @transform_14(%arg0: i32) -> (i32, i32) {
    %c0_i32 = arith.constant 0 : i32
    %c0_i32_0 = arith.constant 0 : i32
    %c0_i32_1 = arith.constant 0 : i32
    return %c0_i32, %c0_i32_0 : i32, i32
  }
  func.func @transform_15(%arg0: i32) -> (i32, i32) {
    %c0_i32 = arith.constant 0 : i32
    %c0_i32_0 = arith.constant 0 : i32
    %c0_i32_1 = arith.constant 0 : i32
    return %c0_i32, %c0_i32_0 : i32, i32
  }
  func.func @transform_16(%arg0: i32) -> (i32, i32) {
    %c0_i32 = arith.constant 0 : i32
    %c0_i32_0 = arith.constant 0 : i32
    %c0_i32_1 = arith.constant 0 : i32
    return %c0_i32, %c0_i32_0 : i32, i32
  }
  func.func @transform_17(%arg0: i32) -> (i32, i32) {
    %c0_i32 = arith.constant 0 : i32
    %c0_i32_0 = arith.constant 0 : i32
    %c0_i32_1 = arith.constant 0 : i32
    return %c0_i32, %c0_i32_0 : i32, i32
  }
  func.func @transform_18(%arg0: i32) -> (i32, i32) {
    %c0_i32 = arith.constant 0 : i32
    %c0_i32_0 = arith.constant 0 : i32
    %c0_i32_1 = arith.constant 0 : i32
    return %c0_i32, %c0_i32_0 : i32, i32
  }
  func.func @transform_19(%arg0: i32) -> (i32, i32) {
    %c0_i32 = arith.constant 0 : i32
    %c0_i32_0 = arith.constant 0 : i32
    return %arg0, %c0_i32 : i32, i32
  }
  func.func @transform_20(%arg0: i32) -> (i32, i32) {
    %c0_i32 = arith.constant 0 : i32
    %c0_i32_0 = arith.constant 0 : i32
    return %arg0, %c0_i32 : i32, i32
  }
  func.func @transform_21(%arg0: i32) -> (i32, i32) {
    %c0_i32 = arith.constant 0 : i32
    %c0_i32_0 = arith.constant 0 : i32
    return %arg0, %c0_i32 : i32, i32
  }
}

</mosaic_0001>

<sc_bundles>
// kernel: att_edge_pass.3.cloned.1.call-start
scs
__scs_entry_jumppad:
0x0: {  	(pc) =	sbr.rel $0x88, $3  }
0x1: {  	(tag) =	ssettag $0x0;
	lr =	simm.s32 $0x1  }
0x2: {  	[smem:$0x3F8D] =	sst lr;
	_ =	strace $0xD0000000  }
0x3: {  	_ = 	snop  }
0x4: {  	_ = 	snop  }
0x5: {  	_ = 	snop  }
0x6: {  	_ = 	snop  }
0x7: {  	_ = 	snop  }
__scs_overlays_trampoline_lowered:
0x8: {  	[smem:$0x3F9C] =	sst s0  }
0x9: {  	[smem:$0x3F9D] =	sst s1  }
0xa: {  	[smem:$0x3F9E] =	sst s2  }
0xb: {  	[smem:$0x3F9F] =	sst s3  }
0xc: {  	[smem:$0x3FA0] =	sst s4  }
0xd: {  	[smem:$0x3FA1] =	sst s5  }
0xe: {  	[smem:$0x3FA2] =	sst s6  }
0xf: {  	[smem:$0x3FA3] =	sst s7  }
0x10: {  	[smem:$0x3FA4] =	sst s8  }
0x11: {  	[smem:$0x3FA5] =	sst s9;
	s0 =	simm.s32 @!p0 $0x0  }
0x12: {  	s1 =	sld [smem:$0x3F8B];
	s0 =	simm.s32 @p0 $0x1  }
0x13: {  	[smem:$0x3FA6] =	sst s0;
	s0 =	simm.s32 @!p1 $0x0  }
0x14: {  	s2 =	sld [smem:$0x3F8A];
	s0 =	simm.s32 @p1 $0x1  }
0x15: {  	[smem:$0x3FA7] =	sst s0;
	s0 =	simm.s32 @!p2 $0x0  }
0x16: {  	s3 =	sld [smem:$0x3FDB];
	s0 =	simm.s32 @p2 $0x1  }
0x17: {  	s4 =	simm.s32 $0x1BF5;
	[smem:$0x3FA9] =	sst s0  }
0x18: {  	s0 =	sld [smem:$0x3F8C];
	_ =	swait.ge [sflag:s4], $0x0  }
0x19: {  	s7 =	sld [smem:$0x3F8D]  }
0x1a: {  	s8 =	sadd.s32 $0xFFFFE003, lr  }
0x1b: {  	s9 =	sadd.s32 $0xFFFFFEF7, lr;
	s5 =	simm.s32 $0xFFFFFFFF;
	p2 =	slt.u32 s8, $0xFFFFF086  }
0x1c: {  	p1 =	slt.u32 s9, $0xF7A;
	s5 =	simm.s32 @!p2 $0x0  }
0x1d: {  	s5 =	simm.s32 @p1 $0x1;
	p0 =	seq.s32 s7, s2  }
0x1e: {  	s7 =	smul.u32 @!p0 $0xF7A, s2;
	p2 =	seq.s32 @!p0 s5, $0x0  }
0x1f: {  	s9 =	smul.u32 $0xF7A, s1;
	s8 =	simm.s32 @!p0 $0x1BF5;
	p2 =	por !p2, p0  }
0x20: {  	[sflag:s8] =	ssyncset.s32 @!p0 $0xFFFFF086;
	s6 =	sadd.s32 @!p0 s3, s7;
	s7 =	simm.s32 @!p0 $0x108  }
0x21: {  	s3 =	sadd.s32 s3, s9;
	s6 =	sadd.s32 @!p0 $0x88, s6;
	s7 =	simm.s32 @p2 $0x1082  }
0x22: {  	[simem:s7], [sflag:s8] =	dma.local @!p0 [hbm:s6], $0xF7A  }
0x23: {  	s9 =	sor.u32 $0xD0000000, s2;
	s6 =	simm.s32 $0x108;
	_ =	swait.ge @!p0 [sflag:s8], $0x0  }
0x24: {  	s3 =	sadd.s32 $0x88, s3;
	s6 =	simm.s32 @!p1 $0x1082;
	[sflag:s4] =	ssyncset.s32 $0xFFFFF086  }
0x25: {  	[simem:s6], [sflag:s4] =	dma.local [hbm:s3], $0xF7A  }
0x26: {  	[smem:$0x3F8D] =	sst s1;
	(tag) =	ssettag s2;
	_ =	strace s9  }
0x27: {  	s1 =	sld [smem:$0x3F9D]  }
0x28: {  	s2 =	sld [smem:$0x3F9E]  }
0x29: {  	s4 =	sld [smem:$0x3FA0]  }
0x2a: {  	p0 =	seq.s32 s5, $0x0;
	s5 =	sld [smem:$0x3FA1]  }
0x2b: {  	s6 =	sld [smem:$0x3FA2]  }
0x2c: {  	s7 =	sld [smem:$0x3FA3]  }
0x2d: {  	s3 =	simm.s32 $0x108;
	s8 =	sld [smem:$0x3FA4]  }
0x2e: {  	s3 =	simm.s32 @!p0 $0x1082;
	s9 =	sld [smem:$0x3FA5]  }
0x2f: {  	lr =	sadd.s32 s0, s3;
	s0 =	sld [smem:$0x3F9C]  }
0x30: {  	s3 =	sld [smem:$0x3F9F]  }
0x31: {  	[smem:$0x3FA8] =	sst s10  }
0x32: {  	s10 =	sld [smem:$0x3FA6];
	_ =	sdelay $0x3  }
0x33: {  	p0 =	seq.s32 s10, $0x1;
	s10 =	sld [smem:$0x3FA8];
	_ =	sdelay $0x3  }
0x34: {  	[smem:$0x3FA8] =	sst s10  }
0x35: {  	s10 =	sld [smem:$0x3FA7];
	_ =	sdelay $0x3  }
0x36: {  	p1 =	seq.s32 s10, $0x1;
	s10 =	sld [smem:$0x3FA8];
	_ =	sdelay $0x3  }
0x37: {  	[smem:$0x3FA8] =	sst s10  }
0x38: {  	s10 =	sld [smem:$0x3FA9]  }
0x39: {  	_ = 	snop;
	(pc) =	sbr.ind lr, $3  }
0x3a: {  	_ = 	snop  }
0x3b: {  	_ = 	snop  }
0x3c: {  	p2 =	seq.s32 s10, $0x1;
	s10 =	sld [smem:$0x3FA8]  }
0x3d: {  	_ =	shalt  }
0x3e: {  	_ =	shalt  }
0x3f: {  	_ =	shalt  }
0x40: {  	_ =	shalt  }
0x41: {  	_ =	shalt  }
0x42: {  	_ =	shalt  }
0x43: {  	_ =	shalt  }
0x44: {  	_ =	shalt  }
0x45: {  	_ =	shalt  }
0x46: {  	_ =	shalt  }
0x47: {  	_ =	shalt  }
0x48: {  	_ =	shalt  }
0x49: {  	_ =	shalt  }
0x4a: {  	_ =	shalt  }
0x4b: {  	_ =	shalt  }
0x4c: {  	_ =	shalt  }
0x4d: {  	_ =	shalt  }
0x4e: {  	_ =	shalt  }
0x4f: {  	_ =	shalt  }
0x50: {  	_ =	shalt  }
0x51: {  	_ =	shalt  }
0x52: {  	_ =	shalt  }
0x53: {  	_ =	shalt  }
0x54: {  	_ =	shalt  }
0x55: {  	_ =	shalt  }
0x56: {  	_ =	shalt  }
0x57: {  	_ =	shalt  }
0x58: {  	_ =	shalt  }
0x59: {  	_ =	shalt  }
0x5a: {  	_ =	shalt  }
0x5b: {  	_ =	shalt  }
0x5c: {  	_ =	shalt  }
0x5d: {  	_ =	shalt  }
0x5e: {  	_ =	shalt  }
0x5f: {  	_ =	shalt  }
0x60: {  	_ =	shalt  }
0x61: {  	_ =	shalt  }
0x62: {  	_ =	shalt  }
0x63: {  	_ =	shalt  }
0x64: {  	_ =	shalt  }
0x65: {  	_ =	shalt  }
0x66: {  	_ =	shalt  }
0x67: {  	_ =	shalt  }
0x68: {  	_ =	shalt  }
0x69: {  	_ =	shalt  }
0x6a: {  	_ =	shalt  }
0x6b: {  	_ =	shalt  }
0x6c: {  	_ =	shalt  }
0x6d: {  	_ =	shalt  }
0x6e: {  	_ =	shalt  }
0x6f: {  	_ =	shalt  }
0x70: {  	_ =	shalt  }
0x71: {  	_ =	shalt  }
0x72: {  	_ =	shalt  }
0x73: {  	_ =	shalt  }
0x74: {  	_ =	shalt  }
0x75: {  	_ =	shalt  }
0x76: {  	_ =	shalt  }
0x77: {  	_ =	shalt  }
0x78: {  	_ =	shalt  }
0x79: {  	_ =	shalt  }
0x7a: {  	_ =	shalt  }
0x7b: {  	_ =	shalt  }
0x7c: {  	_ =	shalt  }
0x7d: {  	_ =	shalt  }
0x7e: {  	_ =	shalt  }
0x7f: {  	_ =	shalt  }
0x80: {  	_ =	shalt  }
0x81: {  	_ =	shalt  }
0x82: {  	_ =	shalt  }
0x83: {  	_ =	shalt  }
0x84: {  	_ =	shalt  }
0x85: {  	_ =	shalt  }
0x86: {  	_ =	shalt  }
0x87: {  	_ =	shalt  }
.Lfunc_end0:
.L_simem_size_0:
called_computation.1_lowered:
.L_overlay_start_0:
0x88: {  	s2 =	sld [smem:$0x3FD9]  }
0x89: {  	s3 =	sld [smem:$0x3FFE];
	_ =	sdelay $0x1  }
0x8a: {  	s1 =	srdreg.scid  }
0x8b: {  	s0 =	sand.u32 $0x1, s1  }
0x8c: {  	s14 =	sshll.u32 s0, $0xA;
	s2 =	sadd.s32 s3, s2  }
0x8d: {  	s2 =	sadd.s32 s2, s14  }
0x8e: {  	[smem:$0x3FB4] =	sst s2  }
0x8f: {  	_ = 	snop  }
0x90: {  	s2 =	sld [smem:$0x3FD0];
	_ =	sdelay $0x2  }
0x91: {  	s15 =	simm.s32 $0xB;
	s4 =	simm.s32 $0x10  }
0x92: {  	[smem:s4], [sflag:s15] =	dma.local [hbm:s2], $0x1  }
0x93: {  	_ =	swait.eq [sflag:s15], $0x1  }
0x94: {  	[sflag:s15] =	ssyncset.done $0x0  }
0x95: {  	[sflag:s15] =	ssyncadd.s32 $0xFFFFFFFF  }
0x96: {  	s16 =	sld [smem:$0x11];
	(tm) =	ssettm $0x1  }
0x97: {  	s17 =	sld [smem:$0x3FFB];
	_ =	sdelay $0x3  }
0x98: {  	_ =	strace s17  }
0x99: {  	s3 =	sld [smem:$0x3FFC];
	_ =	sdelay $0x3  }
0x9a: {  	_ =	strace s3  }
0x9b: {  	s3 =	sld [smem:$0x3FFD];
	_ =	sdelay $0x3  }
0x9c: {  	_ =	strace s3  }
0x9d: {  	_ =	strace $0x8FFFFFFF  }
0x9e: {  	s18 =	sld [smem:$0x3FDB];
	_ =	sdelay $0x1  }
0x9f: {  	s19 =	simm.s32 $_scs_section_size  }
0xa0: {  	s5 =	simm.s32 $_size__tile_overlayer_lowered;
	s6 =	simm.s32 $_tile_overlayer_lowered  }
0xa1: {  	s22 =	simm.s32 $0x1BFF;
	s21 =	sshll.u32 s6, $0x1;
	s3 =	sadd.s32 s19, s18  }
0xa2: {  	s7 =	simm.s32 $0x0;
	s20 =	sshll.u32 s5, $0x1;
	s5 =	sadd.s32 s21, s3  }
0xa3: {  	[timem:s7], [sflag:s22] =	dma.local [hbm:s5], s20  }
0xa4: {  	_ =	swait.ge [sflag:s22], s20  }
0xa5: {  	s4 =	ssub.s32 $0x0, s20;
	[sflag:s22] =	ssyncset.done $0x0  }
0xa6: {  	[sflag:s22] =	ssyncadd.s32 s4;
	_ =	sdelay $0x1  }
0xa7: {  	s23 =	simm.s32 $0x1B8B  }
0xa8: {  	_ =	swait.ge [sflag:s23], $0x1  }
0xa9: {  	[sflag:s23] =	ssyncset.done $0x0  }
0xaa: {  	s25 =	simm.s32 $0x1B8E;
	s24 =	sld [smem:$0x3FFE];
	[sflag:s23] =	ssyncadd.s32 $0xFFFFFFFF  }
0xab: {  	s26 =	simm.s32 $execute0_lowered;
	[smem:$0x3FD2] =	sst s25  }
0xac: {  	s5 =	sshll.u32 s26, $0x1;
	_ =	strace $0x80000049;
	[dreg:$0x1] =	wrdreg $0xFFFFFFFF  }
0xad: {  	s28 =	simm.s32 $_size_execute0_lowered;
	s3 =	sadd.s32 s3, s5;
	[dreg:$0x0] =	wrdreg $0x0  }
0xae: {  	s5 =	sshll.u32 s28, $0x1;
	[dreg:$0x2] =	wrdreg s3  }
0xaf: {  	[dreg:$0x3] =	wrdreg s5  }
0xb0: {  	[dreg:$0x4] =	wrdreg $0xC0  }
0xb1: {  	_ =	task [dreg:s7], $0x5FFFF  }
0xb2: {  	[dreg:$0x1] =	wrdreg $0xFFFFFFFF  }
0xb3: {  	[dreg:$0x0] =	wrdreg $0x60  }
0xb4: {  	[dreg:$0x2] =	wrdreg s24  }
0xb5: {  	[dreg:$0x3] =	wrdreg s16  }
0xb6: {  	[dreg:$0x4] =	wrdreg $0xA8000  }
0xb7: {  	[dreg:$0x5] =	wrdreg $0x9  }
0xb8: {  	_ =	task.clear_ibuf [dreg:s7], $0x6FFFF;
	_ =	strace $0x90000049  }
0xb9: {  	s29 =	simm.s32 $0x9;
	_ =	strace $0x8000004B  }
0xba: {  	_ =	swait.ge [sflag:s29], $0x1  }
0xbb: {  	[sflag:s29] =	ssyncadd.s32 $0xFFFFFFFF  }
0xbc: {  	_ =	strace $0x9000004B  }
0xbd: {  	_ =	sfence  }
0xbe: {  	s30 =	sld [smem:$0x0];
	_ =	sdelay $0x2  }
0xbf: {  	s31 =	sshll.u32 s1, $0xD;
	s1 =	sshrl.u32 s1, $0x2  }
0xc0: {  	s3 =	sand.u32 $0x4000, s31;
	s1 =	sadd.s32 s1, s30  }
0xc1: {  	s0 =	sor.u32 s3, s0;
	s1 =	sshll.u32 s1, $0x11  }
0xc2: {  	s0 =	sor.u32 s1, s0  }
0xc3: {  	s0 =	sadd.s32 $0x8F2B, s0  }
0xc4: {  	[sflag:s0] =	ssyncadd.remote.s32 $0x1  }
0xc5: {  	_ =	sfence.sel $0xFFFF  }
0xc6: {  	[dreg:$0x0] =	wrdreg $0xFFFFFFFF;
	(pc) =	sbr.abs _section_cstart, $3  }
0xc7: {  	[dreg:$0x1] =	wrdreg $0xFFFFFFFF  }
0xc8: {  	_ =	task.clear_ibuf [dreg:s7], $0x2FFFF;
	_ =	strace $0x9FFFFFFF  }
0xc9: {  	(tm) =	ssettm $0x7FFFFFFF  }
tec
execute0_lowered:
.L_overlay_start_1:
0x0: {  	(tag) =	ssettag $0x1  }
0x1: {  	s7 =	rddreg [dreg:$0x0]  }
0x2: {  	s11 =	rddreg [dreg:$0x1]  }
0x3: {  	s1 =	rddreg [dreg:$0x2];
	s0 =	simm.s32 $0x0  }
0x4: {  	s3 =	srdreg.scid;
	s19 =	simm.s32 $0x80;
	s20 =	simm.s32 $0x2800  }
0x5: {  	s21 =	simm.s32 $0x6800;
	s22 =	simm.s32 $0x1;
	s28 =	simm.s32 $0x1380  }
0x6: {  	s29 =	simm.s32 $0x0;
	[smem:$0x7FF] =	sst s0;
	s4 =	sadd.s32 $0x89800, s7  }
0x7: {  	s9 =	sand.u32 $0x1, s3;
	s5 =	sadd.s32 $0x13E00, s7;
	s3 =	stileid.u32  }
0x8: {  	s6 =	sadd.s32 $0x11600, s7;
	s13 =	sadd.s32 $0xC600, s7;
	s12 =	smul.u32 $0x4F000, s3  }
0x9: {  	s14 =	sadd.s32 $0xD8200, s7;
	_ =	strace $0x8000004A;
	s25 =	smul.u32 $0x2800, s3  }
0xa: {  	s8 =	ssub.s32 $0x2, s9;
	s24 =	sshll.u32 s3, $0x6;
	s26 =	smul.u32 $0x138800, s9  }
0xb: {  	p0 =	seq.s32 s9, $0x1;
	s17 =	smul.u32 $0x13C00, s3;
	s10 =	sshrl.u32 s8, $0x1  }
0xc: {  	p1 =	seq.s32 s3, $0xF;
	s15 =	ssub.s32 s8, s10;
	s23 =	sshrl.u32 s12, $0x2  }
0xd: {  	s8 =	sor.u32 $0x1C03, s24;
	s16 =	sshrl.u32 s25, $0x3;
	s17 =	sadd.s32 s17, s26  }
0xe: {  	s18 =	sshrl.u32 s26, $0x3;
	s25 =	sadd.s32 $0x128400, s1;
	s24 =	simm.s32 $0x2780  }
0xf: {  	s26 =	simm.s32 $0x1300;
	s7 =	sadd.s32 s23, s1;
	s9 =	sadd.s32 s11, s16  }
.Ltmp0:
0x10: {  	s10 =	sadd.s32 s13, s16;
	s16 =	sadd.s32 $0x280, s16;
	(pc) =	sbr.rel .LBB2_1-.Ltmp0, $4  }
0x11: {  	s30 =	sshrl.u32 s17, $0x3;
	s31 =	sadd.s32 s14, s18;
	s15 =	smax.u32 s15, $0x1  }
0x12: {  	s17 =	simm.s32 $0x3;
	s18 =	simm.s32 $0x1400;
	s23 =	simm.s32 $0x2  }
0x13: {  	s25 =	sshrl.u32 @p1 s25, $0x3;
	s11 =	sadd.s32 s11, s16;
	s12 =	sadd.s32 s13, s16  }
0x14: {  	s13 =	sadd.s32 s14, s30;
	s14 =	sadd.s32 $0x25080, s31;
	s16 =	sshrl.u32 s7, $0x3  }
.LBB2_11:
0x15: {  	s0 =	sadd.s32 $0x1480, s30;
	[sflag:s17] =	ssyncadd.s32 $0xFFFFC000  }
0x16: {  	[tilespmem:s21], [sflag:$0x2] =	stream.indirect.gather [hbm4b:s5+s19], $0x80, s0, s19, $0xb8;
	[tilespmem:$0x1E400] =	vst v63  }
0x17: {  	_ =	swait.ge [sflag:s22], $0x4000  }
0x18: {  	[sflag:s22] =	ssyncset.done $0x0  }
0x19: {  	[sflag:s22] =	ssyncadd.s32 $0xFFFFC000  }
0x1a: {  	[spmem:s1] =	stream.indirect.scatter.add.f32 [tilespmem:s20], [sflag:$0x3], $0x80, s30, s19, $0xb8;
	[tilespmem:$0x1E400] =	vst v63  }
0x1b: {  	_ =	swait.ge [sflag:s17], $0x4000  }
0x1c: {  	[sflag:s17] =	ssyncset.done $0x0  }
0x1d: {  	s3 =	sadd.s32 $0x1500, s30;
	[sflag:s17] =	ssyncadd.s32 $0xFFFFC000  }
0x1e: {  	[tilespmem:s20], [sflag:$0x1] =	stream.indirect.gather [hbm4b:s5+s19], $0x80, s3, s19, $0xb8;
	[tilespmem:$0x1E400] =	vst v63  }
0x1f: {  	_ =	swait.ge [sflag:s23], $0x4000  }
0x20: {  	[sflag:s23] =	ssyncset.done $0x0  }
0x21: {  	s31 =	sadd.s32 $0x80, s30;
	[sflag:s23] =	ssyncadd.s32 $0xFFFFC000  }
0x22: {  	[spmem:s1] =	stream.indirect.scatter.add.f32 [tilespmem:s21], [sflag:$0x3], $0x80, s31, s19, $0xb8;
	[tilespmem:$0x1E400] =	vst v63  }
0x23: {  	_ =	swait.ge [sflag:s17], $0x4000  }
0x24: {  	[sflag:s17] =	ssyncset.done $0x0  }
0x25: {  	[sflag:s17] =	ssyncadd.s32 $0xFFFFC000  }
0x26: {  	[tilespmem:s21], [sflag:$0x2] =	stream.indirect.gather [hbm4b:s5+s19], $0x80, s24, s19, $0xb8;
	[tilespmem:$0x1E400] =	vst v63  }
.LBB2_12:
0x27: {  	_ =	swait.ge [sflag:s22], $0x4000  }
0x28: {  	[sflag:s22] =	ssyncset.done $0x0  }
0x29: {  	[sflag:s22] =	ssyncadd.s32 $0xFFFFC000  }
0x2a: {  	[spmem:s1] =	stream.indirect.scatter.add.f32 [tilespmem:s20], [sflag:$0x3], $0x80, s26, s19, $0xb8;
	[tilespmem:$0x1E400] =	vst v63  }
0x2b: {  	_ =	swait.ge [sflag:s17], $0x4000  }
0x2c: {  	[sflag:s17] =	ssyncset.done $0x0  }
0x2d: {  	[sflag:s17] =	ssyncadd.s32 $0xFFFFC000  }
0x2e: {  	_ =	swait.ge [sflag:s23], $0x4000  }
0x2f: {  	[sflag:s23] =	ssyncset.done $0x0  }
0x30: {  	[sflag:s23] =	ssyncadd.s32 $0xFFFFC000  }
0x31: {  	[spmem:s1] =	stream.indirect.scatter.add.f32 [tilespmem:s21], [sflag:$0x3], $0x80, s28, s19, $0xb8;
	[tilespmem:$0x1E400] =	vst v63  }
0x32: {  	_ =	swait.ge [sflag:s17], $0x4000  }
0x33: {  	[sflag:s17] =	ssyncset.done $0x0  }
0x34: {  	[sflag:s17] =	ssyncadd.s32 $0xFFFFC000  }
0x35: {  	s0 =	simm.s32 @p1 $0x3;
	[bflag:$0x0] =	sbarrier.arrive $0xFFFF  }
0x36: {  	[hbm:s14], [sflag:s8] =	dma.local @p1 [spmem:s25], $0x2080  }
0x37: {  	_ =	swait.ge @p1 [sflag:s0], $0x2080  }
0x38: {  	s29 =	sadd.s32 $0x1, s29;
	[sflag:s0] =	ssyncset.done @p1 $0x0  }
0x39: {  	p2 =	sne.s32 s29, s15;
	[sflag:s0] =	ssyncadd.s32 @p1 $0xFFFFDF80;
	s0 =	sshrl.u32 @!p1 s7, $0x3  }
0x3a: {  	[hbm:s13], [sflag:s8] =	dma.local @!p1 [spmem:s0], $0x2780  }
.Ltmp1:
0x3b: {  	_ = 	snop;
	(pc) =	sbr.rel @!p2 .LBB2_13-.Ltmp1, $4  }
0x3c: {  	s0 =	simm.s32 @!p1 $0x3  }
0x3d: {  	_ =	swait.ge @!p1 [sflag:s0], $0x2780  }
0x3e: {  	[sflag:s0] =	ssyncset.done @!p1 $0x0  }
0x3f: {  	[sflag:s0] =	ssyncadd.s32 @!p1 $0xFFFFD880  }
.LBB2_1:
0x40: {  	[spmem:s16], [sflag:s8] =	dma.local [hbm:s6], $0x2780  }
0x41: {  	_ =	swait.ge [sflag:s17], $0x2780  }
0x42: {  	[sflag:s17] =	ssyncset.done $0x0  }
0x43: {  	[sflag:s17] =	ssyncadd.s32 $0xFFFFD880  }
0x44: {  	s0 =	simm.s32 $0x0;
	[bflag:$0x0] =	sbarrier.arrive $0xFFFF  }
0x45: {  	[tilespmem:s0], [sflag:$0x3] =	stream.linear.gather [hbm4b:s9+s0], $0x1400, $0x38;
	[tilespmem:$0x1E400] =	vst v63  }
0x46: {  	_ =	swait.ge [sflag:s17], $0x1400  }
0x47: {  	[sflag:s17] =	ssyncset.done $0x0  }
.Ltmp2:
0x48: {  	[sflag:s17] =	ssyncadd.s32 $0xFFFFEC00;
	(pc) =	sbr.rel @!p0 .LBB2_2-.Ltmp2, $4  }
0x49: {  	[tilespmem:s18], [sflag:$0x3] =	stream.linear.gather [hbm4b:s10+s0], $0x1400, $0x38;
	[tilespmem:$0x1E400] =	vst v63  }
0x4a: {  	_ =	swait.ge [sflag:s17], $0x1400  }
0x4b: {  	[sflag:s17] =	ssyncset.done $0x0  }
0x4c: {  	[sflag:s17] =	ssyncadd.s32 $0xFFFFEC00  }
0x4d: {  	[tilespmem:s20], [sflag:$0x1] =	stream.indirect.gather [hbm4b:s5+s19], $0x80, s18, s19, $0xb8;
	[tilespmem:$0x1E400] =	vst v63  }
0x4e: {  	s0 =	simm.s32 $0x1480  }
0x4f: {  	[tilespmem:s21], [sflag:$0x2] =	stream.indirect.gather [hbm4b:s5+s19], $0x80, s0, s19, $0xb8;
	[tilespmem:$0x1E400] =	vst v63  }
0x50: {  	_ =	swait.ge [sflag:s22], $0x4000  }
0x51: {  	[sflag:s22] =	ssyncset.done $0x0  }
0x52: {  	s3 =	simm.s32 $0x0;
	[sflag:s22] =	ssyncadd.s32 $0xFFFFC000  }
0x53: {  	[spmem:s1] =	stream.indirect.scatter.add.f32 [tilespmem:s20], [sflag:$0x3], $0x80, s3, s19, $0xb8;
	[tilespmem:$0x1E400] =	vst v63  }
0x54: {  	_ =	swait.ge [sflag:s17], $0x4000  }
0x55: {  	[sflag:s17] =	ssyncset.done $0x0  }
0x56: {  	s2 =	simm.s32 $0x1500;
	[sflag:s17] =	ssyncadd.s32 $0xFFFFC000  }
0x57: {  	[tilespmem:s20], [sflag:$0x1] =	stream.indirect.gather [hbm4b:s5+s19], $0x80, s2, s19, $0xb8;
	[tilespmem:$0x1E400] =	vst v63  }
0x58: {  	_ =	swait.ge [sflag:s23], $0x4000  }
0x59: {  	[sflag:s23] =	ssyncset.done $0x0  }
0x5a: {  	s3 =	simm.s32 $0x80;
	[sflag:s23] =	ssyncadd.s32 $0xFFFFC000  }
0x5b: {  	[spmem:s1] =	stream.indirect.scatter.add.f32 [tilespmem:s21], [sflag:$0x3], $0x80, s3, s19, $0xb8;
	[tilespmem:$0x1E400] =	vst v63  }
0x5c: {  	_ =	swait.ge [sflag:s17], $0x4000  }
0x5d: {  	s31 =	simm.s32 $0x800;
	s30 =	simm.s32 $0x100;
	[sflag:s17] =	ssyncset.done $0x0  }
.LBB2_8:
0x5e: {  	s0 =	sadd.s32 $0x1480, s30  }
0x5f: {  	[sflag:s17] =	ssyncadd.s32 $0xFFFFC000;
	s2 =	smov.u32 s31;
	s3 =	sadd.s32 $0x400, s31  }
0x60: {  	[tilespmem:s21], [sflag:$0x2] =	stream.indirect.gather [hbm4b:s5+s19], $0x80, s0, s19, $0xb8;
	[tilespmem:$0x1E400] =	vst v63  }
0x61: {  	p2 =	sne.s32 s31, $0x4800;
	_ =	swait.ge [sflag:s22], $0x4000  }
0x62: {  	[sflag:s22] =	ssyncset.done $0x0  }
0x63: {  	[sflag:s22] =	ssyncadd.s32 $0xFFFFC000  }
0x64: {  	[spmem:s1] =	stream.indirect.scatter.add.f32 [tilespmem:s20], [sflag:$0x3], $0x80, s30, s19, $0xb8;
	[tilespmem:$0x1E400] =	vst v63  }
0x65: {  	_ =	swait.ge [sflag:s17], $0x4000  }
0x66: {  	[sflag:s17] =	ssyncset.done $0x0  }
0x67: {  	s0 =	sadd.s32 $0x1500, s30;
	[sflag:s17] =	ssyncadd.s32 $0xFFFFC000  }
0x68: {  	[tilespmem:s20], [sflag:$0x1] =	stream.indirect.gather [hbm4b:s5+s19], $0x80, s0, s19, $0xb8;
	[tilespmem:$0x1E400] =	vst v63  }
0x69: {  	_ =	swait.ge [sflag:s23], $0x4000  }
.Ltmp3:
0x6a: {  	[sflag:s23] =	ssyncset.done $0x0;
	(pc) =	sbr.rel @p2 .LBB2_8-.Ltmp3, $4  }
0x6b: {  	s0 =	sadd.s32 $0x80, s30;
	[sflag:s23] =	ssyncadd.s32 $0xFFFFC000  }
0x6c: {  	[spmem:s1] =	stream.indirect.scatter.add.f32 [tilespmem:s21], [sflag:$0x3], $0x80, s0, s19, $0xb8;
	[tilespmem:$0x1E400] =	vst v63  }
0x6d: {  	_ =	swait.ge [sflag:s17], $0x4000  }
0x6e: {  	s31 =	smov.u32 s3;
	s30 =	sshra.s32 s2, $0x2;
	[sflag:s17] =	ssyncset.done $0x0  }
0x6f: {  	s0 =	sadd.s32 $0x1480, s30;
	[sflag:s17] =	ssyncadd.s32 $0xFFFFC000  }
0x70: {  	[tilespmem:s21], [sflag:$0x2] =	stream.indirect.gather [hbm4b:s5+s19], $0x80, s0, s19, $0xb8;
	[tilespmem:$0x1E400] =	vst v63  }
0x71: {  	_ =	swait.ge [sflag:s22], $0x4000  }
0x72: {  	[sflag:s22] =	ssyncset.done $0x0  }
0x73: {  	[sflag:s22] =	ssyncadd.s32 $0xFFFFC000  }
0x74: {  	[spmem:s1] =	stream.indirect.scatter.add.f32 [tilespmem:s20], [sflag:$0x3], $0x80, s30, s19, $0xb8;
	[tilespmem:$0x1E400] =	vst v63  }
0x75: {  	_ =	swait.ge [sflag:s17], $0x4000  }
0x76: {  	[sflag:s17] =	ssyncset.done $0x0  }
0x77: {  	s3 =	sadd.s32 $0x1500, s30;
	[sflag:s17] =	ssyncadd.s32 $0xFFFFC000  }
0x78: {  	[tilespmem:s20], [sflag:$0x1] =	stream.indirect.gather [hbm4b:s5+s19], $0x80, s3, s19, $0xb8;
	[tilespmem:$0x1E400] =	vst v63  }
0x79: {  	_ =	swait.ge [sflag:s23], $0x4000  }
0x7a: {  	[sflag:s23] =	ssyncset.done $0x0  }
0x7b: {  	s2 =	sadd.s32 $0x80, s30;
	[sflag:s23] =	ssyncadd.s32 $0xFFFFC000  }
0x7c: {  	[spmem:s1] =	stream.indirect.scatter.add.f32 [tilespmem:s21], [sflag:$0x3], $0x80, s2, s19, $0xb8;
	[tilespmem:$0x1E400] =	vst v63  }
0x7d: {  	_ =	swait.ge [sflag:s17], $0x4000  }
0x7e: {  	[sflag:s17] =	ssyncset.done $0x0  }
0x7f: {  	[sflag:s17] =	ssyncadd.s32 $0xFFFFC000  }
0x80: {  	[tilespmem:s21], [sflag:$0x2] =	stream.indirect.gather [hbm4b:s5+s19], $0x80, s24, s19, $0xb8;
	[tilespmem:$0x1E400] =	vst v63  }
0x81: {  	_ =	swait.ge [sflag:s22], $0x4000  }
0x82: {  	[sflag:s22] =	ssyncset.done $0x0  }
0x83: {  	[sflag:s22] =	ssyncadd.s32 $0xFFFFC000  }
0x84: {  	[spmem:s1] =	stream.indirect.scatter.add.f32 [tilespmem:s20], [sflag:$0x3], $0x80, s26, s19, $0xb8;
	[tilespmem:$0x1E400] =	vst v63  }
0x85: {  	_ =	swait.ge [sflag:s17], $0x4000  }
0x86: {  	[sflag:s17] =	ssyncset.done $0x0  }
0x87: {  	[sflag:s17] =	ssyncadd.s32 $0xFFFFC000  }
0x88: {  	_ =	swait.ge [sflag:s23], $0x4000  }
0x89: {  	[sflag:s23] =	ssyncset.done $0x0  }
0x8a: {  	[sflag:s23] =	ssyncadd.s32 $0xFFFFC000  }
0x8b: {  	[spmem:s1] =	stream.indirect.scatter.add.f32 [tilespmem:s21], [sflag:$0x3], $0x80, s28, s19, $0xb8;
	[tilespmem:$0x1E400] =	vst v63  }
0x8c: {  	_ =	swait.ge [sflag:s17], $0x4000  }
0x8d: {  	[sflag:s17] =	ssyncset.done $0x0  }
0x8e: {  	s3 =	simm.s32 $0x0;
	[sflag:s17] =	ssyncadd.s32 $0xFFFFC000  }
0x8f: {  	[tilespmem:s3], [sflag:$0x3] =	stream.linear.gather [hbm4b:s11+s3], $0x1400, $0x38;
	[tilespmem:$0x1E400] =	vst v63  }
0x90: {  	_ =	swait.ge [sflag:s17], $0x1400  }
0x91: {  	[sflag:s17] =	ssyncset.done $0x0  }
0x92: {  	[sflag:s17] =	ssyncadd.s32 $0xFFFFEC00  }
0x93: {  	[tilespmem:s18], [sflag:$0x3] =	stream.linear.gather [hbm4b:s12+s3], $0x1400, $0x38;
	[tilespmem:$0x1E400] =	vst v63  }
0x94: {  	_ =	swait.ge [sflag:s17], $0x1400  }
0x95: {  	[sflag:s17] =	ssyncset.done $0x0  }
0x96: {  	[sflag:s17] =	ssyncadd.s32 $0xFFFFEC00  }
0x97: {  	[tilespmem:s20], [sflag:$0x1] =	stream.indirect.gather [hbm4b:s5+s19], $0x80, s18, s19, $0xb8;
	[tilespmem:$0x1E400] =	vst v63  }
0x98: {  	s2 =	simm.s32 $0x1480  }
0x99: {  	[tilespmem:s21], [sflag:$0x2] =	stream.indirect.gather [hbm4b:s5+s19], $0x80, s2, s19, $0xb8;
	[tilespmem:$0x1E400] =	vst v63  }
0x9a: {  	_ =	swait.ge [sflag:s22], $0x4000  }
0x9b: {  	[sflag:s22] =	ssyncset.done $0x0  }
0x9c: {  	s3 =	simm.s32 $0x0;
	[sflag:s22] =	ssyncadd.s32 $0xFFFFC000  }
0x9d: {  	[spmem:s1] =	stream.indirect.scatter.add.f32 [tilespmem:s20], [sflag:$0x3], $0x80, s3, s19, $0xb8;
	[tilespmem:$0x1E400] =	vst v63  }
0x9e: {  	_ =	swait.ge [sflag:s17], $0x4000  }
0x9f: {  	[sflag:s17] =	ssyncset.done $0x0  }
0xa0: {  	s2 =	simm.s32 $0x1500;
	[sflag:s17] =	ssyncadd.s32 $0xFFFFC000  }
0xa1: {  	[tilespmem:s20], [sflag:$0x1] =	stream.indirect.gather [hbm4b:s5+s19], $0x80, s2, s19, $0xb8;
	[tilespmem:$0x1E400] =	vst v63  }
0xa2: {  	_ =	swait.ge [sflag:s23], $0x4000  }
0xa3: {  	[sflag:s23] =	ssyncset.done $0x0  }
0xa4: {  	s3 =	simm.s32 $0x80;
	[sflag:s23] =	ssyncadd.s32 $0xFFFFC000  }
0xa5: {  	[spmem:s1] =	stream.indirect.scatter.add.f32 [tilespmem:s21], [sflag:$0x3], $0x80, s3, s19, $0xb8;
	[tilespmem:$0x1E400] =	vst v63  }
0xa6: {  	_ =	swait.ge [sflag:s17], $0x4000  }
0xa7: {  	s31 =	simm.s32 $0x800;
	s30 =	simm.s32 $0x100;
	[sflag:s17] =	ssyncset.done $0x0  }
.LBB2_10:
0xa8: {  	s0 =	sadd.s32 $0x1480, s30  }
0xa9: {  	[sflag:s17] =	ssyncadd.s32 $0xFFFFC000;
	s2 =	smov.u32 s31;
	s3 =	sadd.s32 $0x400, s31  }
0xaa: {  	[tilespmem:s21], [sflag:$0x2] =	stream.indirect.gather [hbm4b:s5+s19], $0x80, s0, s19, $0xb8;
	[tilespmem:$0x1E400] =	vst v63  }
0xab: {  	p2 =	sne.s32 s31, $0x4800;
	_ =	swait.ge [sflag:s22], $0x4000  }
0xac: {  	[sflag:s22] =	ssyncset.done $0x0  }
0xad: {  	[sflag:s22] =	ssyncadd.s32 $0xFFFFC000  }
0xae: {  	[spmem:s1] =	stream.indirect.scatter.add.f32 [tilespmem:s20], [sflag:$0x3], $0x80, s30, s19, $0xb8;
	[tilespmem:$0x1E400] =	vst v63  }
0xaf: {  	_ =	swait.ge [sflag:s17], $0x4000  }
0xb0: {  	[sflag:s17] =	ssyncset.done $0x0  }
0xb1: {  	s0 =	sadd.s32 $0x1500, s30;
	[sflag:s17] =	ssyncadd.s32 $0xFFFFC000  }
0xb2: {  	[tilespmem:s20], [sflag:$0x1] =	stream.indirect.gather [hbm4b:s5+s19], $0x80, s0, s19, $0xb8;
	[tilespmem:$0x1E400] =	vst v63  }
0xb3: {  	_ =	swait.ge [sflag:s23], $0x4000  }
.Ltmp4:
0xb4: {  	[sflag:s23] =	ssyncset.done $0x0;
	(pc) =	sbr.rel @p2 .LBB2_10-.Ltmp4, $4  }
0xb5: {  	s0 =	sadd.s32 $0x80, s30;
	[sflag:s23] =	ssyncadd.s32 $0xFFFFC000  }
0xb6: {  	[spmem:s1] =	stream.indirect.scatter.add.f32 [tilespmem:s21], [sflag:$0x3], $0x80, s0, s19, $0xb8;
	[tilespmem:$0x1E400] =	vst v63  }
0xb7: {  	_ =	swait.ge [sflag:s17], $0x4000  }
0xb8: {  	s31 =	smov.u32 s3;
	s30 =	sshra.s32 s2, $0x2;
	[sflag:s17] =	ssyncset.done $0x0  }
.Ltmp5:
0xb9: {  	_ = 	snop;
	(pc) =	sbr.rel .LBB2_11-.Ltmp5, $1  }
0xba: {  	_ =	sdelay $0x3  }
.LBB2_2:
0xbb: {  	[tilespmem:s20], [sflag:$0x1] =	stream.indirect.gather [hbm4b:s4+s19], $0x80, s18, s19, $0xb8;
	[tilespmem:$0x1E400] =	vst v63  }
0xbc: {  	s30 =	simm.s32 $0x1480  }
0xbd: {  	[tilespmem:s21], [sflag:$0x2] =	stream.indirect.gather [hbm4b:s4+s19], $0x80, s30, s19, $0xb8;
	[tilespmem:$0x1E400] =	vst v63  }
0xbe: {  	_ =	swait.ge [sflag:s22], $0x4000  }
0xbf: {  	[sflag:s22] =	ssyncset.done $0x0  }
0xc0: {  	s30 =	simm.s32 $0x0;
	[sflag:s22] =	ssyncadd.s32 $0xFFFFC000  }
0xc1: {  	[spmem:s1] =	stream.indirect.scatter.add.f32 [tilespmem:s20], [sflag:$0x3], $0x80, s30, s19, $0xb8;
	[tilespmem:$0x1E400] =	vst v63  }
0xc2: {  	_ =	swait.ge [sflag:s17], $0x4000  }
0xc3: {  	[sflag:s17] =	ssyncset.done $0x0  }
0xc4: {  	s30 =	simm.s32 $0x1500;
	[sflag:s17] =	ssyncadd.s32 $0xFFFFC000  }
0xc5: {  	[tilespmem:s20], [sflag:$0x1] =	stream.indirect.gather [hbm4b:s4+s19], $0x80, s30, s19, $0xb8;
	[tilespmem:$0x1E400] =	vst v63  }
0xc6: {  	_ =	swait.ge [sflag:s23], $0x4000  }
0xc7: {  	[sflag:s23] =	ssyncset.done $0x0  }
0xc8: {  	s30 =	simm.s32 $0x80;
	[sflag:s23] =	ssyncadd.s32 $0xFFFFC000  }
0xc9: {  	[spmem:s1] =	stream.indirect.scatter.add.f32 [tilespmem:s21], [sflag:$0x3], $0x80, s30, s19, $0xb8;
	[tilespmem:$0x1E400] =	vst v63  }
0xca: {  	_ =	swait.ge [sflag:s17], $0x4000  }
0xcb: {  	s31 =	simm.s32 $0x800;
	s30 =	simm.s32 $0x100;
	[sflag:s17] =	ssyncset.done $0x0  }
.LBB2_3:
0xcc: {  	s0 =	sadd.s32 $0x1480, s30  }
0xcd: {  	[sflag:s17] =	ssyncadd.s32 $0xFFFFC000;
	s3 =	smov.u32 s31;
	s2 =	sadd.s32 $0x400, s31  }
0xce: {  	[tilespmem:s21], [sflag:$0x2] =	stream.indirect.gather [hbm4b:s4+s19], $0x80, s0, s19, $0xb8;
	[tilespmem:$0x1E400] =	vst v63  }
0xcf: {  	p2 =	sne.s32 s31, $0x4800;
	_ =	swait.ge [sflag:s22], $0x4000  }
0xd0: {  	[sflag:s22] =	ssyncset.done $0x0  }
0xd1: {  	[sflag:s22] =	ssyncadd.s32 $0xFFFFC000  }
0xd2: {  	[spmem:s1] =	stream.indirect.scatter.add.f32 [tilespmem:s20], [sflag:$0x3], $0x80, s30, s19, $0xb8;
	[tilespmem:$0x1E400] =	vst v63  }
0xd3: {  	_ =	swait.ge [sflag:s17], $0x4000  }
0xd4: {  	[sflag:s17] =	ssyncset.done $0x0  }
0xd5: {  	s0 =	sadd.s32 $0x1500, s30;
	[sflag:s17] =	ssyncadd.s32 $0xFFFFC000  }
0xd6: {  	[tilespmem:s20], [sflag:$0x1] =	stream.indirect.gather [hbm4b:s4+s19], $0x80, s0, s19, $0xb8;
	[tilespmem:$0x1E400] =	vst v63  }
0xd7: {  	_ =	swait.ge [sflag:s23], $0x4000  }
.Ltmp6:
0xd8: {  	[sflag:s23] =	ssyncset.done $0x0;
	(pc) =	sbr.rel @p2 .LBB2_3-.Ltmp6, $4  }
0xd9: {  	s0 =	sadd.s32 $0x80, s30;
	[sflag:s23] =	ssyncadd.s32 $0xFFFFC000  }
0xda: {  	[spmem:s1] =	stream.indirect.scatter.add.f32 [tilespmem:s21], [sflag:$0x3], $0x80, s0, s19, $0xb8;
	[tilespmem:$0x1E400] =	vst v63  }
0xdb: {  	_ =	swait.ge [sflag:s17], $0x4000  }
0xdc: {  	s31 =	smov.u32 s2;
	s30 =	sshra.s32 s3, $0x2;
	[sflag:s17] =	ssyncset.done $0x0  }
0xdd: {  	s0 =	sadd.s32 $0x1480, s30;
	[sflag:s17] =	ssyncadd.s32 $0xFFFFC000  }
0xde: {  	[tilespmem:s21], [sflag:$0x2] =	stream.indirect.gather [hbm4b:s4+s19], $0x80, s0, s19, $0xb8;
	[tilespmem:$0x1E400] =	vst v63  }
0xdf: {  	_ =	swait.ge [sflag:s22], $0x4000  }
0xe0: {  	[sflag:s22] =	ssyncset.done $0x0  }
0xe1: {  	[sflag:s22] =	ssyncadd.s32 $0xFFFFC000  }
0xe2: {  	[spmem:s1] =	stream.indirect.scatter.add.f32 [tilespmem:s20], [sflag:$0x3], $0x80, s30, s19, $0xb8;
	[tilespmem:$0x1E400] =	vst v63  }
0xe3: {  	_ =	swait.ge [sflag:s17], $0x4000  }
0xe4: {  	[sflag:s17] =	ssyncset.done $0x0  }
0xe5: {  	s3 =	sadd.s32 $0x1500, s30;
	[sflag:s17] =	ssyncadd.s32 $0xFFFFC000  }
0xe6: {  	[tilespmem:s20], [sflag:$0x1] =	stream.indirect.gather [hbm4b:s4+s19], $0x80, s3, s19, $0xb8;
	[tilespmem:$0x1E400] =	vst v63  }
0xe7: {  	_ =	swait.ge [sflag:s23], $0x4000  }
0xe8: {  	[sflag:s23] =	ssyncset.done $0x0  }
0xe9: {  	s2 =	sadd.s32 $0x80, s30;
	[sflag:s23] =	ssyncadd.s32 $0xFFFFC000  }
0xea: {  	[spmem:s1] =	stream.indirect.scatter.add.f32 [tilespmem:s21], [sflag:$0x3], $0x80, s2, s19, $0xb8;
	[tilespmem:$0x1E400] =	vst v63  }
0xeb: {  	_ =	swait.ge [sflag:s17], $0x4000  }
0xec: {  	[sflag:s17] =	ssyncset.done $0x0  }
0xed: {  	[sflag:s17] =	ssyncadd.s32 $0xFFFFC000  }
0xee: {  	[tilespmem:s21], [sflag:$0x2] =	stream.indirect.gather [hbm4b:s4+s19], $0x80, s24, s19, $0xb8;
	[tilespmem:$0x1E400] =	vst v63  }
0xef: {  	_ =	swait.ge [sflag:s22], $0x4000  }
0xf0: {  	[sflag:s22] =	ssyncset.done $0x0  }
0xf1: {  	[sflag:s22] =	ssyncadd.s32 $0xFFFFC000  }
0xf2: {  	[spmem:s1] =	stream.indirect.scatter.add.f32 [tilespmem:s20], [sflag:$0x3], $0x80, s26, s19, $0xb8;
	[tilespmem:$0x1E400] =	vst v63  }
0xf3: {  	_ =	swait.ge [sflag:s17], $0x4000  }
0xf4: {  	[sflag:s17] =	ssyncset.done $0x0  }
0xf5: {  	[sflag:s17] =	ssyncadd.s32 $0xFFFFC000  }
0xf6: {  	_ =	swait.ge [sflag:s23], $0x4000  }
0xf7: {  	[sflag:s23] =	ssyncset.done $0x0  }
0xf8: {  	[sflag:s23] =	ssyncadd.s32 $0xFFFFC000  }
0xf9: {  	[spmem:s1] =	stream.indirect.scatter.add.f32 [tilespmem:s21], [sflag:$0x3], $0x80, s28, s19, $0xb8;
	[tilespmem:$0x1E400] =	vst v63  }
0xfa: {  	_ =	swait.ge [sflag:s17], $0x4000  }
0xfb: {  	[sflag:s17] =	ssyncset.done $0x0  }
0xfc: {  	s3 =	simm.s32 $0x0;
	[sflag:s17] =	ssyncadd.s32 $0xFFFFC000  }
0xfd: {  	[tilespmem:s3], [sflag:$0x3] =	stream.linear.gather [hbm4b:s11+s3], $0x1400, $0x38;
	[tilespmem:$0x1E400] =	vst v63  }
0xfe: {  	_ =	swait.ge [sflag:s17], $0x1400  }
0xff: {  	[sflag:s17] =	ssyncset.done $0x0  }
0x100: {  	[sflag:s17] =	ssyncadd.s32 $0xFFFFEC00  }
0x101: {  	[tilespmem:s18], [sflag:$0x3] =	stream.linear.gather [hbm4b:s12+s3], $0x1400, $0x38;
	[tilespmem:$0x1E400] =	vst v63  }
0x102: {  	_ =	swait.ge [sflag:s17], $0x1400  }
0x103: {  	[sflag:s17] =	ssyncset.done $0x0  }
0x104: {  	[sflag:s17] =	ssyncadd.s32 $0xFFFFEC00  }
0x105: {  	[tilespmem:s20], [sflag:$0x1] =	stream.indirect.gather [hbm4b:s4+s19], $0x80, s18, s19, $0xb8;
	[tilespmem:$0x1E400] =	vst v63  }
0x106: {  	s2 =	simm.s32 $0x1480  }
0x107: {  	[tilespmem:s21], [sflag:$0x2] =	stream.indirect.gather [hbm4b:s4+s19], $0x80, s2, s19, $0xb8;
	[tilespmem:$0x1E400] =	vst v63  }
0x108: {  	_ =	swait.ge [sflag:s22], $0x4000  }
0x109: {  	[sflag:s22] =	ssyncset.done $0x0  }
0x10a: {  	s3 =	simm.s32 $0x0;
	[sflag:s22] =	ssyncadd.s32 $0xFFFFC000  }
0x10b: {  	[spmem:s1] =	stream.indirect.scatter.add.f32 [tilespmem:s20], [sflag:$0x3], $0x80, s3, s19, $0xb8;
	[tilespmem:$0x1E400] =	vst v63  }
0x10c: {  	_ =	swait.ge [sflag:s17], $0x4000  }
0x10d: {  	[sflag:s17] =	ssyncset.done $0x0  }
0x10e: {  	s2 =	simm.s32 $0x1500;
	[sflag:s17] =	ssyncadd.s32 $0xFFFFC000  }
0x10f: {  	[tilespmem:s20], [sflag:$0x1] =	stream.indirect.gather [hbm4b:s4+s19], $0x80, s2, s19, $0xb8;
	[tilespmem:$0x1E400] =	vst v63  }
0x110: {  	_ =	swait.ge [sflag:s23], $0x4000  }
0x111: {  	[sflag:s23] =	ssyncset.done $0x0  }
0x112: {  	s3 =	simm.s32 $0x80;
	[sflag:s23] =	ssyncadd.s32 $0xFFFFC000  }
0x113: {  	[spmem:s1] =	stream.indirect.scatter.add.f32 [tilespmem:s21], [sflag:$0x3], $0x80, s3, s19, $0xb8;
	[tilespmem:$0x1E400] =	vst v63  }
0x114: {  	_ =	swait.ge [sflag:s17], $0x4000  }
0x115: {  	s31 =	simm.s32 $0x800;
	s30 =	simm.s32 $0x100;
	[sflag:s17] =	ssyncset.done $0x0  }
.LBB2_5:
0x116: {  	s0 =	sadd.s32 $0x1480, s30  }
0x117: {  	[sflag:s17] =	ssyncadd.s32 $0xFFFFC000;
	s2 =	smov.u32 s31;
	s3 =	sadd.s32 $0x400, s31  }
0x118: {  	[tilespmem:s21], [sflag:$0x2] =	stream.indirect.gather [hbm4b:s4+s19], $0x80, s0, s19, $0xb8;
	[tilespmem:$0x1E400] =	vst v63  }
0x119: {  	p2 =	seq.s32 s31, $0x4800;
	_ =	swait.ge [sflag:s22], $0x4000  }
0x11a: {  	[sflag:s22] =	ssyncset.done $0x0  }
0x11b: {  	[sflag:s22] =	ssyncadd.s32 $0xFFFFC000  }
0x11c: {  	[spmem:s1] =	stream.indirect.scatter.add.f32 [tilespmem:s20], [sflag:$0x3], $0x80, s30, s19, $0xb8;
	[tilespmem:$0x1E400] =	vst v63  }
0x11d: {  	_ =	swait.ge [sflag:s17], $0x4000  }
0x11e: {  	[sflag:s17] =	ssyncset.done $0x0  }
0x11f: {  	s0 =	sadd.s32 $0x1500, s30;
	[sflag:s17] =	ssyncadd.s32 $0xFFFFC000  }
0x120: {  	[tilespmem:s20], [sflag:$0x1] =	stream.indirect.gather [hbm4b:s4+s19], $0x80, s0, s19, $0xb8;
	[tilespmem:$0x1E400] =	vst v63  }
0x121: {  	_ =	swait.ge [sflag:s23], $0x4000  }
.Ltmp7:
0x122: {  	[sflag:s23] =	ssyncset.done $0x0;
	(pc) =	sbr.rel @!p2 .LBB2_5-.Ltmp7, $4  }
0x123: {  	s0 =	sadd.s32 $0x80, s30;
	[sflag:s23] =	ssyncadd.s32 $0xFFFFC000  }
0x124: {  	[spmem:s1] =	stream.indirect.scatter.add.f32 [tilespmem:s21], [sflag:$0x3], $0x80, s0, s19, $0xb8;
	[tilespmem:$0x1E400] =	vst v63  }
0x125: {  	_ =	swait.ge [sflag:s17], $0x4000  }
0x126: {  	s31 =	smov.u32 s3;
	s30 =	sshra.s32 s2, $0x2;
	[sflag:s17] =	ssyncset.done $0x0  }
0x127: {  	s0 =	sadd.s32 $0x1480, s30;
	[sflag:s17] =	ssyncadd.s32 $0xFFFFC000  }
0x128: {  	[tilespmem:s21], [sflag:$0x2] =	stream.indirect.gather [hbm4b:s4+s19], $0x80, s0, s19, $0xb8;
	[tilespmem:$0x1E400] =	vst v63  }
0x129: {  	_ =	swait.ge [sflag:s22], $0x4000  }
0x12a: {  	[sflag:s22] =	ssyncset.done $0x0  }
0x12b: {  	[sflag:s22] =	ssyncadd.s32 $0xFFFFC000  }
0x12c: {  	[spmem:s1] =	stream.indirect.scatter.add.f32 [tilespmem:s20], [sflag:$0x3], $0x80, s30, s19, $0xb8;
	[tilespmem:$0x1E400] =	vst v63  }
0x12d: {  	_ =	swait.ge [sflag:s17], $0x4000  }
0x12e: {  	[sflag:s17] =	ssyncset.done $0x0  }
0x12f: {  	s3 =	sadd.s32 $0x1500, s30;
	[sflag:s17] =	ssyncadd.s32 $0xFFFFC000  }
0x130: {  	[tilespmem:s20], [sflag:$0x1] =	stream.indirect.gather [hbm4b:s4+s19], $0x80, s3, s19, $0xb8;
	[tilespmem:$0x1E400] =	vst v63  }
0x131: {  	_ =	swait.ge [sflag:s23], $0x4000  }
0x132: {  	[sflag:s23] =	ssyncset.done $0x0  }
0x133: {  	s31 =	sadd.s32 $0x80, s30;
	[sflag:s23] =	ssyncadd.s32 $0xFFFFC000  }
0x134: {  	[spmem:s1] =	stream.indirect.scatter.add.f32 [tilespmem:s21], [sflag:$0x3], $0x80, s31, s19, $0xb8;
	[tilespmem:$0x1E400] =	vst v63  }
.Ltmp8:
0x135: {  	_ = 	snop;
	(pc) =	sbr.rel .LBB2_12-.Ltmp8, $4  }
0x136: {  	_ =	swait.ge [sflag:s17], $0x4000  }
0x137: {  	[sflag:s17] =	ssyncset.done $0x0  }
0x138: {  	[sflag:s17] =	ssyncadd.s32 $0xFFFFC000  }
0x139: {  	[tilespmem:s21], [sflag:$0x2] =	stream.indirect.gather [hbm4b:s4+s19], $0x80, s24, s19, $0xb8;
	[tilespmem:$0x1E400] =	vst v63  }
.LBB2_13:
0x13a: {  	_ =	sfence.sel $0x180000  }
0x13b: {  	[bflag:$0x0] =	sbarrier.arrive $0xFFFF  }
0x13c: {  	_ =	strace $0x9000004A  }
0x13d: {  	s0 =	stileid.u32;
	[bflag:$0x2] =	sbarrier.arrive $0xFFFF  }
0x13e: {  	p0 =	sne.s32 s0, $0x0;
	s0 =	rddreg [dreg:$0x3]  }
0x13f: {  	s0 =	sadd.s32 @!p0 $0x100000, s0  }
0x140: {  	[sflag:s0] =	ssyncadd.tile.s32 @!p0 $0x1;
	_ =	shalt  }
.Lfunc_end2:
_tile_overlayer_lowered:
.L_overlay_start_2:
0x141: {  	(tag) =	ssettag $0x2  }
0x142: {  	s0 =	rddreg [dreg:$0x0];
	s2 =	stileid.u32  }
0x143: {  	s1 =	rddreg [dreg:$0x1];
	p0 =	sne.s32 s2, $0x0  }
0x144: {  	s3 =	rddreg [dreg:$0x2];
	[bflag:$0x3] =	sbarrier.arrive $0xFFFF;
	s2 =	simm.s32 @!p0 $0x1C03  }
0x145: {  	[timem:s3], [sflag:s2] =	dma.local @!p0 [hbm:s0], s1  }
0x146: {  	s0 =	simm.s32 @!p0 $0x3  }
0x147: {  	_ =	swait.ge @!p0 [sflag:s0], s1  }
0x148: {  	s1 =	ssub.s32 @!p0 $0x0, s1;
	[sflag:s0] =	ssyncset.done @!p0 $0x0  }
0x149: {  	[sflag:s0] =	ssyncadd.s32 @!p0 s1  }
0x14a: {  	[bflag:$0x3] =	sbarrier.arrive $0xFFFF  }
0x14b: {  	_ =	shalt  }

// kernel: gcn_edge_pass.3.cloned.1.call-start
scs
__scs_entry_jumppad:
0x0: {  	(pc) =	sbr.rel $0x88, $3  }
0x1: {  	(tag) =	ssettag $0x0;
	lr =	simm.s32 $0x1  }
0x2: {  	[smem:$0x3F8D] =	sst lr;
	_ =	strace $0xD0000000  }
0x3: {  	_ = 	snop  }
0x4: {  	_ = 	snop  }
0x5: {  	_ = 	snop  }
0x6: {  	_ = 	snop  }
0x7: {  	_ = 	snop  }
__scs_overlays_trampoline_lowered:
0x8: {  	[smem:$0x3F9C] =	sst s0  }
0x9: {  	[smem:$0x3F9D] =	sst s1  }
0xa: {  	[smem:$0x3F9E] =	sst s2  }
0xb: {  	[smem:$0x3F9F] =	sst s3  }
0xc: {  	[smem:$0x3FA0] =	sst s4  }
0xd: {  	[smem:$0x3FA1] =	sst s5  }
0xe: {  	[smem:$0x3FA2] =	sst s6  }
0xf: {  	[smem:$0x3FA3] =	sst s7  }
0x10: {  	[smem:$0x3FA4] =	sst s8  }
0x11: {  	[smem:$0x3FA5] =	sst s9;
	s0 =	simm.s32 @!p0 $0x0  }
0x12: {  	s1 =	sld [smem:$0x3F8B];
	s0 =	simm.s32 @p0 $0x1  }
0x13: {  	[smem:$0x3FA6] =	sst s0;
	s0 =	simm.s32 @!p1 $0x0  }
0x14: {  	s2 =	sld [smem:$0x3F8A];
	s0 =	simm.s32 @p1 $0x1  }
0x15: {  	[smem:$0x3FA7] =	sst s0;
	s0 =	simm.s32 @!p2 $0x0  }
0x16: {  	s3 =	sld [smem:$0x3FDB];
	s0 =	simm.s32 @p2 $0x1  }
0x17: {  	s4 =	simm.s32 $0x1BF5;
	[smem:$0x3FA9] =	sst s0  }
0x18: {  	s0 =	sld [smem:$0x3F8C];
	_ =	swait.ge [sflag:s4], $0x0  }
0x19: {  	s7 =	sld [smem:$0x3F8D]  }
0x1a: {  	s8 =	sadd.s32 $0xFFFFE003, lr  }
0x1b: {  	s9 =	sadd.s32 $0xFFFFFEF7, lr;
	s5 =	simm.s32 $0xFFFFFFFF;
	p2 =	slt.u32 s8, $0xFFFFF086  }
0x1c: {  	p1 =	slt.u32 s9, $0xF7A;
	s5 =	simm.s32 @!p2 $0x0  }
0x1d: {  	s5 =	simm.s32 @p1 $0x1;
	p0 =	seq.s32 s7, s2  }
0x1e: {  	s7 =	smul.u32 @!p0 $0xF7A, s2;
	p2 =	seq.s32 @!p0 s5, $0x0  }
0x1f: {  	s9 =	smul.u32 $0xF7A, s1;
	s8 =	simm.s32 @!p0 $0x1BF5;
	p2 =	por !p2, p0  }
0x20: {  	[sflag:s8] =	ssyncset.s32 @!p0 $0xFFFFF086;
	s6 =	sadd.s32 @!p0 s3, s7;
	s7 =	simm.s32 @!p0 $0x108  }
0x21: {  	s3 =	sadd.s32 s3, s9;
	s6 =	sadd.s32 @!p0 $0x88, s6;
	s7 =	simm.s32 @p2 $0x1082  }
0x22: {  	[simem:s7], [sflag:s8] =	dma.local @!p0 [hbm:s6], $0xF7A  }
0x23: {  	s9 =	sor.u32 $0xD0000000, s2;
	s6 =	simm.s32 $0x108;
	_ =	swait.ge @!p0 [sflag:s8], $0x0  }
0x24: {  	s3 =	sadd.s32 $0x88, s3;
	s6 =	simm.s32 @!p1 $0x1082;
	[sflag:s4] =	ssyncset.s32 $0xFFFFF086  }
0x25: {  	[simem:s6], [sflag:s4] =	dma.local [hbm:s3], $0xF7A  }
0x26: {  	[smem:$0x3F8D] =	sst s1;
	(tag) =	ssettag s2;
	_ =	strace s9  }
0x27: {  	s1 =	sld [smem:$0x3F9D]  }
0x28: {  	s2 =	sld [smem:$0x3F9E]  }
0x29: {  	s4 =	sld [smem:$0x3FA0]  }
0x2a: {  	p0 =	seq.s32 s5, $0x0;
	s5 =	sld [smem:$0x3FA1]  }
0x2b: {  	s6 =	sld [smem:$0x3FA2]  }
0x2c: {  	s7 =	sld [smem:$0x3FA3]  }
0x2d: {  	s3 =	simm.s32 $0x108;
	s8 =	sld [smem:$0x3FA4]  }
0x2e: {  	s3 =	simm.s32 @!p0 $0x1082;
	s9 =	sld [smem:$0x3FA5]  }
0x2f: {  	lr =	sadd.s32 s0, s3;
	s0 =	sld [smem:$0x3F9C]  }
0x30: {  	s3 =	sld [smem:$0x3F9F]  }
0x31: {  	[smem:$0x3FA8] =	sst s10  }
0x32: {  	s10 =	sld [smem:$0x3FA6];
	_ =	sdelay $0x3  }
0x33: {  	p0 =	seq.s32 s10, $0x1;
	s10 =	sld [smem:$0x3FA8];
	_ =	sdelay $0x3  }
0x34: {  	[smem:$0x3FA8] =	sst s10  }
0x35: {  	s10 =	sld [smem:$0x3FA7];
	_ =	sdelay $0x3  }
0x36: {  	p1 =	seq.s32 s10, $0x1;
	s10 =	sld [smem:$0x3FA8];
	_ =	sdelay $0x3  }
0x37: {  	[smem:$0x3FA8] =	sst s10  }
0x38: {  	s10 =	sld [smem:$0x3FA9]  }
0x39: {  	_ = 	snop;
	(pc) =	sbr.ind lr, $3  }
0x3a: {  	_ = 	snop  }
0x3b: {  	_ = 	snop  }
0x3c: {  	p2 =	seq.s32 s10, $0x1;
	s10 =	sld [smem:$0x3FA8]  }
0x3d: {  	_ =	shalt  }
0x3e: {  	_ =	shalt  }
0x3f: {  	_ =	shalt  }
0x40: {  	_ =	shalt  }
0x41: {  	_ =	shalt  }
0x42: {  	_ =	shalt  }
0x43: {  	_ =	shalt  }
0x44: {  	_ =	shalt  }
0x45: {  	_ =	shalt  }
0x46: {  	_ =	shalt  }
0x47: {  	_ =	shalt  }
0x48: {  	_ =	shalt  }
0x49: {  	_ =	shalt  }
0x4a: {  	_ =	shalt  }
0x4b: {  	_ =	shalt  }
0x4c: {  	_ =	shalt  }
0x4d: {  	_ =	shalt  }
0x4e: {  	_ =	shalt  }
0x4f: {  	_ =	shalt  }
0x50: {  	_ =	shalt  }
0x51: {  	_ =	shalt  }
0x52: {  	_ =	shalt  }
0x53: {  	_ =	shalt  }
0x54: {  	_ =	shalt  }
0x55: {  	_ =	shalt  }
0x56: {  	_ =	shalt  }
0x57: {  	_ =	shalt  }
0x58: {  	_ =	shalt  }
0x59: {  	_ =	shalt  }
0x5a: {  	_ =	shalt  }
0x5b: {  	_ =	shalt  }
0x5c: {  	_ =	shalt  }
0x5d: {  	_ =	shalt  }
0x5e: {  	_ =	shalt  }
0x5f: {  	_ =	shalt  }
0x60: {  	_ =	shalt  }
0x61: {  	_ =	shalt  }
0x62: {  	_ =	shalt  }
0x63: {  	_ =	shalt  }
0x64: {  	_ =	shalt  }
0x65: {  	_ =	shalt  }
0x66: {  	_ =	shalt  }
0x67: {  	_ =	shalt  }
0x68: {  	_ =	shalt  }
0x69: {  	_ =	shalt  }
0x6a: {  	_ =	shalt  }
0x6b: {  	_ =	shalt  }
0x6c: {  	_ =	shalt  }
0x6d: {  	_ =	shalt  }
0x6e: {  	_ =	shalt  }
0x6f: {  	_ =	shalt  }
0x70: {  	_ =	shalt  }
0x71: {  	_ =	shalt  }
0x72: {  	_ =	shalt  }
0x73: {  	_ =	shalt  }
0x74: {  	_ =	shalt  }
0x75: {  	_ =	shalt  }
0x76: {  	_ =	shalt  }
0x77: {  	_ =	shalt  }
0x78: {  	_ =	shalt  }
0x79: {  	_ =	shalt  }
0x7a: {  	_ =	shalt  }
0x7b: {  	_ =	shalt  }
0x7c: {  	_ =	shalt  }
0x7d: {  	_ =	shalt  }
0x7e: {  	_ =	shalt  }
0x7f: {  	_ =	shalt  }
0x80: {  	_ =	shalt  }
0x81: {  	_ =	shalt  }
0x82: {  	_ =	shalt  }
0x83: {  	_ =	shalt  }
0x84: {  	_ =	shalt  }
0x85: {  	_ =	shalt  }
0x86: {  	_ =	shalt  }
0x87: {  	_ =	shalt  }
.Lfunc_end0:
.L_simem_size_0:
called_computation_lowered:
.L_overlay_start_0:
0x88: {  	s2 =	sld [smem:$0x3FD9]  }
0x89: {  	s3 =	sld [smem:$0x3FFE];
	_ =	sdelay $0x1  }
0x8a: {  	s1 =	srdreg.scid  }
0x8b: {  	s0 =	sand.u32 $0x1, s1  }
0x8c: {  	s17 =	sshll.u32 s0, $0xA;
	s2 =	sadd.s32 s3, s2  }
0x8d: {  	s2 =	sadd.s32 s2, s17  }
0x8e: {  	[smem:$0x3FB4] =	sst s2  }
0x8f: {  	_ = 	snop  }
0x90: {  	s2 =	sld [smem:$0x3FC9];
	(tm) =	ssettm $0x1  }
0x91: {  	s18 =	sld [smem:$0x3FFB];
	_ =	sdelay $0x3  }
0x92: {  	_ =	strace s18  }
0x93: {  	s3 =	sld [smem:$0x3FFC];
	_ =	sdelay $0x3  }
0x94: {  	_ =	strace s3  }
0x95: {  	s3 =	sld [smem:$0x3FFD];
	_ =	sdelay $0x3  }
0x96: {  	_ =	strace s3  }
0x97: {  	_ =	strace $0x8FFFFFFF  }
0x98: {  	s19 =	sld [smem:$0x3FDB];
	_ =	sdelay $0x1  }
0x99: {  	s4 =	simm.s32 $_scs_section_size  }
0x9a: {  	s5 =	simm.s32 $_size__tile_overlayer_lowered;
	s6 =	simm.s32 $_tile_overlayer_lowered  }
0x9b: {  	s22 =	simm.s32 $0x1BFF;
	s21 =	sshll.u32 s6, $0x1;
	s3 =	sadd.s32 s4, s19  }
0x9c: {  	s7 =	simm.s32 $0x0;
	s20 =	sshll.u32 s5, $0x1;
	s5 =	sadd.s32 s21, s3  }
0x9d: {  	[timem:s7], [sflag:s22] =	dma.local [hbm:s5], s20  }
0x9e: {  	_ =	swait.ge [sflag:s22], s20  }
0x9f: {  	s4 =	ssub.s32 $0x0, s20;
	[sflag:s22] =	ssyncset.done $0x0  }
0xa0: {  	[sflag:s22] =	ssyncadd.s32 s4;
	_ =	sdelay $0x1  }
0xa1: {  	s23 =	simm.s32 $0x1B8B  }
0xa2: {  	_ =	swait.ge [sflag:s23], $0x1  }
0xa3: {  	[sflag:s23] =	ssyncset.done $0x0  }
0xa4: {  	s25 =	simm.s32 $0x1B8E;
	s24 =	sld [smem:$0x3FFE];
	[sflag:s23] =	ssyncadd.s32 $0xFFFFFFFF  }
0xa5: {  	s26 =	simm.s32 $execute0_lowered;
	[smem:$0x3FD2] =	sst s25  }
0xa6: {  	s5 =	sshll.u32 s26, $0x1;
	_ =	strace $0x80000046;
	[dreg:$0x1] =	wrdreg $0xFFFFFFFF  }
0xa7: {  	s28 =	simm.s32 $_size_execute0_lowered;
	s3 =	sadd.s32 s3, s5;
	[dreg:$0x0] =	wrdreg $0x0  }
0xa8: {  	s5 =	sshll.u32 s28, $0x1;
	[dreg:$0x2] =	wrdreg s3  }
0xa9: {  	[dreg:$0x3] =	wrdreg s5  }
0xaa: {  	[dreg:$0x4] =	wrdreg $0xC0  }
0xab: {  	_ =	task [dreg:s7], $0x5FFFF  }
0xac: {  	[dreg:$0x1] =	wrdreg $0xFFFFFFFF  }
0xad: {  	[dreg:$0x0] =	wrdreg $0x60  }
0xae: {  	[dreg:$0x2] =	wrdreg s2  }
0xaf: {  	[dreg:$0x3] =	wrdreg s24  }
0xb0: {  	[dreg:$0x4] =	wrdreg $0xA8000  }
0xb1: {  	[dreg:$0x5] =	wrdreg $0x9  }
0xb2: {  	_ =	task.clear_ibuf [dreg:s7], $0x6FFFF;
	_ =	strace $0x90000046  }
0xb3: {  	s29 =	simm.s32 $0x9;
	_ =	strace $0x80000048  }
0xb4: {  	_ =	swait.ge [sflag:s29], $0x1  }
0xb5: {  	[sflag:s29] =	ssyncadd.s32 $0xFFFFFFFF  }
0xb6: {  	_ =	strace $0x90000048  }
0xb7: {  	_ =	sfence  }
0xb8: {  	s30 =	sld [smem:$0x0];
	_ =	sdelay $0x2  }
0xb9: {  	s31 =	sshll.u32 s1, $0xD;
	s1 =	sshrl.u32 s1, $0x2  }
0xba: {  	s3 =	sand.u32 $0x4000, s31;
	s1 =	sadd.s32 s1, s30  }
0xbb: {  	s0 =	sor.u32 s3, s0;
	s1 =	sshll.u32 s1, $0x11  }
0xbc: {  	s0 =	sor.u32 s1, s0  }
0xbd: {  	s0 =	sadd.s32 $0x8F2B, s0  }
0xbe: {  	[sflag:s0] =	ssyncadd.remote.s32 $0x1  }
0xbf: {  	_ =	sfence.sel $0xFFFF  }
0xc0: {  	[dreg:$0x0] =	wrdreg $0xFFFFFFFF;
	(pc) =	sbr.abs _section_cstart, $3  }
0xc1: {  	[dreg:$0x1] =	wrdreg $0xFFFFFFFF  }
0xc2: {  	_ =	task.clear_ibuf [dreg:s7], $0x2FFFF;
	_ =	strace $0x9FFFFFFF  }
0xc3: {  	(tm) =	ssettm $0x7FFFFFFF  }
tec
execute0_lowered:
.L_overlay_start_1:
0x0: {  	(tag) =	ssettag $0x1  }
0x1: {  	s1 =	rddreg [dreg:$0x0]  }
0x2: {  	s6 =	rddreg [dreg:$0x1]  }
0x3: {  	s3 =	rddreg [dreg:$0x2]  }
0x4: {  	s0 =	srdreg.scid;
	s2 =	rddreg [dreg:$0x3];
	s4 =	simm.s32 $0x0  }
0x5: {  	s15 =	simm.s32 $0x1400;
	s16 =	simm.s32 $0x80;
	s17 =	simm.s32 $0x2800  }
0x6: {  	s18 =	simm.s32 $0x6800;
	s19 =	simm.s32 $0x1;
	s20 =	simm.s32 $0x2  }
0x7: {  	s21 =	simm.s32 $0x2780;
	s22 =	simm.s32 $0x1300;
	s7 =	sand.u32 $0x1, s0  }
0x8: {  	s23 =	simm.s32 $0x1380;
	s0 =	stileid.u32;
	s5 =	smul.u32 $0x14000, s7  }
0x9: {  	s25 =	simm.s32 $0x0;
	[smem:$0x7FF] =	sst s4;
	s8 =	smul.u32 $0x1400, s0  }
0xa: {  	s11 =	sadd.s32 $0x13E00, s6;
	s24 =	sadd.s32 $0x128400, s3;
	s10 =	smul.u32 $0x4F000, s0  }
0xb: {  	_ =	strace $0x80000047;
	s26 =	ssub.s32 $0x2, s7;
	s12 =	smul.u32 $0x138800, s7  }
0xc: {  	s30 =	sshll.u32 s0, $0x6;
	s13 =	smul.u32 $0x13C00, s0;
	p0 =	seq.s32 s0, $0xF  }
0xd: {  	s28 =	sshrl.u32 s26, $0x1;
	s7 =	sor.u32 $0x1C03, s30;
	s24 =	sshrl.u32 @p0 s24, $0x3  }
0xe: {  	s8 =	sadd.s32 s8, s5;
	s5 =	sadd.s32 $0x11600, s6;
	s29 =	sshrl.u32 s10, $0x2  }
0xf: {  	s14 =	ssub.s32 s26, s28;
	s31 =	sadd.s32 s13, s12;
	s12 =	sshrl.u32 s12, $0x3  }
0x10: {  	s8 =	sshrl.u32 s8, $0x3;
	s10 =	sshrl.u32 s31, $0x3;
	s12 =	sadd.s32 s11, s12  }
0x11: {  	s9 =	sadd.s32 s8, s6;
	s6 =	sadd.s32 s29, s3;
	s10 =	sadd.s32 s11, s10  }
0x12: {  	s11 =	sadd.s32 $0x25080, s12;
	s12 =	smax.u32 s14, $0x1;
	s14 =	simm.s32 $0x3  }
0x13: {  	s8 =	sadd.s32 $0x2600, s9;
	s9 =	sadd.s32 $0x7600, s9;
	s13 =	sshrl.u32 s6, $0x3  }
.LBB2_1:
0x14: {  	[spmem:s13], [sflag:s7] =	dma.local [hbm:s5], $0x2780  }
0x15: {  	_ =	swait.ge [sflag:s14], $0x2780  }
0x16: {  	[sflag:s14] =	ssyncset.done $0x0  }
0x17: {  	[sflag:s14] =	ssyncadd.s32 $0xFFFFD880  }
0x18: {  	[bflag:$0x0] =	sbarrier.arrive $0xFFFF  }
0x19: {  	[tilespmem:s4], [sflag:$0x3] =	stream.linear.gather [hbm4b:s8+s4], $0x1400, $0x38;
	[tilespmem:$0x1E400] =	vst v63  }
0x1a: {  	_ =	swait.ge [sflag:s14], $0x1400  }
0x1b: {  	[sflag:s14] =	ssyncset.done $0x0  }
0x1c: {  	[sflag:s14] =	ssyncadd.s32 $0xFFFFEC00  }
0x1d: {  	[tilespmem:s15], [sflag:$0x3] =	stream.linear.gather [hbm4b:s9+s4], $0x1400, $0x38;
	[tilespmem:$0x1E400] =	vst v63  }
0x1e: {  	_ =	swait.ge [sflag:s14], $0x1400  }
0x1f: {  	[sflag:s14] =	ssyncset.done $0x0  }
0x20: {  	[sflag:s14] =	ssyncadd.s32 $0xFFFFEC00  }
0x21: {  	[tilespmem:s17], [sflag:$0x1] =	stream.indirect.gather [hbm4b:s1+s16], $0x80, s15, s16, $0xb8;
	[tilespmem:$0x1E400] =	vst v63  }
0x22: {  	s26 =	simm.s32 $0x1480  }
0x23: {  	[tilespmem:s18], [sflag:$0x2] =	stream.indirect.gather [hbm4b:s1+s16], $0x80, s26, s16, $0xb8;
	[tilespmem:$0x1E400] =	vst v63  }
0x24: {  	_ =	swait.ge [sflag:s19], $0x4000  }
0x25: {  	[sflag:s19] =	ssyncset.done $0x0  }
0x26: {  	s29 =	simm.s32 $0x0;
	[sflag:s19] =	ssyncadd.s32 $0xFFFFC000  }
0x27: {  	[spmem:s3] =	stream.indirect.scatter.add.f32 [tilespmem:s17], [sflag:$0x3], $0x80, s29, s16, $0xb8;
	[tilespmem:$0x1E400] =	vst v63  }
0x28: {  	_ =	swait.ge [sflag:s14], $0x4000  }
0x29: {  	[sflag:s14] =	ssyncset.done $0x0  }
0x2a: {  	s30 =	simm.s32 $0x1500;
	[sflag:s14] =	ssyncadd.s32 $0xFFFFC000  }
0x2b: {  	[tilespmem:s17], [sflag:$0x1] =	stream.indirect.gather [hbm4b:s1+s16], $0x80, s30, s16, $0xb8;
	[tilespmem:$0x1E400] =	vst v63  }
0x2c: {  	_ =	swait.ge [sflag:s20], $0x4000  }
0x2d: {  	[sflag:s20] =	ssyncset.done $0x0  }
0x2e: {  	s31 =	simm.s32 $0x80;
	[sflag:s20] =	ssyncadd.s32 $0xFFFFC000  }
0x2f: {  	[spmem:s3] =	stream.indirect.scatter.add.f32 [tilespmem:s18], [sflag:$0x3], $0x80, s31, s16, $0xb8;
	[tilespmem:$0x1E400] =	vst v63  }
0x30: {  	_ =	swait.ge [sflag:s14], $0x4000  }
0x31: {  	s28 =	simm.s32 $0x800;
	s26 =	simm.s32 $0x100;
	[sflag:s14] =	ssyncset.done $0x0  }
.LBB2_2:
0x32: {  	s29 =	sadd.s32 $0x1480, s26  }
0x33: {  	[sflag:s14] =	ssyncadd.s32 $0xFFFFC000;
	s30 =	smov.u32 s28;
	s31 =	sadd.s32 $0x400, s28  }
0x34: {  	[tilespmem:s18], [sflag:$0x2] =	stream.indirect.gather [hbm4b:s1+s16], $0x80, s29, s16, $0xb8;
	[tilespmem:$0x1E400] =	vst v63  }
0x35: {  	p1 =	sne.s32 s28, $0x4800;
	_ =	swait.ge [sflag:s19], $0x4000  }
0x36: {  	[sflag:s19] =	ssyncset.done $0x0  }
0x37: {  	[sflag:s19] =	ssyncadd.s32 $0xFFFFC000  }
0x38: {  	[spmem:s3] =	stream.indirect.scatter.add.f32 [tilespmem:s17], [sflag:$0x3], $0x80, s26, s16, $0xb8;
	[tilespmem:$0x1E400] =	vst v63  }
0x39: {  	_ =	swait.ge [sflag:s14], $0x4000  }
0x3a: {  	[sflag:s14] =	ssyncset.done $0x0  }
0x3b: {  	s28 =	sadd.s32 $0x1500, s26;
	[sflag:s14] =	ssyncadd.s32 $0xFFFFC000  }
0x3c: {  	[tilespmem:s17], [sflag:$0x1] =	stream.indirect.gather [hbm4b:s1+s16], $0x80, s28, s16, $0xb8;
	[tilespmem:$0x1E400] =	vst v63  }
0x3d: {  	_ =	swait.ge [sflag:s20], $0x4000  }
.Ltmp0:
0x3e: {  	[sflag:s20] =	ssyncset.done $0x0;
	(pc) =	sbr.rel @p1 .LBB2_2-.Ltmp0, $4  }
0x3f: {  	s26 =	sadd.s32 $0x80, s26;
	[sflag:s20] =	ssyncadd.s32 $0xFFFFC000  }
0x40: {  	[spmem:s3] =	stream.indirect.scatter.add.f32 [tilespmem:s18], [sflag:$0x3], $0x80, s26, s16, $0xb8;
	[tilespmem:$0x1E400] =	vst v63  }
0x41: {  	_ =	swait.ge [sflag:s14], $0x4000  }
0x42: {  	s28 =	smov.u32 s31;
	s26 =	sshra.s32 s30, $0x2;
	[sflag:s14] =	ssyncset.done $0x0  }
0x43: {  	s28 =	sadd.s32 $0x1480, s26;
	[sflag:s14] =	ssyncadd.s32 $0xFFFFC000  }
0x44: {  	[tilespmem:s18], [sflag:$0x2] =	stream.indirect.gather [hbm4b:s1+s16], $0x80, s28, s16, $0xb8;
	[tilespmem:$0x1E400] =	vst v63  }
0x45: {  	_ =	swait.ge [sflag:s19], $0x4000  }
0x46: {  	[sflag:s19] =	ssyncset.done $0x0  }
0x47: {  	[sflag:s19] =	ssyncadd.s32 $0xFFFFC000  }
0x48: {  	[spmem:s3] =	stream.indirect.scatter.add.f32 [tilespmem:s17], [sflag:$0x3], $0x80, s26, s16, $0xb8;
	[tilespmem:$0x1E400] =	vst v63  }
0x49: {  	_ =	swait.ge [sflag:s14], $0x4000  }
0x4a: {  	[sflag:s14] =	ssyncset.done $0x0  }
0x4b: {  	s30 =	sadd.s32 $0x1500, s26;
	[sflag:s14] =	ssyncadd.s32 $0xFFFFC000  }
0x4c: {  	[tilespmem:s17], [sflag:$0x1] =	stream.indirect.gather [hbm4b:s1+s16], $0x80, s30, s16, $0xb8;
	[tilespmem:$0x1E400] =	vst v63  }
0x4d: {  	_ =	swait.ge [sflag:s20], $0x4000  }
0x4e: {  	[sflag:s20] =	ssyncset.done $0x0  }
0x4f: {  	s31 =	sadd.s32 $0x80, s26;
	[sflag:s20] =	ssyncadd.s32 $0xFFFFC000  }
0x50: {  	[spmem:s3] =	stream.indirect.scatter.add.f32 [tilespmem:s18], [sflag:$0x3], $0x80, s31, s16, $0xb8;
	[tilespmem:$0x1E400] =	vst v63  }
0x51: {  	_ =	swait.ge [sflag:s14], $0x4000  }
0x52: {  	[sflag:s14] =	ssyncset.done $0x0  }
0x53: {  	[sflag:s14] =	ssyncadd.s32 $0xFFFFC000  }
0x54: {  	[tilespmem:s18], [sflag:$0x2] =	stream.indirect.gather [hbm4b:s1+s16], $0x80, s21, s16, $0xb8;
	[tilespmem:$0x1E400] =	vst v63  }
0x55: {  	_ =	swait.ge [sflag:s19], $0x4000  }
0x56: {  	[sflag:s19] =	ssyncset.done $0x0  }
0x57: {  	[sflag:s19] =	ssyncadd.s32 $0xFFFFC000  }
0x58: {  	[spmem:s3] =	stream.indirect.scatter.add.f32 [tilespmem:s17], [sflag:$0x3], $0x80, s22, s16, $0xb8;
	[tilespmem:$0x1E400] =	vst v63  }
0x59: {  	_ =	swait.ge [sflag:s14], $0x4000  }
0x5a: {  	[sflag:s14] =	ssyncset.done $0x0  }
0x5b: {  	[sflag:s14] =	ssyncadd.s32 $0xFFFFC000  }
0x5c: {  	_ =	swait.ge [sflag:s20], $0x4000  }
0x5d: {  	[sflag:s20] =	ssyncset.done $0x0  }
0x5e: {  	[sflag:s20] =	ssyncadd.s32 $0xFFFFC000  }
0x5f: {  	[spmem:s3] =	stream.indirect.scatter.add.f32 [tilespmem:s18], [sflag:$0x3], $0x80, s23, s16, $0xb8;
	[tilespmem:$0x1E400] =	vst v63  }
0x60: {  	_ =	swait.ge [sflag:s14], $0x4000  }
0x61: {  	[sflag:s14] =	ssyncset.done $0x0  }
0x62: {  	[sflag:s14] =	ssyncadd.s32 $0xFFFFC000  }
0x63: {  	s26 =	simm.s32 @p0 $0x3;
	[bflag:$0x0] =	sbarrier.arrive $0xFFFF  }
0x64: {  	[hbm:s11], [sflag:s7] =	dma.local @p0 [spmem:s24], $0x2080  }
0x65: {  	_ =	swait.ge @p0 [sflag:s26], $0x2080  }
0x66: {  	s25 =	sadd.s32 $0x1, s25;
	[sflag:s26] =	ssyncset.done @p0 $0x0  }
0x67: {  	p1 =	sne.s32 s25, s12;
	[sflag:s26] =	ssyncadd.s32 @p0 $0xFFFFDF80;
	s26 =	sshrl.u32 @!p0 s6, $0x3  }
0x68: {  	[hbm:s10], [sflag:s7] =	dma.local @!p0 [spmem:s26], $0x2780  }
.Ltmp1:
0x69: {  	_ = 	snop;
	(pc) =	sbr.rel @p1 .LBB2_1-.Ltmp1, $4  }
0x6a: {  	s26 =	simm.s32 @!p0 $0x3  }
0x6b: {  	_ =	swait.ge @!p0 [sflag:s26], $0x2780  }
0x6c: {  	[sflag:s26] =	ssyncset.done @!p0 $0x0  }
0x6d: {  	[sflag:s26] =	ssyncadd.s32 @!p0 $0xFFFFD880  }
0x6e: {  	_ =	sfence.sel $0x180000  }
0x6f: {  	[bflag:$0x0] =	sbarrier.arrive $0xFFFF  }
0x70: {  	p0 =	sne.s32 s0, $0x0;
	_ =	strace $0x90000047  }
0x71: {  	s0 =	sadd.s32 @!p0 $0x100000, s2;
	[bflag:$0x2] =	sbarrier.arrive $0xFFFF  }
0x72: {  	[sflag:s0] =	ssyncadd.tile.s32 @!p0 $0x1;
	_ =	shalt  }
.Lfunc_end2:
_tile_overlayer_lowered:
.L_overlay_start_2:
0x73: {  	(tag) =	ssettag $0x2  }
0x74: {  	s0 =	rddreg [dreg:$0x0];
	s2 =	stileid.u32  }
0x75: {  	s1 =	rddreg [dreg:$0x1];
	p0 =	sne.s32 s2, $0x0  }
0x76: {  	s3 =	rddreg [dreg:$0x2];
	[bflag:$0x3] =	sbarrier.arrive $0xFFFF;
	s2 =	simm.s32 @!p0 $0x1C03  }
0x77: {  	[timem:s3], [sflag:s2] =	dma.local @!p0 [hbm:s0], s1  }
0x78: {  	s0 =	simm.s32 @!p0 $0x3  }
0x79: {  	_ =	swait.ge @!p0 [sflag:s0], s1  }
0x7a: {  	s1 =	ssub.s32 @!p0 $0x0, s1;
	[sflag:s0] =	ssyncset.done @!p0 $0x0  }
0x7b: {  	[sflag:s0] =	ssyncadd.s32 @!p0 s1  }
0x7c: {  	[bflag:$0x3] =	sbarrier.arrive $0xFFFF  }
0x7d: {  	_ =	shalt  }

// kernel: scalar_edge_pass.3.cloned.1.call-start
scs
__scs_entry_jumppad:
0x0: {  	(pc) =	sbr.rel $0x88, $3  }
0x1: {  	(tag) =	ssettag $0x0;
	lr =	simm.s32 $0x1  }
0x2: {  	[smem:$0x3F8D] =	sst lr;
	_ =	strace $0xD0000000  }
0x3: {  	_ = 	snop  }
0x4: {  	_ = 	snop  }
0x5: {  	_ = 	snop  }
0x6: {  	_ = 	snop  }
0x7: {  	_ = 	snop  }
__scs_overlays_trampoline_lowered:
0x8: {  	[smem:$0x3F9C] =	sst s0  }
0x9: {  	[smem:$0x3F9D] =	sst s1  }
0xa: {  	[smem:$0x3F9E] =	sst s2  }
0xb: {  	[smem:$0x3F9F] =	sst s3  }
0xc: {  	[smem:$0x3FA0] =	sst s4  }
0xd: {  	[smem:$0x3FA1] =	sst s5  }
0xe: {  	[smem:$0x3FA2] =	sst s6  }
0xf: {  	[smem:$0x3FA3] =	sst s7  }
0x10: {  	[smem:$0x3FA4] =	sst s8  }
0x11: {  	[smem:$0x3FA5] =	sst s9;
	s0 =	simm.s32 @!p0 $0x0  }
0x12: {  	s1 =	sld [smem:$0x3F8B];
	s0 =	simm.s32 @p0 $0x1  }
0x13: {  	[smem:$0x3FA6] =	sst s0;
	s0 =	simm.s32 @!p1 $0x0  }
0x14: {  	s2 =	sld [smem:$0x3F8A];
	s0 =	simm.s32 @p1 $0x1  }
0x15: {  	[smem:$0x3FA7] =	sst s0;
	s0 =	simm.s32 @!p2 $0x0  }
0x16: {  	s3 =	sld [smem:$0x3FDB];
	s0 =	simm.s32 @p2 $0x1  }
0x17: {  	s4 =	simm.s32 $0x1BF5;
	[smem:$0x3FA9] =	sst s0  }
0x18: {  	s0 =	sld [smem:$0x3F8C];
	_ =	swait.ge [sflag:s4], $0x0  }
0x19: {  	s7 =	sld [smem:$0x3F8D]  }
0x1a: {  	s8 =	sadd.s32 $0xFFFFE003, lr  }
0x1b: {  	s9 =	sadd.s32 $0xFFFFFEF7, lr;
	s5 =	simm.s32 $0xFFFFFFFF;
	p2 =	slt.u32 s8, $0xFFFFF086  }
0x1c: {  	p1 =	slt.u32 s9, $0xF7A;
	s5 =	simm.s32 @!p2 $0x0  }
0x1d: {  	s5 =	simm.s32 @p1 $0x1;
	p0 =	seq.s32 s7, s2  }
0x1e: {  	s7 =	smul.u32 @!p0 $0xF7A, s2;
	p2 =	seq.s32 @!p0 s5, $0x0  }
0x1f: {  	s9 =	smul.u32 $0xF7A, s1;
	s8 =	simm.s32 @!p0 $0x1BF5;
	p2 =	por !p2, p0  }
0x20: {  	[sflag:s8] =	ssyncset.s32 @!p0 $0xFFFFF086;
	s6 =	sadd.s32 @!p0 s3, s7;
	s7 =	simm.s32 @!p0 $0x108  }
0x21: {  	s3 =	sadd.s32 s3, s9;
	s6 =	sadd.s32 @!p0 $0x88, s6;
	s7 =	simm.s32 @p2 $0x1082  }
0x22: {  	[simem:s7], [sflag:s8] =	dma.local @!p0 [hbm:s6], $0xF7A  }
0x23: {  	s9 =	sor.u32 $0xD0000000, s2;
	s6 =	simm.s32 $0x108;
	_ =	swait.ge @!p0 [sflag:s8], $0x0  }
0x24: {  	s3 =	sadd.s32 $0x88, s3;
	s6 =	simm.s32 @!p1 $0x1082;
	[sflag:s4] =	ssyncset.s32 $0xFFFFF086  }
0x25: {  	[simem:s6], [sflag:s4] =	dma.local [hbm:s3], $0xF7A  }
0x26: {  	[smem:$0x3F8D] =	sst s1;
	(tag) =	ssettag s2;
	_ =	strace s9  }
0x27: {  	s1 =	sld [smem:$0x3F9D]  }
0x28: {  	s2 =	sld [smem:$0x3F9E]  }
0x29: {  	s4 =	sld [smem:$0x3FA0]  }
0x2a: {  	p0 =	seq.s32 s5, $0x0;
	s5 =	sld [smem:$0x3FA1]  }
0x2b: {  	s6 =	sld [smem:$0x3FA2]  }
0x2c: {  	s7 =	sld [smem:$0x3FA3]  }
0x2d: {  	s3 =	simm.s32 $0x108;
	s8 =	sld [smem:$0x3FA4]  }
0x2e: {  	s3 =	simm.s32 @!p0 $0x1082;
	s9 =	sld [smem:$0x3FA5]  }
0x2f: {  	lr =	sadd.s32 s0, s3;
	s0 =	sld [smem:$0x3F9C]  }
0x30: {  	s3 =	sld [smem:$0x3F9F]  }
0x31: {  	[smem:$0x3FA8] =	sst s10  }
0x32: {  	s10 =	sld [smem:$0x3FA6];
	_ =	sdelay $0x3  }
0x33: {  	p0 =	seq.s32 s10, $0x1;
	s10 =	sld [smem:$0x3FA8];
	_ =	sdelay $0x3  }
0x34: {  	[smem:$0x3FA8] =	sst s10  }
0x35: {  	s10 =	sld [smem:$0x3FA7];
	_ =	sdelay $0x3  }
0x36: {  	p1 =	seq.s32 s10, $0x1;
	s10 =	sld [smem:$0x3FA8];
	_ =	sdelay $0x3  }
0x37: {  	[smem:$0x3FA8] =	sst s10  }
0x38: {  	s10 =	sld [smem:$0x3FA9]  }
0x39: {  	_ = 	snop;
	(pc) =	sbr.ind lr, $3  }
0x3a: {  	_ = 	snop  }
0x3b: {  	_ = 	snop  }
0x3c: {  	p2 =	seq.s32 s10, $0x1;
	s10 =	sld [smem:$0x3FA8]  }
0x3d: {  	_ =	shalt  }
0x3e: {  	_ =	shalt  }
0x3f: {  	_ =	shalt  }
0x40: {  	_ =	shalt  }
0x41: {  	_ =	shalt  }
0x42: {  	_ =	shalt  }
0x43: {  	_ =	shalt  }
0x44: {  	_ =	shalt  }
0x45: {  	_ =	shalt  }
0x46: {  	_ =	shalt  }
0x47: {  	_ =	shalt  }
0x48: {  	_ =	shalt  }
0x49: {  	_ =	shalt  }
0x4a: {  	_ =	shalt  }
0x4b: {  	_ =	shalt  }
0x4c: {  	_ =	shalt  }
0x4d: {  	_ =	shalt  }
0x4e: {  	_ =	shalt  }
0x4f: {  	_ =	shalt  }
0x50: {  	_ =	shalt  }
0x51: {  	_ =	shalt  }
0x52: {  	_ =	shalt  }
0x53: {  	_ =	shalt  }
0x54: {  	_ =	shalt  }
0x55: {  	_ =	shalt  }
0x56: {  	_ =	shalt  }
0x57: {  	_ =	shalt  }
0x58: {  	_ =	shalt  }
0x59: {  	_ =	shalt  }
0x5a: {  	_ =	shalt  }
0x5b: {  	_ =	shalt  }
0x5c: {  	_ =	shalt  }
0x5d: {  	_ =	shalt  }
0x5e: {  	_ =	shalt  }
0x5f: {  	_ =	shalt  }
0x60: {  	_ =	shalt  }
0x61: {  	_ =	shalt  }
0x62: {  	_ =	shalt  }
0x63: {  	_ =	shalt  }
0x64: {  	_ =	shalt  }
0x65: {  	_ =	shalt  }
0x66: {  	_ =	shalt  }
0x67: {  	_ =	shalt  }
0x68: {  	_ =	shalt  }
0x69: {  	_ =	shalt  }
0x6a: {  	_ =	shalt  }
0x6b: {  	_ =	shalt  }
0x6c: {  	_ =	shalt  }
0x6d: {  	_ =	shalt  }
0x6e: {  	_ =	shalt  }
0x6f: {  	_ =	shalt  }
0x70: {  	_ =	shalt  }
0x71: {  	_ =	shalt  }
0x72: {  	_ =	shalt  }
0x73: {  	_ =	shalt  }
0x74: {  	_ =	shalt  }
0x75: {  	_ =	shalt  }
0x76: {  	_ =	shalt  }
0x77: {  	_ =	shalt  }
0x78: {  	_ =	shalt  }
0x79: {  	_ =	shalt  }
0x7a: {  	_ =	shalt  }
0x7b: {  	_ =	shalt  }
0x7c: {  	_ =	shalt  }
0x7d: {  	_ =	shalt  }
0x7e: {  	_ =	shalt  }
0x7f: {  	_ =	shalt  }
0x80: {  	_ =	shalt  }
0x81: {  	_ =	shalt  }
0x82: {  	_ =	shalt  }
0x83: {  	_ =	shalt  }
0x84: {  	_ =	shalt  }
0x85: {  	_ =	shalt  }
0x86: {  	_ =	shalt  }
0x87: {  	_ =	shalt  }
.Lfunc_end0:
.L_simem_size_0:
called_computation.2_lowered:
.L_overlay_start_0:
0x88: {  	s2 =	sld [smem:$0x3FD9]  }
0x89: {  	s3 =	sld [smem:$0x3FFE];
	_ =	sdelay $0x1  }
0x8a: {  	s1 =	srdreg.scid  }
0x8b: {  	s0 =	sand.u32 $0x1, s1  }
0x8c: {  	s15 =	sshll.u32 s0, $0xA;
	s2 =	sadd.s32 s3, s2  }
0x8d: {  	s2 =	sadd.s32 s2, s15  }
0x8e: {  	[smem:$0x3FB4] =	sst s2  }
0x8f: {  	_ = 	snop  }
0x90: {  	s2 =	sld [smem:$0x3FD0];
	_ =	sdelay $0x2  }
0x91: {  	s16 =	simm.s32 $0xB;
	s4 =	simm.s32 $0x10  }
0x92: {  	[smem:s4], [sflag:s16] =	dma.local [hbm:s2], $0x1  }
0x93: {  	_ =	swait.eq [sflag:s16], $0x1  }
0x94: {  	[sflag:s16] =	ssyncset.done $0x0  }
0x95: {  	[sflag:s16] =	ssyncadd.s32 $0xFFFFFFFF  }
0x96: {  	s17 =	sld [smem:$0x11];
	(tm) =	ssettm $0x1  }
0x97: {  	s18 =	sld [smem:$0x3FFB];
	_ =	sdelay $0x3  }
0x98: {  	_ =	strace s18  }
0x99: {  	s2 =	sld [smem:$0x3FFC];
	_ =	sdelay $0x3  }
0x9a: {  	_ =	strace s2  }
0x9b: {  	s2 =	sld [smem:$0x3FFD];
	_ =	sdelay $0x3  }
0x9c: {  	_ =	strace s2  }
0x9d: {  	_ =	strace $0x8FFFFFFF  }
0x9e: {  	s19 =	sld [smem:$0x3FDB];
	_ =	sdelay $0x1  }
0x9f: {  	s20 =	simm.s32 $_scs_section_size  }
0xa0: {  	s5 =	simm.s32 $_size__tile_overlayer_lowered;
	s6 =	simm.s32 $_tile_overlayer_lowered  }
0xa1: {  	s7 =	simm.s32 $0x1BFF;
	s21 =	sshll.u32 s6, $0x1;
	s4 =	sadd.s32 s20, s19  }
0xa2: {  	s22 =	simm.s32 $0x0;
	s5 =	sshll.u32 s5, $0x1;
	s6 =	sadd.s32 s21, s4  }
0xa3: {  	[timem:s22], [sflag:s7] =	dma.local [hbm:s6], s5  }
0xa4: {  	_ =	swait.ge [sflag:s7], s5  }
0xa5: {  	s5 =	ssub.s32 $0x0, s5;
	[sflag:s7] =	ssyncset.done $0x0  }
0xa6: {  	[sflag:s7] =	ssyncadd.s32 s5;
	_ =	sdelay $0x1  }
0xa7: {  	s23 =	simm.s32 $0x1B8B  }
0xa8: {  	_ =	swait.ge [sflag:s23], $0x1  }
0xa9: {  	[sflag:s23] =	ssyncset.done $0x0  }
0xaa: {  	[sflag:s23] =	ssyncadd.s32 $0xFFFFFFFF  }
0xab: {  	s5 =	sld [smem:$0x0]  }
0xac: {  	s6 =	sand.u32 $0xFFFFFFFE, s1  }
0xad: {  	p0 =	sne.s32 s1, s6  }
0xae: {  	s6 =	sshll.u32 @p0 s6, $0xE  }
0xaf: {  	s6 =	sadd.s32 @p0 $0x11B8D, s6;
	s7 =	sshll.u32 @p0 s5, $0x11  }
0xb0: {  	s6 =	sor.u32 @p0 s7, s6  }
0xb1: {  	[sflag:s6] =	ssyncadd.remote.s32 @p0 $0x1;
	_ =	sdelay $0x1  }
0xb2: {  	s6 =	simm.s32 @p0 $0x1B8D  }
0xb3: {  	_ =	swait.eq @p0 [sflag:s6], $0x1  }
0xb4: {  	[sflag:s6] =	ssyncadd.s32 @p0 $0xFFFFFFFF  }
0xb5: {  	s7 =	sshll.u32 @!p0 s1, $0xE  }
0xb6: {  	s7 =	sor.u32 @!p0 $0x4000, s7;
	s6 =	simm.s32 @!p0 $0x1B8D  }
0xb7: {  	s5 =	sshll.u32 @!p0 s5, $0x11;
	s7 =	sadd.s32 @!p0 $0x11B8D, s7;
	_ =	swait.eq @!p0 [sflag:s6], $0x1  }
0xb8: {  	s5 =	sor.u32 @!p0 s5, s7;
	[sflag:s6] =	ssyncadd.s32 @!p0 $0xFFFFFFFF  }
0xb9: {  	s25 =	simm.s32 $0x1B8E;
	s24 =	sld [smem:$0x3FFE];
	[sflag:s5] =	ssyncadd.remote.s32 @!p0 $0x1  }
0xba: {  	s26 =	simm.s32 $execute0_lowered;
	[smem:$0x3FD2] =	sst s25  }
0xbb: {  	s6 =	sshll.u32 s26, $0x1;
	_ =	strace $0x8000004C;
	[dreg:$0x1] =	wrdreg $0xFFFFFFFF  }
0xbc: {  	s28 =	simm.s32 $_size_execute0_lowered;
	s4 =	sadd.s32 s4, s6;
	[dreg:$0x0] =	wrdreg $0x0  }
0xbd: {  	s6 =	sshll.u32 s28, $0x1;
	[dreg:$0x2] =	wrdreg s4  }
0xbe: {  	[dreg:$0x3] =	wrdreg s6  }
0xbf: {  	[dreg:$0x4] =	wrdreg $0xC0  }
0xc0: {  	_ =	task [dreg:s22], $0x5FFFF  }
0xc1: {  	[dreg:$0x1] =	wrdreg $0xFFFFFFFF  }
0xc2: {  	[dreg:$0x0] =	wrdreg $0x60  }
0xc3: {  	[dreg:$0x2] =	wrdreg s24  }
0xc4: {  	[dreg:$0x3] =	wrdreg s17  }
0xc5: {  	[dreg:$0x4] =	wrdreg $0xA8000  }
0xc6: {  	[dreg:$0x5] =	wrdreg $0xA  }
0xc7: {  	_ =	task.clear_ibuf [dreg:s22], $0x6FFFF;
	_ =	strace $0x9000004C  }
0xc8: {  	s29 =	simm.s32 $0xA;
	_ =	strace $0x8000004E  }
0xc9: {  	_ =	swait.ge [sflag:s29], $0x1  }
0xca: {  	[sflag:s29] =	ssyncadd.s32 $0xFFFFFFFF  }
0xcb: {  	_ =	strace $0x9000004E  }
0xcc: {  	_ =	sfence  }
0xcd: {  	s30 =	sld [smem:$0x0];
	_ =	sdelay $0x2  }
0xce: {  	s31 =	sshll.u32 s1, $0xD;
	s1 =	sshrl.u32 s1, $0x2  }
0xcf: {  	s4 =	sand.u32 $0x4000, s31;
	s1 =	sadd.s32 s1, s30  }
0xd0: {  	s0 =	sor.u32 s4, s0;
	s1 =	sshll.u32 s1, $0x11  }
0xd1: {  	s0 =	sor.u32 s1, s0  }
0xd2: {  	s0 =	sadd.s32 $0x8F2B, s0  }
0xd3: {  	[sflag:s0] =	ssyncadd.remote.s32 $0x1  }
0xd4: {  	_ =	sfence.sel $0xFFFF  }
0xd5: {  	[dreg:$0x0] =	wrdreg $0xFFFFFFFF;
	(pc) =	sbr.abs _section_cstart, $3  }
0xd6: {  	[dreg:$0x1] =	wrdreg $0xFFFFFFFF  }
0xd7: {  	_ =	task.clear_ibuf [dreg:s22], $0x2FFFF;
	_ =	strace $0x9FFFFFFF  }
0xd8: {  	(tm) =	ssettm $0x7FFFFFFF  }
0xd9: {  	_ =	shalt  }
tec
execute0_lowered:
.L_overlay_start_1:
0x0: {  	(tag) =	ssettag $0x1  }
0x1: {  	s6 =	rddreg [dreg:$0x0]  }
0x2: {  	s8 =	rddreg [dreg:$0x1]  }
0x3: {  	s0 =	srdreg.scid;
	s2 =	rddreg [dreg:$0x2]  }
0x4: {  	s1 =	stileid.u32;
	s3 =	simm.s32 $0x0;
	s17 =	simm.s32 $0x2800  }
0x5: {  	s18 =	simm.s32 $0x6800;
	s19 =	simm.s32 $0x1;
	s20 =	simm.s32 $0x2  }
0x6: {  	s21 =	simm.s32 $0x2780;
	s22 =	simm.s32 $0x1300;
	s23 =	simm.s32 $0x1380  }
0x7: {  	s7 =	sand.u32 $0x1, s0;
	s0 =	rddreg [dreg:$0x3];
	s5 =	smul.u32 $0x1400, s1  }
0x8: {  	[smem:$0x7FF] =	sst s3;
	s12 =	smul.u32 $0x4F000, s1;
	s13 =	sadd.s32 $0x126400, s6  }
0x9: {  	s26 =	sshll.u32 s1, $0x6;
	s15 =	smul.u32 $0x13C00, s1;
	p0 =	seq.s32 s1, $0xF  }
0xa: {  	s4 =	smul.u32 $0x14000, s7;
	_ =	strace $0x8000004D;
	s11 =	ssub.s32 $0x2, s7  }
0xb: {  	s14 =	smul.u32 $0x138800, s7;
	s7 =	sor.u32 $0x1C03, s26;
	s24 =	sshrl.u32 s11, $0x1  }
0xc: {  	s25 =	sshrl.u32 s12, $0x2;
	s9 =	sadd.s32 s5, s4;
	s4 =	sadd.s32 $0x62000, s6  }
0xd: {  	s5 =	sadd.s32 $0x11600, s6;
	s16 =	ssub.s32 s11, s24;
	s28 =	sadd.s32 s15, s14  }
0xe: {  	s29 =	sshrl.u32 s14, $0x3;
	s24 =	sadd.s32 $0x128400, s2;
	s14 =	simm.s32 $0x3  }
0xf: {  	s15 =	simm.s32 $0x1400;
	s9 =	sshrl.u32 s9, $0x3;
	s30 =	sshrl.u32 s28, $0x3  }
0x10: {  	s31 =	sadd.s32 s13, s29;
	s12 =	smax.u32 s16, $0x1;
	s16 =	simm.s32 $0x80  }
0x11: {  	s24 =	sshrl.u32 @p0 s24, $0x3;
	s10 =	sadd.s32 s9, s6;
	s6 =	sadd.s32 s25, s2  }
0x12: {  	s8 =	sadd.s32 s8, s9;
	s11 =	sadd.s32 $0x25080, s31;
	s25 =	simm.s32 $0x0  }
0x13: {  	s9 =	sadd.s32 $0xC600, s10;
	s10 =	sadd.s32 s13, s30;
	s13 =	sshrl.u32 s6, $0x3  }
.LBB2_1:
0x14: {  	[spmem:s13], [sflag:s7] =	dma.local [hbm:s5], $0x2780  }
0x15: {  	_ =	swait.ge [sflag:s14], $0x2780  }
0x16: {  	[sflag:s14] =	ssyncset.done $0x0  }
0x17: {  	[sflag:s14] =	ssyncadd.s32 $0xFFFFD880  }
0x18: {  	[bflag:$0x0] =	sbarrier.arrive $0xFFFF  }
0x19: {  	[tilespmem:s3], [sflag:$0x3] =	stream.linear.gather [hbm4b:s8+s3], $0x1400, $0x38;
	[tilespmem:$0x1E400] =	vst v63  }
0x1a: {  	_ =	swait.ge [sflag:s14], $0x1400  }
0x1b: {  	[sflag:s14] =	ssyncset.done $0x0  }
0x1c: {  	[sflag:s14] =	ssyncadd.s32 $0xFFFFEC00  }
0x1d: {  	[tilespmem:s15], [sflag:$0x3] =	stream.linear.gather [hbm4b:s9+s3], $0x1400, $0x38;
	[tilespmem:$0x1E400] =	vst v63  }
0x1e: {  	_ =	swait.ge [sflag:s14], $0x1400  }
0x1f: {  	[sflag:s14] =	ssyncset.done $0x0  }
0x20: {  	[sflag:s14] =	ssyncadd.s32 $0xFFFFEC00  }
0x21: {  	[tilespmem:s17], [sflag:$0x1] =	stream.indirect.gather [hbm4b:s4+s16], $0x80, s15, s16, $0xb8;
	[tilespmem:$0x1E400] =	vst v63  }
0x22: {  	s26 =	simm.s32 $0x1480  }
0x23: {  	[tilespmem:s18], [sflag:$0x2] =	stream.indirect.gather [hbm4b:s4+s16], $0x80, s26, s16, $0xb8;
	[tilespmem:$0x1E400] =	vst v63  }
0x24: {  	_ =	swait.ge [sflag:s19], $0x4000  }
0x25: {  	[sflag:s19] =	ssyncset.done $0x0  }
0x26: {  	s29 =	simm.s32 $0x0;
	[sflag:s19] =	ssyncadd.s32 $0xFFFFC000  }
0x27: {  	[spmem:s2] =	stream.indirect.scatter.add.f32 [tilespmem:s17], [sflag:$0x3], $0x80, s29, s16, $0xb8;
	[tilespmem:$0x1E400] =	vst v63  }
0x28: {  	_ =	swait.ge [sflag:s14], $0x4000  }
0x29: {  	[sflag:s14] =	ssyncset.done $0x0  }
0x2a: {  	s30 =	simm.s32 $0x1500;
	[sflag:s14] =	ssyncadd.s32 $0xFFFFC000  }
0x2b: {  	[tilespmem:s17], [sflag:$0x1] =	stream.indirect.gather [hbm4b:s4+s16], $0x80, s30, s16, $0xb8;
	[tilespmem:$0x1E400] =	vst v63  }
0x2c: {  	_ =	swait.ge [sflag:s20], $0x4000  }
0x2d: {  	[sflag:s20] =	ssyncset.done $0x0  }
0x2e: {  	s31 =	simm.s32 $0x80;
	[sflag:s20] =	ssyncadd.s32 $0xFFFFC000  }
0x2f: {  	[spmem:s2] =	stream.indirect.scatter.add.f32 [tilespmem:s18], [sflag:$0x3], $0x80, s31, s16, $0xb8;
	[tilespmem:$0x1E400] =	vst v63  }
0x30: {  	_ =	swait.ge [sflag:s14], $0x4000  }
0x31: {  	s28 =	simm.s32 $0x800;
	s26 =	simm.s32 $0x100;
	[sflag:s14] =	ssyncset.done $0x0  }
.LBB2_2:
0x32: {  	s29 =	sadd.s32 $0x1480, s26  }
0x33: {  	[sflag:s14] =	ssyncadd.s32 $0xFFFFC000;
	s30 =	smov.u32 s28;
	s31 =	sadd.s32 $0x400, s28  }
0x34: {  	[tilespmem:s18], [sflag:$0x2] =	stream.indirect.gather [hbm4b:s4+s16], $0x80, s29, s16, $0xb8;
	[tilespmem:$0x1E400] =	vst v63  }
0x35: {  	p1 =	sne.s32 s28, $0x4800;
	_ =	swait.ge [sflag:s19], $0x4000  }
0x36: {  	[sflag:s19] =	ssyncset.done $0x0  }
0x37: {  	[sflag:s19] =	ssyncadd.s32 $0xFFFFC000  }
0x38: {  	[spmem:s2] =	stream.indirect.scatter.add.f32 [tilespmem:s17], [sflag:$0x3], $0x80, s26, s16, $0xb8;
	[tilespmem:$0x1E400] =	vst v63  }
0x39: {  	_ =	swait.ge [sflag:s14], $0x4000  }
0x3a: {  	[sflag:s14] =	ssyncset.done $0x0  }
0x3b: {  	s28 =	sadd.s32 $0x1500, s26;
	[sflag:s14] =	ssyncadd.s32 $0xFFFFC000  }
0x3c: {  	[tilespmem:s17], [sflag:$0x1] =	stream.indirect.gather [hbm4b:s4+s16], $0x80, s28, s16, $0xb8;
	[tilespmem:$0x1E400] =	vst v63  }
0x3d: {  	_ =	swait.ge [sflag:s20], $0x4000  }
.Ltmp0:
0x3e: {  	[sflag:s20] =	ssyncset.done $0x0;
	(pc) =	sbr.rel @p1 .LBB2_2-.Ltmp0, $4  }
0x3f: {  	s26 =	sadd.s32 $0x80, s26;
	[sflag:s20] =	ssyncadd.s32 $0xFFFFC000  }
0x40: {  	[spmem:s2] =	stream.indirect.scatter.add.f32 [tilespmem:s18], [sflag:$0x3], $0x80, s26, s16, $0xb8;
	[tilespmem:$0x1E400] =	vst v63  }
0x41: {  	_ =	swait.ge [sflag:s14], $0x4000  }
0x42: {  	s28 =	smov.u32 s31;
	s26 =	sshra.s32 s30, $0x2;
	[sflag:s14] =	ssyncset.done $0x0  }
0x43: {  	s28 =	sadd.s32 $0x1480, s26;
	[sflag:s14] =	ssyncadd.s32 $0xFFFFC000  }
0x44: {  	[tilespmem:s18], [sflag:$0x2] =	stream.indirect.gather [hbm4b:s4+s16], $0x80, s28, s16, $0xb8;
	[tilespmem:$0x1E400] =	vst v63  }
0x45: {  	_ =	swait.ge [sflag:s19], $0x4000  }
0x46: {  	[sflag:s19] =	ssyncset.done $0x0  }
0x47: {  	[sflag:s19] =	ssyncadd.s32 $0xFFFFC000  }
0x48: {  	[spmem:s2] =	stream.indirect.scatter.add.f32 [tilespmem:s17], [sflag:$0x3], $0x80, s26, s16, $0xb8;
	[tilespmem:$0x1E400] =	vst v63  }
0x49: {  	_ =	swait.ge [sflag:s14], $0x4000  }
0x4a: {  	[sflag:s14] =	ssyncset.done $0x0  }
0x4b: {  	s30 =	sadd.s32 $0x1500, s26;
	[sflag:s14] =	ssyncadd.s32 $0xFFFFC000  }
0x4c: {  	[tilespmem:s17], [sflag:$0x1] =	stream.indirect.gather [hbm4b:s4+s16], $0x80, s30, s16, $0xb8;
	[tilespmem:$0x1E400] =	vst v63  }
0x4d: {  	_ =	swait.ge [sflag:s20], $0x4000  }
0x4e: {  	[sflag:s20] =	ssyncset.done $0x0  }
0x4f: {  	s31 =	sadd.s32 $0x80, s26;
	[sflag:s20] =	ssyncadd.s32 $0xFFFFC000  }
0x50: {  	[spmem:s2] =	stream.indirect.scatter.add.f32 [tilespmem:s18], [sflag:$0x3], $0x80, s31, s16, $0xb8;
	[tilespmem:$0x1E400] =	vst v63  }
0x51: {  	_ =	swait.ge [sflag:s14], $0x4000  }
0x52: {  	[sflag:s14] =	ssyncset.done $0x0  }
0x53: {  	[sflag:s14] =	ssyncadd.s32 $0xFFFFC000  }
0x54: {  	[tilespmem:s18], [sflag:$0x2] =	stream.indirect.gather [hbm4b:s4+s16], $0x80, s21, s16, $0xb8;
	[tilespmem:$0x1E400] =	vst v63  }
0x55: {  	_ =	swait.ge [sflag:s19], $0x4000  }
0x56: {  	[sflag:s19] =	ssyncset.done $0x0  }
0x57: {  	[sflag:s19] =	ssyncadd.s32 $0xFFFFC000  }
0x58: {  	[spmem:s2] =	stream.indirect.scatter.add.f32 [tilespmem:s17], [sflag:$0x3], $0x80, s22, s16, $0xb8;
	[tilespmem:$0x1E400] =	vst v63  }
0x59: {  	_ =	swait.ge [sflag:s14], $0x4000  }
0x5a: {  	[sflag:s14] =	ssyncset.done $0x0  }
0x5b: {  	[sflag:s14] =	ssyncadd.s32 $0xFFFFC000  }
0x5c: {  	_ =	swait.ge [sflag:s20], $0x4000  }
0x5d: {  	[sflag:s20] =	ssyncset.done $0x0  }
0x5e: {  	[sflag:s20] =	ssyncadd.s32 $0xFFFFC000  }
0x5f: {  	[spmem:s2] =	stream.indirect.scatter.add.f32 [tilespmem:s18], [sflag:$0x3], $0x80, s23, s16, $0xb8;
	[tilespmem:$0x1E400] =	vst v63  }
0x60: {  	_ =	swait.ge [sflag:s14], $0x4000  }
0x61: {  	[sflag:s14] =	ssyncset.done $0x0  }
0x62: {  	[sflag:s14] =	ssyncadd.s32 $0xFFFFC000  }
0x63: {  	s26 =	simm.s32 @p0 $0x3;
	[bflag:$0x0] =	sbarrier.arrive $0xFFFF  }
0x64: {  	[hbm:s11], [sflag:s7] =	dma.local @p0 [spmem:s24], $0x2080  }
0x65: {  	_ =	swait.ge @p0 [sflag:s26], $0x2080  }
0x66: {  	s25 =	sadd.s32 $0x1, s25;
	[sflag:s26] =	ssyncset.done @p0 $0x0  }
0x67: {  	p1 =	sne.s32 s25, s12;
	[sflag:s26] =	ssyncadd.s32 @p0 $0xFFFFDF80;
	s26 =	sshrl.u32 @!p0 s6, $0x3  }
0x68: {  	[hbm:s10], [sflag:s7] =	dma.local @!p0 [spmem:s26], $0x2780  }
.Ltmp1:
0x69: {  	_ = 	snop;
	(pc) =	sbr.rel @p1 .LBB2_1-.Ltmp1, $4  }
0x6a: {  	s26 =	simm.s32 @!p0 $0x3  }
0x6b: {  	_ =	swait.ge @!p0 [sflag:s26], $0x2780  }
0x6c: {  	[sflag:s26] =	ssyncset.done @!p0 $0x0  }
0x6d: {  	[sflag:s26] =	ssyncadd.s32 @!p0 $0xFFFFD880  }
0x6e: {  	_ =	sfence.sel $0x180000  }
0x6f: {  	[bflag:$0x0] =	sbarrier.arrive $0xFFFF  }
0x70: {  	p0 =	sne.s32 s1, $0x0;
	_ =	strace $0x9000004D  }
0x71: {  	s0 =	sadd.s32 @!p0 $0x100000, s0;
	[bflag:$0x2] =	sbarrier.arrive $0xFFFF  }
0x72: {  	[sflag:s0] =	ssyncadd.tile.s32 @!p0 $0x1;
	_ =	shalt  }
.Lfunc_end2:
_tile_overlayer_lowered:
.L_overlay_start_2:
0x73: {  	(tag) =	ssettag $0x2  }
0x74: {  	s0 =	rddreg [dreg:$0x0];
	s2 =	stileid.u32  }
0x75: {  	s1 =	rddreg [dreg:$0x1];
	p0 =	sne.s32 s2, $0x0  }
0x76: {  	s3 =	rddreg [dreg:$0x2];
	[bflag:$0x3] =	sbarrier.arrive $0xFFFF;
	s2 =	simm.s32 @!p0 $0x1C03  }
0x77: {  	[timem:s3], [sflag:s2] =	dma.local @!p0 [hbm:s0], s1  }
0x78: {  	s0 =	simm.s32 @!p0 $0x3  }
0x79: {  	_ =	swait.ge @!p0 [sflag:s0], s1  }
0x7a: {  	s1 =	ssub.s32 @!p0 $0x0, s1;
	[sflag:s0] =	ssyncset.done @!p0 $0x0  }
0x7b: {  	[sflag:s0] =	ssyncadd.s32 @!p0 s1  }
0x7c: {  	[bflag:$0x3] =	sbarrier.arrive $0xFFFF  }
0x7d: {  	_ =	shalt  }

</sc_bundles>
